<compile_context>
chip_gen: v7x
topology: tpu7x:2x2x1
jax: 0.10.2.dev20260603
libtpu: 0.0.44.dev20260713+nightly
codegen_flags: <defaults>
</compile_context>

<pallas_src>
import functools

import jax
import jax.numpy as jnp
from jax import lax
from jax.experimental import pallas as pl
from jax.experimental.pallas import tpu as pltpu
from jax.experimental.pallas import tpu_sc as plsc

N = 10000
E = 160000
G = 64
HH = 128
K = 128
NBATCH = E // K
NSUB = 16
N_PAD = 10240
NPS = N_PAD // NSUB

_mesh = functools.partial(
    plsc.VectorSubcoreMesh, core_axis_name="c", subcore_axis_name="s")


def _sc_hist(dst3d, zeros_hbm, ones_hbm):

  @functools.partial(
      pl.kernel,
      out_type=jax.ShapeDtypeStruct((2 * N_PAD, 128), jnp.float32),
      mesh=_mesh(),
      scratch_types=[
          pltpu.VMEM((1, K), jnp.int32),
          pltpu.VMEM((K, 128), jnp.float32),
          pltpu.VMEM_SHARED((N_PAD, 128), jnp.float32),
      ],
  )
  def hist_kernel(dst_hbm, z_hbm, o_hbm, out, idx_v, ones_v, acc):
    c = lax.axis_index("c")
    s = lax.axis_index("s")
    w = c * NSUB + s

    pltpu.sync_copy(o_hbm, ones_v)

    @pl.loop(0, 5)
    def _(j):
      pltpu.sync_copy(z_hbm, acc.at[pl.ds(s * NPS + j * K, K)])

    plsc.subcore_barrier()

    @pl.loop(0, NBATCH // 32)
    def _(j):
      pltpu.sync_copy(dst_hbm.at[w + 32 * j], idx_v)
      pltpu.sync_copy(ones_v, acc.at[idx_v.at[0]], add=True)

    @pl.when(w < NBATCH - 32 * (NBATCH // 32))
    def _():
      pltpu.sync_copy(dst_hbm.at[w + 32 * (NBATCH // 32)], idx_v)
      pltpu.sync_copy(ones_v, acc.at[idx_v.at[0]], add=True)

    plsc.subcore_barrier()

    pltpu.sync_copy(acc.at[pl.ds(s * NPS, NPS)],
                    out.at[pl.ds(c * N_PAD + s * NPS, NPS)])

  return hist_kernel(dst3d, zeros_hbm, ones_hbm)


def _sc_agg(ys_all, src_both, dst3d, zeros_hbm):

  NJOB = NBATCH // NSUB

  @functools.partial(
      pl.kernel,
      out_type=jax.ShapeDtypeStruct((2 * N_PAD, HH), jnp.float32),
      mesh=_mesh(),
      scratch_types=[
          pltpu.VMEM((1, K), jnp.int32),
          pltpu.VMEM((1, K), jnp.int32),
          pltpu.VMEM((1, K), jnp.int32),
          pltpu.VMEM((1, K), jnp.int32),
          pltpu.VMEM((K, HH), jnp.float32),
          pltpu.VMEM((K, HH), jnp.float32),
          pltpu.SemaphoreType.DMA,
          pltpu.VMEM_SHARED((N_PAD, HH), jnp.float32),
      ],
  )
  def agg_kernel(hh_hbm, src_hbm, dst_hbm, z_hbm, out,
                 idxs0, idxs1, idxd0, idxd1, rows0, rows1, gsem, acc):
    c = lax.axis_index("c")
    s = lax.axis_index("s")
    idxs = (idxs0, idxs1)
    idxd = (idxd0, idxd1)
    rows = (rows0, rows1)

    @pl.loop(0, 5)
    def _(j):
      pltpu.sync_copy(z_hbm, acc.at[pl.ds(s * NPS + j * K, K)])

    def batch_of(j):
      return s + NSUB * j

    plsc.subcore_barrier()

    for p in range(2):
      pltpu.sync_copy(src_hbm.at[c * NBATCH + batch_of(p)], idxs[p])
      pltpu.sync_copy(dst_hbm.at[batch_of(p)], idxd[p])
      pltpu.async_copy(hh_hbm.at[idxs[p].at[0]], rows[p], gsem)

    @pl.loop(0, NJOB // 2)
    def _(j2):
      for p in range(2):
        jj = 2 * j2 + p
        pltpu.make_async_copy(hh_hbm.at[idxs[p].at[0]], rows[p], gsem).wait()
        pltpu.sync_copy(rows[p], acc.at[idxd[p].at[0]], add=True)

        @pl.when(jj + 2 < NJOB)
        def _():
          pltpu.sync_copy(src_hbm.at[c * NBATCH + batch_of(jj + 2)], idxs[p])
          pltpu.sync_copy(dst_hbm.at[batch_of(jj + 2)], idxd[p])
          pltpu.async_copy(hh_hbm.at[idxs[p].at[0]], rows[p], gsem)

    @pl.when(s < NBATCH - NSUB * NJOB)
    def _():
      b = s + NSUB * NJOB
      pltpu.sync_copy(src_hbm.at[c * NBATCH + b], idxs0)
      pltpu.sync_copy(dst_hbm.at[b], idxd0)
      pltpu.sync_copy(hh_hbm.at[idxs0.at[0]], rows0)
      pltpu.sync_copy(rows0, acc.at[idxd0.at[0]], add=True)

    plsc.subcore_barrier()

    pltpu.sync_copy(acc.at[pl.ds(s * NPS, NPS)],
                    out.at[pl.ds(c * N_PAD + s * NPS, NPS)])

  return agg_kernel(ys_all, src_both, dst3d, zeros_hbm)


BLK = 1000


def _dinv_of(h0, h1):
  return lax.rsqrt(h0[:, 0:1] + h1[:, 0:1] + 1.0)


def _tc_layer1(x, W, hist0, hist1):
  def body(x_ref, w_ref, h0_ref, h1_ref, o_ref):
    dinv = _dinv_of(h0_ref[...], h1_ref[...])
    y = jnp.dot(x_ref[...], w_ref[...], preferred_element_type=jnp.float32,
                precision=lax.Precision.HIGHEST)
    o_ref[...] = y * dinv

  return pl.pallas_call(
      body,
      grid=(2 * (N // BLK),),
      in_specs=[
          pl.BlockSpec((BLK, 256), lambda i: (i % (N // BLK), 0)),
          pl.BlockSpec((256, HH), lambda i: (0, i // (N // BLK))),
          pl.BlockSpec((BLK, 128), lambda i: (i % (N // BLK), 0)),
          pl.BlockSpec((BLK, 128), lambda i: (i % (N // BLK), 0)),
      ],
      out_specs=pl.BlockSpec((BLK, HH), lambda i: (i, 0)),
      out_shape=jax.ShapeDtypeStruct((2 * N, HH), jnp.float32),
  )(x, W, hist0, hist1)


def _tc_layer(a0, a1, ys_all, hist0, hist1, b_prev, W):

  def body(a0_r, a1_r, p0_r, p1_r, h0_r, h1_r, b_r, w_r, o_ref):
    dinv = _dinv_of(h0_r[...], h1_r[...])
    a = jnp.concatenate([a0_r[...], a1_r[...]], axis=1)
    p = jnp.concatenate([p0_r[...], p1_r[...]], axis=1)
    h = jnp.maximum(dinv * (a + p) + b_r[...], 0.0)
    y = jnp.dot(h, w_r[...], preferred_element_type=jnp.float32,
                precision=lax.Precision.HIGHEST)
    o_ref[...] = y * dinv

  nb = N // BLK
  return pl.pallas_call(
      body,
      grid=(2 * nb,),
      in_specs=[
          pl.BlockSpec((BLK, HH), lambda i: (i % nb, 0)),
          pl.BlockSpec((BLK, HH), lambda i: (i % nb, 0)),
          pl.BlockSpec((BLK, HH), lambda i: (i % nb, 0)),
          pl.BlockSpec((BLK, HH), lambda i: (nb + i % nb, 0)),
          pl.BlockSpec((BLK, 128), lambda i: (i % nb, 0)),
          pl.BlockSpec((BLK, 128), lambda i: (i % nb, 0)),
          pl.BlockSpec((1, 256), lambda i: (0, 0)),
          pl.BlockSpec((256, HH), lambda i: (0, i // nb)),
      ],
      out_specs=pl.BlockSpec((BLK, HH), lambda i: (i, 0)),
      out_shape=jax.ShapeDtypeStruct((2 * N, HH), jnp.float32),
  )(a0, a1, ys_all, ys_all, hist0, hist1, b_prev, W)


def _tc_pool(a0, a1, ys_all, hist0, hist1, b3, batch2d):

  def body(a0_r, a1_r, p0_r, p1_r, h0_r, h1_r, b_r, bat_r, ps_ref, cnt_ref):
    i = pl.program_id(0)
    dinv = _dinv_of(h0_r[...], h1_r[...])
    a = jnp.concatenate([a0_r[...], a1_r[...]], axis=1)
    p = jnp.concatenate([p0_r[...], p1_r[...]], axis=1)
    mol = dinv * (a + p) + b_r[...]
    gids = lax.broadcasted_iota(jnp.int32, (G, BLK), 0)
    S = (bat_r[...][0] == gids)
    part = jnp.dot(S.astype(jnp.float32), mol,
                   preferred_element_type=jnp.float32,
                   precision=lax.Precision.HIGHEST)
    c_part = jnp.broadcast_to(
        jnp.sum(S.astype(jnp.float32), axis=1, keepdims=True), (G, 128))

    @pl.when(i == 0)
    def _():
      ps_ref[...] = part
      cnt_ref[...] = c_part

    @pl.when(i > 0)
    def _():
      ps_ref[...] += part
      cnt_ref[...] += c_part

  return pl.pallas_call(
      body,
      grid=(N // BLK,),
      in_specs=[
          pl.BlockSpec((BLK, HH), lambda i: (i, 0)),
          pl.BlockSpec((BLK, HH), lambda i: (i, 0)),
          pl.BlockSpec((BLK, HH), lambda i: (i, 0)),
          pl.BlockSpec((BLK, HH), lambda i: (N // BLK + i, 0)),
          pl.BlockSpec((BLK, 128), lambda i: (i, 0)),
          pl.BlockSpec((BLK, 128), lambda i: (i, 0)),
          pl.BlockSpec((1, 256), lambda i: (0, 0)),
          pl.BlockSpec((1, 1, BLK), lambda i: (i, 0, 0)),
      ],
      out_specs=[
          pl.BlockSpec((G, 256), lambda i: (0, 0)),
          pl.BlockSpec((G, 128), lambda i: (0, 0)),
      ],
      out_shape=[
          jax.ShapeDtypeStruct((G, 256), jnp.float32),
          jax.ShapeDtypeStruct((G, 128), jnp.float32),
      ],
  )(a0, a1, ys_all, ys_all, hist0, hist1, b3, batch2d)


def _tc_head(ps, cnt, text, mw1, mb1, mw2, mb2, tw1, tb1, tw2, tb2,
             l1w, l1b, l2w, l2b, temp11):
  def _ln(v, w, b):
    mu = jnp.mean(v, axis=-1, keepdims=True)
    var = jnp.mean(jnp.square(v - mu), axis=-1, keepdims=True)
    return (v - mu) * lax.rsqrt(var + 1e-5) * w + b

  def body(ps_r, cnt_r, t_r, mw1_r, mb1_r, mw2_r, mb2_r, tw1_r, tb1_r,
           tw2_r, tb2_r, l1w_r, l1b_r, l2w_r, l2b_r, tmp_r,
           tx_ref, xg_ref):
    cntv = jnp.maximum(cnt_r[:, 0:1], 1.0)
    pooled = ps_r[...] / cntv
    xg = jnp.maximum(
        jnp.dot(pooled, mw1_r[...], preferred_element_type=jnp.float32,
                precision=lax.Precision.HIGHEST)
        + mb1_r[...], 0.0)
    xg = jnp.dot(xg, mw2_r[...], preferred_element_type=jnp.float32,
                precision=lax.Precision.HIGHEST) + mb2_r[...]
    tx = jnp.tanh(
        jnp.dot(t_r[...], tw1_r[...], preferred_element_type=jnp.float32,
                precision=lax.Precision.HIGHEST)
        + tb1_r[...])
    tx = jnp.dot(tx, tw2_r[...], preferred_element_type=jnp.float32,
                precision=lax.Precision.HIGHEST) + tb2_r[...]
    sc = jnp.exp(tmp_r[0, 0])
    xg_ref[...] = _ln(xg, l1w_r[...], l1b_r[...]) * sc
    tx_ref[...] = _ln(tx, l2w_r[...], l2b_r[...]) * sc

  return pl.pallas_call(
      body,
      out_shape=[
          jax.ShapeDtypeStruct((G, 256), jnp.float32),
          jax.ShapeDtypeStruct((G, 256), jnp.float32),
      ],
  )(ps, cnt, text, mw1, mb1, mw2, mb2, tw1, tb1, tw2, tb2,
    l1w, l1b, l2w, l2b, temp11)


def kernel(x, edge_index, batch, ptr, text_output, conv1_W, conv1_b,
           conv2_W, conv2_b, conv3_W, conv3_b, mol_h1_W, mol_h1_b,
           mol_h2_W, mol_h2_b, text_h1_W, text_h1_b, text_h2_W, text_h2_b,
           ln1_w, ln1_b, ln2_w, ln2_b, temp):
  src_both = jnp.concatenate(
      [edge_index[0], edge_index[0] + N]).reshape(2 * NBATCH, 1, K)
  dst3d = edge_index[1].reshape(NBATCH, 1, K)
  zeros_c = jnp.zeros((K, 128), jnp.float32)
  ones_c = jnp.ones((K, 128), jnp.float32)

  hist = _sc_hist(dst3d, zeros_c, ones_c)
  hist0, hist1 = hist[:N_PAD], hist[N_PAD:]
  ys = _tc_layer1(x, conv1_W, hist0, hist1)
  agg = _sc_agg(ys, src_both, dst3d, zeros_c)
  a0, a1 = agg[:N_PAD], agg[N_PAD:]
  ys = _tc_layer(a0, a1, ys, hist0, hist1, conv1_b.reshape(1, 256), conv2_W)
  agg = _sc_agg(ys, src_both, dst3d, zeros_c)
  a0, a1 = agg[:N_PAD], agg[N_PAD:]
  ys = _tc_layer(a0, a1, ys, hist0, hist1, conv2_b.reshape(1, 256), conv3_W)
  agg = _sc_agg(ys, src_both, dst3d, zeros_c)
  a0, a1 = agg[:N_PAD], agg[N_PAD:]
  ps, cnt = _tc_pool(a0, a1, ys, hist0, hist1,
                     conv3_b.reshape(1, 256), batch.reshape(N // BLK, 1, BLK))
  tx, xg = _tc_head(
      ps, cnt, text_output[0], mol_h1_W, mol_h1_b.reshape(1, 512),
      mol_h2_W, mol_h2_b.reshape(1, 256), text_h1_W, text_h1_b.reshape(1, 512),
      text_h2_W, text_h2_b.reshape(1, 256), ln1_w.reshape(1, 256),
      ln1_b.reshape(1, 256), ln2_w.reshape(1, 256), ln2_b.reshape(1, 256),
      temp.reshape(1, 1))
  return (tx, xg)

# --- scband reference (transcript-rebuilt; emitter-appended) ---
"""Pipeline reference for scband-graph-encoder-54357106098579 (READ-ONLY COPY).

The authoritative reference and input builder live on the scoring server;
editing this copy changes nothing except your own understanding.
"""

import jax, jax.numpy as jnp
import numpy as np

N = 10000
E = 160000
D_IN = 256
H = 256
NHID = 512
NOUT = 256
TEXT_DIM = 768
G = 64
T = 128


def _make_batch_ptr():
    counts = np.full(G, N // G, dtype=np.int64)
    counts[: N - (N // G) * G] += 1
    ptr = np.concatenate([np.zeros(1, dtype=np.int64), np.cumsum(counts)])
    batch = np.repeat(np.arange(G, dtype=np.int64), counts)
    return jnp.asarray(batch, jnp.int32), jnp.asarray(ptr, jnp.int32)


def setup_inputs(seed: int = 0):
    key = jax.random.key(seed)
    ks = jax.random.split(key, 20)
    batch, ptr = _make_batch_ptr()
    return {
        "x": jax.random.normal(ks[0], (N, D_IN), jnp.float32),
        "edge_index": jax.random.randint(ks[1], (2, E), 0, N, jnp.int32),
        "batch": batch,
        "ptr": ptr,
        "text_output": jax.random.normal(ks[2], (1, G, TEXT_DIM), jnp.float32),
        "conv1_W": jax.random.normal(ks[3], (D_IN, H), jnp.float32) * 0.05,
        "conv1_b": jnp.zeros((H,), jnp.float32),
        "conv2_W": jax.random.normal(ks[4], (H, H), jnp.float32) * 0.05,
        "conv2_b": jnp.zeros((H,), jnp.float32),
        "conv3_W": jax.random.normal(ks[5], (H, H), jnp.float32) * 0.05,
        "conv3_b": jnp.zeros((H,), jnp.float32),
        "mol_h1_W": jax.random.normal(ks[6], (H, NHID), jnp.float32) * 0.05,
        "mol_h1_b": jnp.zeros((NHID,), jnp.float32),
        "mol_h2_W": jax.random.normal(ks[7], (NHID, NOUT), jnp.float32) * 0.05,
        "mol_h2_b": jnp.zeros((NOUT,), jnp.float32),
        "text_h1_W": jax.random.normal(ks[8], (TEXT_DIM, NHID), jnp.float32) * 0.05,
        "text_h1_b": jnp.zeros((NHID,), jnp.float32),
        "text_h2_W": jax.random.normal(ks[9], (NHID, NOUT), jnp.float32) * 0.05,
        "text_h2_b": jnp.zeros((NOUT,), jnp.float32),
        "ln1_w": jnp.ones((NOUT,), jnp.float32),
        "ln1_b": jnp.zeros((NOUT,), jnp.float32),
        "ln2_w": jnp.ones((NOUT,), jnp.float32),
        "ln2_b": jnp.zeros((NOUT,), jnp.float32),
        "temp": jnp.asarray(0.5, jnp.float32),
    }


def gcn_conv(x, edge_index, W, b):
    n = x.shape[0]
    self_loop = jnp.arange(n, dtype=edge_index.dtype)
    src = jnp.concatenate([edge_index[0], self_loop])
    dst = jnp.concatenate([edge_index[1], self_loop])
    deg = jax.ops.segment_sum(jnp.ones_like(dst, dtype=jnp.float32), dst, num_segments=n)
    dinv = jax.lax.rsqrt(jnp.maximum(deg, 1.0))
    h = x @ W
    norm = (dinv[src] * dinv[dst])[:, None]
    out = jax.ops.segment_sum(h[src] * norm, dst, num_segments=n)
    return out + b


def _layer_norm(v, w, b):
    mu = jnp.mean(v, axis=-1, keepdims=True)
    var = jnp.mean(jnp.square(v - mu), axis=-1, keepdims=True)
    return (v - mu) * jax.lax.rsqrt(var + 1e-5) * w + b


def reference(x, edge_index, batch, ptr, text_output, conv1_W, conv1_b, conv2_W, conv2_b, conv3_W, conv3_b, mol_h1_W, mol_h1_b, mol_h2_W, mol_h2_b, text_h1_W, text_h1_b, text_h2_W, text_h2_b, ln1_w, ln1_b, ln2_w, ln2_b, temp):
    h = jax.nn.relu(gcn_conv(x, edge_index, conv1_W, conv1_b))
    h = jax.nn.relu(gcn_conv(h, edge_index, conv2_W, conv2_b))
    mol_x = gcn_conv(h, edge_index, conv3_W, conv3_b)
    # per-graph truncated node feature packing (faithful to the python loop)
    counts = ptr[1:] - ptr[:-1]
    pos = jnp.arange(T, dtype=jnp.int32)
    idx = ptr[:-1][:, None] + pos[None, :]
    mask = (pos[None, :] < counts[:, None]).astype(mol_x.dtype)
    node_features = mol_x[jnp.clip(idx, 0, N - 1)] * mask[:, :, None]
    node_features = jnp.transpose(node_features, (1, 0, 2))  # [T, G, H], computed as in original (unused downstream)
    # global mean pool
    node_counts = jax.ops.segment_sum(jnp.ones((mol_x.shape[0],), jnp.float32), batch, num_segments=G)
    pooled = jax.ops.segment_sum(mol_x, batch, num_segments=G) / jnp.maximum(node_counts, 1.0)[:, None]
    xg = jax.nn.relu(pooled @ mol_h1_W + mol_h1_b)
    xg = xg @ mol_h2_W + mol_h2_b
    tx = jnp.tanh(text_output[0, :, :] @ text_h1_W + text_h1_b)
    tx = tx @ text_h2_W + text_h2_b
    xg = _layer_norm(xg, ln1_w, ln1_b)
    tx = _layer_norm(tx, ln2_w, ln2_b)
    xg = xg * jnp.exp(temp)
    tx = tx * jnp.exp(temp)
    return (tx, xg)

if __name__ == "__main__":
    import jax
    _d = setup_inputs()
    print(jax.jit(kernel)(*tuple(_d.values())))

</pallas_src>

<mosaic_0001>
#map = affine_map<(d0, d1) -> (0, 0, 0)>
#map1 = affine_map<(d0, d1) -> (0, 0)>
module attributes {stable_mosaic.version = 14 : i64} {
  func.func @hist_kernel(%arg0: i32, %arg1: i32, %arg2: memref<1250x1x128xi32, #tpu.memory_space<hbm>>, %arg3: memref<128x128xf32, #tpu.memory_space<hbm>>, %arg4: memref<128x128xf32, #tpu.memory_space<hbm>>, %arg5: memref<20480x128xf32, #tpu.memory_space<hbm>>, %arg6: memref<1x128xi32, #tpu.memory_space<vmem>>, %arg7: memref<128x128xf32, #tpu.memory_space<vmem>>, %arg8: memref<10240x128xf32, #tpu.memory_space<vmem_shared>>) attributes {dimension_semantics = [#tpu.dimension_semantics<core_parallel>, #tpu.dimension_semantics<subcore_parallel>], iteration_bounds = array<i64: 2, 16>, scalar_prefetch = 0 : i64, scratch_operands = 3 : i64, tpu.core_type = #tpu.core_type<sc_vector_subcore>, window_params = [{transform_indices = #map}, {transform_indices = #map1}, {transform_indices = #map1}, {transform_indices = #map1}]} {
    %mul3A = arith.constant 16 : i32
    %mul3A_0 = arith.muli %arg0, %mul3A : i32
    %add3A = arith.addi %mul3A_0, %arg1 : i32
    "tpu.region"() ({
      %run_scoped3A = tpu.sem_alloc : memref<!tpu.dma_semaphore, #tpu.memory_space<semaphore_mem>>
      tpu.enqueue_dma source(%arg4 : memref<128x128xf32, #tpu.memory_space<hbm>>) target(%arg7 : memref<128x128xf32, #tpu.memory_space<vmem>>) target_semaphore(%run_scoped3A : memref<!tpu.dma_semaphore, #tpu.memory_space<semaphore_mem>>)
      tpu.wait_dma2 semaphore(%run_scoped3A : memref<!tpu.dma_semaphore, #tpu.memory_space<semaphore_mem>>) src(%arg4 : memref<128x128xf32, #tpu.memory_space<hbm>>) dst(%arg7 : memref<128x128xf32, #tpu.memory_space<vmem>>)
      tpu.yield
    }) : () -> ()
    %scan3A = arith.constant 0 : i32
    %scan3A_1 = arith.constant 5 : i32
    %scan3A_2 = arith.addi %scan3A, %scan3A_1 : i32
    %scan3A_3 = arith.constant 1 : i32
    scf.for %scan3A_20 = %scan3A to %scan3A_2 step %scan3A_3  : i32 {
      %mul3A_21 = arith.constant 1 : i32
      %mul3A_22 = arith.muli %scan3A_20, %mul3A_21 : i32
      %add3A_23 = arith.constant 0 : i32
      %add3A_24 = arith.addi %add3A_23, %mul3A_22 : i32
      %mul3A_25 = arith.constant 640 : i32
      %mul3A_26 = arith.muli %arg1, %mul3A_25 : i32
      %mul3A_27 = arith.constant 128 : i32
      %mul3A_28 = arith.muli %add3A_24, %mul3A_27 : i32
      %add3A_29 = arith.addi %mul3A_26, %mul3A_28 : i32
      "tpu.region"() ({
        %run_scoped3A = tpu.sem_alloc : memref<!tpu.dma_semaphore, #tpu.memory_space<semaphore_mem>>
        %dma_start3A = arith.constant 0 : i32
        %dma_start3A_30 = tpu.memref_slice %arg8[%add3A_29, %dma_start3A] : memref<10240x128xf32, #tpu.memory_space<vmem_shared>> -> memref<128x128xf32, #tpu.memory_space<vmem_shared>>
        tpu.enqueue_dma source(%arg3 : memref<128x128xf32, #tpu.memory_space<hbm>>) target(%dma_start3A_30 : memref<128x128xf32, #tpu.memory_space<vmem_shared>>) target_semaphore(%run_scoped3A : memref<!tpu.dma_semaphore, #tpu.memory_space<semaphore_mem>>)
        %dma_wait3A = arith.constant 0 : i32
        %dma_wait3A_31 = tpu.memref_slice %arg8[%add3A_29, %dma_wait3A] : memref<10240x128xf32, #tpu.memory_space<vmem_shared>> -> memref<128x128xf32, #tpu.memory_space<vmem_shared>>
        tpu.wait_dma2 semaphore(%run_scoped3A : memref<!tpu.dma_semaphore, #tpu.memory_space<semaphore_mem>>) src(%arg3 : memref<128x128xf32, #tpu.memory_space<hbm>>) dst(%dma_wait3A_31 : memref<128x128xf32, #tpu.memory_space<vmem_shared>>)
        tpu.yield
      }) : () -> ()
    }
    %scan3A_4 = arith.constant 5 : i32
    %barrier3A = arith.constant 0 : index
    tpu.barrier barrier_id(%barrier3A)
    %scan3A_5 = arith.constant 0 : i32
    %scan3A_6 = arith.constant 39 : i32
    %scan3A_7 = arith.addi %scan3A_5, %scan3A_6 : i32
    %scan3A_8 = arith.constant 1 : i32
    scf.for %scan3A_20 = %scan3A_5 to %scan3A_7 step %scan3A_8  : i32 {
      %mul3A_21 = arith.constant 1 : i32
      %mul3A_22 = arith.muli %scan3A_20, %mul3A_21 : i32
      %add3A_23 = arith.constant 0 : i32
      %add3A_24 = arith.addi %add3A_23, %mul3A_22 : i32
      %mul3A_25 = arith.constant 32 : i32
      %mul3A_26 = arith.muli %mul3A_25, %add3A_24 : i32
      %add3A_27 = arith.addi %add3A, %mul3A_26 : i32
      "tpu.region"() ({
        %run_scoped3A_28 = tpu.sem_alloc : memref<!tpu.dma_semaphore, #tpu.memory_space<semaphore_mem>>
        %dma_start3A = arith.constant 0 : i32
        %dma_start3A_29 = arith.constant 0 : i32
        %dma_start3A_30 = tpu.memref_slice %arg2[%add3A_27, %dma_start3A, %dma_start3A_29] : memref<1250x1x128xi32, #tpu.memory_space<hbm>> -> memref<1x1x128xi32, #tpu.memory_space<hbm>>
        %dma_start3A_31 = tpu.memref_squeeze %dma_start3A_30 : memref<1x1x128xi32, #tpu.memory_space<hbm>> -> memref<1x128xi32, #tpu.memory_space<hbm>>
        %dma_start3A_32 = arith.constant 0 : i32
        %dma_start3A_33 = arith.constant 0 : i32
        %dma_start3A_34 = tpu.memref_slice %arg2[%add3A_27, %dma_start3A_32, %dma_start3A_33] : memref<1250x1x128xi32, #tpu.memory_space<hbm>> -> memref<1x1x128xi32, #tpu.memory_space<hbm>>
        %dma_start3A_35 = tpu.memref_squeeze %dma_start3A_34 : memref<1x1x128xi32, #tpu.memory_space<hbm>> -> memref<1x128xi32, #tpu.memory_space<hbm>>
        tpu.enqueue_dma source(%dma_start3A_35 : memref<1x128xi32, #tpu.memory_space<hbm>>) target(%arg6 : memref<1x128xi32, #tpu.memory_space<vmem>>) target_semaphore(%run_scoped3A_28 : memref<!tpu.dma_semaphore, #tpu.memory_space<semaphore_mem>>)
        %dma_wait3A = arith.constant 0 : i32
        %dma_wait3A_36 = arith.constant 0 : i32
        %dma_wait3A_37 = tpu.memref_slice %arg2[%add3A_27, %dma_wait3A, %dma_wait3A_36] : memref<1250x1x128xi32, #tpu.memory_space<hbm>> -> memref<1x1x128xi32, #tpu.memory_space<hbm>>
        %dma_wait3A_38 = tpu.memref_squeeze %dma_wait3A_37 : memref<1x1x128xi32, #tpu.memory_space<hbm>> -> memref<1x128xi32, #tpu.memory_space<hbm>>
        %dma_wait3A_39 = arith.constant 0 : i32
        %dma_wait3A_40 = arith.constant 0 : i32
        %dma_wait3A_41 = tpu.memref_slice %arg2[%add3A_27, %dma_wait3A_39, %dma_wait3A_40] : memref<1250x1x128xi32, #tpu.memory_space<hbm>> -> memref<1x1x128xi32, #tpu.memory_space<hbm>>
        %dma_wait3A_42 = tpu.memref_squeeze %dma_wait3A_41 : memref<1x1x128xi32, #tpu.memory_space<hbm>> -> memref<1x128xi32, #tpu.memory_space<hbm>>
        tpu.wait_dma2 semaphore(%run_scoped3A_28 : memref<!tpu.dma_semaphore, #tpu.memory_space<semaphore_mem>>) src(%dma_wait3A_42 : memref<1x128xi32, #tpu.memory_space<hbm>>) dst(%arg6 : memref<1x128xi32, #tpu.memory_space<vmem>>)
        tpu.yield
      }) : () -> ()
      %run_scoped3A = arith.constant 0 : i32
      "tpu.region"() ({
        %run_scoped3A_28 = tpu.sem_alloc : memref<!tpu.dma_semaphore, #tpu.memory_space<semaphore_mem>>
        %dma_start3A = arith.constant 0 : i32
        %dma_start3A_29 = tpu.memref_slice %arg6[%run_scoped3A, %dma_start3A] : memref<1x128xi32, #tpu.memory_space<vmem>> -> memref<1x128xi32, #tpu.memory_space<vmem>>
        %dma_start3A_30 = tpu.memref_squeeze %dma_start3A_29 : memref<1x128xi32, #tpu.memory_space<vmem>> -> memref<128xi32, #tpu.memory_space<vmem>>
        %dma_start3A_31 = arith.constant 0 : i32
        %dma_start3A_32 = arith.constant 0 : i32
        %dma_start3A_33 = tpu.memref_slice %arg8[%dma_start3A_31, %dma_start3A_32] : memref<10240x128xf32, #tpu.memory_space<vmem_shared>> -> memref<10240x128xf32, #tpu.memory_space<vmem_shared>>
        tpu.enqueue_indirect_dma source(%arg7 : memref<128x128xf32, #tpu.memory_space<vmem>>) target(%dma_start3A_33 : memref<10240x128xf32, #tpu.memory_space<vmem_shared>>) offsets(%dma_start3A_30 : memref<128xi32, #tpu.memory_space<vmem>>) semaphore(%run_scoped3A_28 : memref<!tpu.dma_semaphore, #tpu.memory_space<semaphore_mem>>) {add = true}
        %dma_wait3A = arith.constant 0 : i32
        %dma_wait3A_34 = tpu.memref_slice %arg6[%run_scoped3A, %dma_wait3A] : memref<1x128xi32, #tpu.memory_space<vmem>> -> memref<1x128xi32, #tpu.memory_space<vmem>>
        %dma_wait3A_35 = tpu.memref_squeeze %dma_wait3A_34 : memref<1x128xi32, #tpu.memory_space<vmem>> -> memref<128xi32, #tpu.memory_space<vmem>>
        %dma_wait3A_36 = arith.constant 0 : i32
        %dma_wait3A_37 = arith.constant 0 : i32
        %dma_wait3A_38 = tpu.memref_slice %arg8[%dma_wait3A_36, %dma_wait3A_37] : memref<10240x128xf32, #tpu.memory_space<vmem_shared>> -> memref<10240x128xf32, #tpu.memory_space<vmem_shared>>
        tpu.wait_indirect_dma semaphore(%run_scoped3A_28 : memref<!tpu.dma_semaphore, #tpu.memory_space<semaphore_mem>>) src(%arg7 : memref<128x128xf32, #tpu.memory_space<vmem>>) dst(%dma_wait3A_38 : memref<10240x128xf32, #tpu.memory_space<vmem_shared>>)
        tpu.yield
      }) : () -> ()
    }
    %scan3A_9 = arith.constant 39 : i32
    %lt3A = arith.constant 2 : i32
    %lt3A_10 = arith.cmpi slt, %add3A, %lt3A : i32
    %convert_element_type3A = arith.extui %lt3A_10 : i1 to i32
    %cond3A = arith.constant 0 : i32
    %cond3A_11 = arith.cmpi ne, %convert_element_type3A, %cond3A : i32
    scf.if %cond3A_11 {
      %add3A_20 = arith.constant 1248 : i32
      %add3A_21 = arith.addi %add3A, %add3A_20 : i32
      "tpu.region"() ({
        %run_scoped3A_22 = tpu.sem_alloc : memref<!tpu.dma_semaphore, #tpu.memory_space<semaphore_mem>>
        %dma_start3A = arith.constant 0 : i32
        %dma_start3A_23 = arith.constant 0 : i32
        %dma_start3A_24 = tpu.memref_slice %arg2[%add3A_21, %dma_start3A, %dma_start3A_23] : memref<1250x1x128xi32, #tpu.memory_space<hbm>> -> memref<1x1x128xi32, #tpu.memory_space<hbm>>
        %dma_start3A_25 = tpu.memref_squeeze %dma_start3A_24 : memref<1x1x128xi32, #tpu.memory_space<hbm>> -> memref<1x128xi32, #tpu.memory_space<hbm>>
        %dma_start3A_26 = arith.constant 0 : i32
        %dma_start3A_27 = arith.constant 0 : i32
        %dma_start3A_28 = tpu.memref_slice %arg2[%add3A_21, %dma_start3A_26, %dma_start3A_27] : memref<1250x1x128xi32, #tpu.memory_space<hbm>> -> memref<1x1x128xi32, #tpu.memory_space<hbm>>
        %dma_start3A_29 = tpu.memref_squeeze %dma_start3A_28 : memref<1x1x128xi32, #tpu.memory_space<hbm>> -> memref<1x128xi32, #tpu.memory_space<hbm>>
        tpu.enqueue_dma source(%dma_start3A_29 : memref<1x128xi32, #tpu.memory_space<hbm>>) target(%arg6 : memref<1x128xi32, #tpu.memory_space<vmem>>) target_semaphore(%run_scoped3A_22 : memref<!tpu.dma_semaphore, #tpu.memory_space<semaphore_mem>>)
        %dma_wait3A = arith.constant 0 : i32
        %dma_wait3A_30 = arith.constant 0 : i32
        %dma_wait3A_31 = tpu.memref_slice %arg2[%add3A_21, %dma_wait3A, %dma_wait3A_30] : memref<1250x1x128xi32, #tpu.memory_space<hbm>> -> memref<1x1x128xi32, #tpu.memory_space<hbm>>
        %dma_wait3A_32 = tpu.memref_squeeze %dma_wait3A_31 : memref<1x1x128xi32, #tpu.memory_space<hbm>> -> memref<1x128xi32, #tpu.memory_space<hbm>>
        %dma_wait3A_33 = arith.constant 0 : i32
        %dma_wait3A_34 = arith.constant 0 : i32
        %dma_wait3A_35 = tpu.memref_slice %arg2[%add3A_21, %dma_wait3A_33, %dma_wait3A_34] : memref<1250x1x128xi32, #tpu.memory_space<hbm>> -> memref<1x1x128xi32, #tpu.memory_space<hbm>>
        %dma_wait3A_36 = tpu.memref_squeeze %dma_wait3A_35 : memref<1x1x128xi32, #tpu.memory_space<hbm>> -> memref<1x128xi32, #tpu.memory_space<hbm>>
        tpu.wait_dma2 semaphore(%run_scoped3A_22 : memref<!tpu.dma_semaphore, #tpu.memory_space<semaphore_mem>>) src(%dma_wait3A_36 : memref<1x128xi32, #tpu.memory_space<hbm>>) dst(%arg6 : memref<1x128xi32, #tpu.memory_space<vmem>>)
        tpu.yield
      }) : () -> ()
      %run_scoped3A = arith.constant 0 : i32
      "tpu.region"() ({
        %run_scoped3A_22 = tpu.sem_alloc : memref<!tpu.dma_semaphore, #tpu.memory_space<semaphore_mem>>
        %dma_start3A = arith.constant 0 : i32
        %dma_start3A_23 = tpu.memref_slice %arg6[%run_scoped3A, %dma_start3A] : memref<1x128xi32, #tpu.memory_space<vmem>> -> memref<1x128xi32, #tpu.memory_space<vmem>>
        %dma_start3A_24 = tpu.memref_squeeze %dma_start3A_23 : memref<1x128xi32, #tpu.memory_space<vmem>> -> memref<128xi32, #tpu.memory_space<vmem>>
        %dma_start3A_25 = arith.constant 0 : i32
        %dma_start3A_26 = arith.constant 0 : i32
        %dma_start3A_27 = tpu.memref_slice %arg8[%dma_start3A_25, %dma_start3A_26] : memref<10240x128xf32, #tpu.memory_space<vmem_shared>> -> memref<10240x128xf32, #tpu.memory_space<vmem_shared>>
        tpu.enqueue_indirect_dma source(%arg7 : memref<128x128xf32, #tpu.memory_space<vmem>>) target(%dma_start3A_27 : memref<10240x128xf32, #tpu.memory_space<vmem_shared>>) offsets(%dma_start3A_24 : memref<128xi32, #tpu.memory_space<vmem>>) semaphore(%run_scoped3A_22 : memref<!tpu.dma_semaphore, #tpu.memory_space<semaphore_mem>>) {add = true}
        %dma_wait3A = arith.constant 0 : i32
        %dma_wait3A_28 = tpu.memref_slice %arg6[%run_scoped3A, %dma_wait3A] : memref<1x128xi32, #tpu.memory_space<vmem>> -> memref<1x128xi32, #tpu.memory_space<vmem>>
        %dma_wait3A_29 = tpu.memref_squeeze %dma_wait3A_28 : memref<1x128xi32, #tpu.memory_space<vmem>> -> memref<128xi32, #tpu.memory_space<vmem>>
        %dma_wait3A_30 = arith.constant 0 : i32
        %dma_wait3A_31 = arith.constant 0 : i32
        %dma_wait3A_32 = tpu.memref_slice %arg8[%dma_wait3A_30, %dma_wait3A_31] : memref<10240x128xf32, #tpu.memory_space<vmem_shared>> -> memref<10240x128xf32, #tpu.memory_space<vmem_shared>>
        tpu.wait_indirect_dma semaphore(%run_scoped3A_22 : memref<!tpu.dma_semaphore, #tpu.memory_space<semaphore_mem>>) src(%arg7 : memref<128x128xf32, #tpu.memory_space<vmem>>) dst(%dma_wait3A_32 : memref<10240x128xf32, #tpu.memory_space<vmem_shared>>)
        tpu.yield
      }) : () -> ()
    } else {
    }
    %barrier3A_12 = arith.constant 0 : index
    tpu.barrier barrier_id(%barrier3A_12)
    %mul3A_13 = arith.constant 640 : i32
    %mul3A_14 = arith.muli %arg1, %mul3A_13 : i32
    %mul3A_15 = arith.constant 10240 : i32
    %mul3A_16 = arith.muli %arg0, %mul3A_15 : i32
    %mul3A_17 = arith.constant 640 : i32
    %mul3A_18 = arith.muli %arg1, %mul3A_17 : i32
    %add3A_19 = arith.addi %mul3A_16, %mul3A_18 : i32
    "tpu.region"() ({
      %run_scoped3A = tpu.sem_alloc : memref<!tpu.dma_semaphore, #tpu.memory_space<semaphore_mem>>
      %dma_start3A = arith.constant 0 : i32
      %dma_start3A_20 = tpu.memref_slice %arg5[%add3A_19, %dma_start3A] : memref<20480x128xf32, #tpu.memory_space<hbm>> -> memref<640x128xf32, #tpu.memory_space<hbm>>
      %dma_start3A_21 = arith.constant 0 : i32
      %dma_start3A_22 = tpu.memref_slice %arg8[%mul3A_14, %dma_start3A_21] : memref<10240x128xf32, #tpu.memory_space<vmem_shared>> -> memref<640x128xf32, #tpu.memory_space<vmem_shared>>
      tpu.enqueue_dma source(%dma_start3A_22 : memref<640x128xf32, #tpu.memory_space<vmem_shared>>) target(%dma_start3A_20 : memref<640x128xf32, #tpu.memory_space<hbm>>) target_semaphore(%run_scoped3A : memref<!tpu.dma_semaphore, #tpu.memory_space<semaphore_mem>>)
      %dma_wait3A = arith.constant 0 : i32
      %dma_wait3A_23 = tpu.memref_slice %arg5[%add3A_19, %dma_wait3A] : memref<20480x128xf32, #tpu.memory_space<hbm>> -> memref<640x128xf32, #tpu.memory_space<hbm>>
      %dma_wait3A_24 = arith.constant 0 : i32
      %dma_wait3A_25 = tpu.memref_slice %arg8[%mul3A_14, %dma_wait3A_24] : memref<10240x128xf32, #tpu.memory_space<vmem_shared>> -> memref<640x128xf32, #tpu.memory_space<vmem_shared>>
      tpu.wait_dma2 semaphore(%run_scoped3A : memref<!tpu.dma_semaphore, #tpu.memory_space<semaphore_mem>>) src(%dma_wait3A_25 : memref<640x128xf32, #tpu.memory_space<vmem_shared>>) dst(%dma_wait3A_23 : memref<640x128xf32, #tpu.memory_space<hbm>>)
      tpu.yield
    }) : () -> ()
    return
  }
}

#map = affine_map<(d0, d1) -> (0, 0)>
#map1 = affine_map<(d0, d1) -> (0, 0, 0)>
module attributes {stable_mosaic.version = 14 : i64} {
  func.func @agg_kernel(%arg0: i32, %arg1: i32, %arg2: memref<20000x128xf32, #tpu.memory_space<hbm>>, %arg3: memref<2500x1x128xi32, #tpu.memory_space<hbm>>, %arg4: memref<1250x1x128xi32, #tpu.memory_space<hbm>>, %arg5: memref<128x128xf32, #tpu.memory_space<hbm>>, %arg6: memref<20480x128xf32, #tpu.memory_space<hbm>>, %arg7: memref<1x128xi32, #tpu.memory_space<vmem>>, %arg8: memref<1x128xi32, #tpu.memory_space<vmem>>, %arg9: memref<1x128xi32, #tpu.memory_space<vmem>>, %arg10: memref<1x128xi32, #tpu.memory_space<vmem>>, %arg11: memref<128x128xf32, #tpu.memory_space<vmem>>, %arg12: memref<128x128xf32, #tpu.memory_space<vmem>>, %arg13: memref<!tpu.dma_semaphore, #tpu.memory_space<semaphore_mem>>, %arg14: memref<10240x128xf32, #tpu.memory_space<vmem_shared>>) attributes {dimension_semantics = [#tpu.dimension_semantics<core_parallel>, #tpu.dimension_semantics<subcore_parallel>], iteration_bounds = array<i64: 2, 16>, scalar_prefetch = 0 : i64, scratch_operands = 8 : i64, tpu.core_type = #tpu.core_type<sc_vector_subcore>, window_params = [{transform_indices = #map}, {transform_indices = #map1}, {transform_indices = #map1}, {transform_indices = #map}, {transform_indices = #map}]} {
    %scan3A = arith.constant 0 : i32
    %scan3A_0 = arith.constant 5 : i32
    %scan3A_1 = arith.addi %scan3A, %scan3A_0 : i32
    %scan3A_2 = arith.constant 1 : i32
    scf.for %scan3A_44 = %scan3A to %scan3A_1 step %scan3A_2  : i32 {
      %mul3A_45 = arith.constant 1 : i32
      %mul3A_46 = arith.muli %scan3A_44, %mul3A_45 : i32
      %add3A_47 = arith.constant 0 : i32
      %add3A_48 = arith.addi %add3A_47, %mul3A_46 : i32
      %mul3A_49 = arith.constant 640 : i32
      %mul3A_50 = arith.muli %arg1, %mul3A_49 : i32
      %mul3A_51 = arith.constant 128 : i32
      %mul3A_52 = arith.muli %add3A_48, %mul3A_51 : i32
      %add3A_53 = arith.addi %mul3A_50, %mul3A_52 : i32
      "tpu.region"() ({
        %run_scoped3A = tpu.sem_alloc : memref<!tpu.dma_semaphore, #tpu.memory_space<semaphore_mem>>
        %dma_start3A_54 = arith.constant 0 : i32
        %dma_start3A_55 = tpu.memref_slice %arg14[%add3A_53, %dma_start3A_54] : memref<10240x128xf32, #tpu.memory_space<vmem_shared>> -> memref<128x128xf32, #tpu.memory_space<vmem_shared>>
        tpu.enqueue_dma source(%arg5 : memref<128x128xf32, #tpu.memory_space<hbm>>) target(%dma_start3A_55 : memref<128x128xf32, #tpu.memory_space<vmem_shared>>) target_semaphore(%run_scoped3A : memref<!tpu.dma_semaphore, #tpu.memory_space<semaphore_mem>>)
        %dma_wait3A = arith.constant 0 : i32
        %dma_wait3A_56 = tpu.memref_slice %arg14[%add3A_53, %dma_wait3A] : memref<10240x128xf32, #tpu.memory_space<vmem_shared>> -> memref<128x128xf32, #tpu.memory_space<vmem_shared>>
        tpu.wait_dma2 semaphore(%run_scoped3A : memref<!tpu.dma_semaphore, #tpu.memory_space<semaphore_mem>>) src(%arg5 : memref<128x128xf32, #tpu.memory_space<hbm>>) dst(%dma_wait3A_56 : memref<128x128xf32, #tpu.memory_space<vmem_shared>>)
        tpu.yield
      }) : () -> ()
    }
    %scan3A_3 = arith.constant 5 : i32
    %barrier3A = arith.constant 0 : index
    tpu.barrier barrier_id(%barrier3A)
    %mul3A = arith.constant 1250 : i32
    %mul3A_4 = arith.muli %arg0, %mul3A : i32
    %add3A = arith.constant 0 : i32
    %add3A_5 = arith.addi %arg1, %add3A : i32
    %add3A_6 = arith.addi %mul3A_4, %add3A_5 : i32
    "tpu.region"() ({
      %run_scoped3A = tpu.sem_alloc : memref<!tpu.dma_semaphore, #tpu.memory_space<semaphore_mem>>
      %dma_start3A_44 = arith.constant 0 : i32
      %dma_start3A_45 = arith.constant 0 : i32
      %dma_start3A_46 = tpu.memref_slice %arg3[%add3A_6, %dma_start3A_44, %dma_start3A_45] : memref<2500x1x128xi32, #tpu.memory_space<hbm>> -> memref<1x1x128xi32, #tpu.memory_space<hbm>>
      %dma_start3A_47 = tpu.memref_squeeze %dma_start3A_46 : memref<1x1x128xi32, #tpu.memory_space<hbm>> -> memref<1x128xi32, #tpu.memory_space<hbm>>
      %dma_start3A_48 = arith.constant 0 : i32
      %dma_start3A_49 = arith.constant 0 : i32
      %dma_start3A_50 = tpu.memref_slice %arg3[%add3A_6, %dma_start3A_48, %dma_start3A_49] : memref<2500x1x128xi32, #tpu.memory_space<hbm>> -> memref<1x1x128xi32, #tpu.memory_space<hbm>>
      %dma_start3A_51 = tpu.memref_squeeze %dma_start3A_50 : memref<1x1x128xi32, #tpu.memory_space<hbm>> -> memref<1x128xi32, #tpu.memory_space<hbm>>
      tpu.enqueue_dma source(%dma_start3A_51 : memref<1x128xi32, #tpu.memory_space<hbm>>) target(%arg7 : memref<1x128xi32, #tpu.memory_space<vmem>>) target_semaphore(%run_scoped3A : memref<!tpu.dma_semaphore, #tpu.memory_space<semaphore_mem>>)
      %dma_wait3A = arith.constant 0 : i32
      %dma_wait3A_52 = arith.constant 0 : i32
      %dma_wait3A_53 = tpu.memref_slice %arg3[%add3A_6, %dma_wait3A, %dma_wait3A_52] : memref<2500x1x128xi32, #tpu.memory_space<hbm>> -> memref<1x1x128xi32, #tpu.memory_space<hbm>>
      %dma_wait3A_54 = tpu.memref_squeeze %dma_wait3A_53 : memref<1x1x128xi32, #tpu.memory_space<hbm>> -> memref<1x128xi32, #tpu.memory_space<hbm>>
      %dma_wait3A_55 = arith.constant 0 : i32
      %dma_wait3A_56 = arith.constant 0 : i32
      %dma_wait3A_57 = tpu.memref_slice %arg3[%add3A_6, %dma_wait3A_55, %dma_wait3A_56] : memref<2500x1x128xi32, #tpu.memory_space<hbm>> -> memref<1x1x128xi32, #tpu.memory_space<hbm>>
      %dma_wait3A_58 = tpu.memref_squeeze %dma_wait3A_57 : memref<1x1x128xi32, #tpu.memory_space<hbm>> -> memref<1x128xi32, #tpu.memory_space<hbm>>
      tpu.wait_dma2 semaphore(%run_scoped3A : memref<!tpu.dma_semaphore, #tpu.memory_space<semaphore_mem>>) src(%dma_wait3A_58 : memref<1x128xi32, #tpu.memory_space<hbm>>) dst(%arg7 : memref<1x128xi32, #tpu.memory_space<vmem>>)
      tpu.yield
    }) : () -> ()
    %add3A_7 = arith.constant 0 : i32
    %add3A_8 = arith.addi %arg1, %add3A_7 : i32
    "tpu.region"() ({
      %run_scoped3A = tpu.sem_alloc : memref<!tpu.dma_semaphore, #tpu.memory_space<semaphore_mem>>
      %dma_start3A_44 = arith.constant 0 : i32
      %dma_start3A_45 = arith.constant 0 : i32
      %dma_start3A_46 = tpu.memref_slice %arg4[%add3A_8, %dma_start3A_44, %dma_start3A_45] : memref<1250x1x128xi32, #tpu.memory_space<hbm>> -> memref<1x1x128xi32, #tpu.memory_space<hbm>>
      %dma_start3A_47 = tpu.memref_squeeze %dma_start3A_46 : memref<1x1x128xi32, #tpu.memory_space<hbm>> -> memref<1x128xi32, #tpu.memory_space<hbm>>
      %dma_start3A_48 = arith.constant 0 : i32
      %dma_start3A_49 = arith.constant 0 : i32
      %dma_start3A_50 = tpu.memref_slice %arg4[%add3A_8, %dma_start3A_48, %dma_start3A_49] : memref<1250x1x128xi32, #tpu.memory_space<hbm>> -> memref<1x1x128xi32, #tpu.memory_space<hbm>>
      %dma_start3A_51 = tpu.memref_squeeze %dma_start3A_50 : memref<1x1x128xi32, #tpu.memory_space<hbm>> -> memref<1x128xi32, #tpu.memory_space<hbm>>
      tpu.enqueue_dma source(%dma_start3A_51 : memref<1x128xi32, #tpu.memory_space<hbm>>) target(%arg9 : memref<1x128xi32, #tpu.memory_space<vmem>>) target_semaphore(%run_scoped3A : memref<!tpu.dma_semaphore, #tpu.memory_space<semaphore_mem>>)
      %dma_wait3A = arith.constant 0 : i32
      %dma_wait3A_52 = arith.constant 0 : i32
      %dma_wait3A_53 = tpu.memref_slice %arg4[%add3A_8, %dma_wait3A, %dma_wait3A_52] : memref<1250x1x128xi32, #tpu.memory_space<hbm>> -> memref<1x1x128xi32, #tpu.memory_space<hbm>>
      %dma_wait3A_54 = tpu.memref_squeeze %dma_wait3A_53 : memref<1x1x128xi32, #tpu.memory_space<hbm>> -> memref<1x128xi32, #tpu.memory_space<hbm>>
      %dma_wait3A_55 = arith.constant 0 : i32
      %dma_wait3A_56 = arith.constant 0 : i32
      %dma_wait3A_57 = tpu.memref_slice %arg4[%add3A_8, %dma_wait3A_55, %dma_wait3A_56] : memref<1250x1x128xi32, #tpu.memory_space<hbm>> -> memref<1x1x128xi32, #tpu.memory_space<hbm>>
      %dma_wait3A_58 = tpu.memref_squeeze %dma_wait3A_57 : memref<1x1x128xi32, #tpu.memory_space<hbm>> -> memref<1x128xi32, #tpu.memory_space<hbm>>
      tpu.wait_dma2 semaphore(%run_scoped3A : memref<!tpu.dma_semaphore, #tpu.memory_space<semaphore_mem>>) src(%dma_wait3A_58 : memref<1x128xi32, #tpu.memory_space<hbm>>) dst(%arg9 : memref<1x128xi32, #tpu.memory_space<vmem>>)
      tpu.yield
    }) : () -> ()
    %dma_start3A = arith.constant 0 : i32
    %dma_start3A_9 = arith.constant 0 : i32
    %dma_start3A_10 = tpu.memref_slice %arg7[%dma_start3A, %dma_start3A_9] : memref<1x128xi32, #tpu.memory_space<vmem>> -> memref<1x128xi32, #tpu.memory_space<vmem>>
    %dma_start3A_11 = tpu.memref_squeeze %dma_start3A_10 : memref<1x128xi32, #tpu.memory_space<vmem>> -> memref<128xi32, #tpu.memory_space<vmem>>
    %dma_start3A_12 = arith.constant 0 : i32
    %dma_start3A_13 = arith.constant 0 : i32
    %dma_start3A_14 = tpu.memref_slice %arg2[%dma_start3A_12, %dma_start3A_13] : memref<20000x128xf32, #tpu.memory_space<hbm>> -> memref<20000x128xf32, #tpu.memory_space<hbm>>
    tpu.enqueue_indirect_dma source(%dma_start3A_14 : memref<20000x128xf32, #tpu.memory_space<hbm>>) target(%arg11 : memref<128x128xf32, #tpu.memory_space<vmem>>) offsets(%dma_start3A_11 : memref<128xi32, #tpu.memory_space<vmem>>) semaphore(%arg13 : memref<!tpu.dma_semaphore, #tpu.memory_space<semaphore_mem>>)
    %mul3A_15 = arith.constant 1250 : i32
    %mul3A_16 = arith.muli %arg0, %mul3A_15 : i32
    %add3A_17 = arith.constant 16 : i32
    %add3A_18 = arith.addi %arg1, %add3A_17 : i32
    %add3A_19 = arith.addi %mul3A_16, %add3A_18 : i32
    "tpu.region"() ({
      %run_scoped3A = tpu.sem_alloc : memref<!tpu.dma_semaphore, #tpu.memory_space<semaphore_mem>>
      %dma_start3A_44 = arith.constant 0 : i32
      %dma_start3A_45 = arith.constant 0 : i32
      %dma_start3A_46 = tpu.memref_slice %arg3[%add3A_19, %dma_start3A_44, %dma_start3A_45] : memref<2500x1x128xi32, #tpu.memory_space<hbm>> -> memref<1x1x128xi32, #tpu.memory_space<hbm>>
      %dma_start3A_47 = tpu.memref_squeeze %dma_start3A_46 : memref<1x1x128xi32, #tpu.memory_space<hbm>> -> memref<1x128xi32, #tpu.memory_space<hbm>>
      %dma_start3A_48 = arith.constant 0 : i32
      %dma_start3A_49 = arith.constant 0 : i32
      %dma_start3A_50 = tpu.memref_slice %arg3[%add3A_19, %dma_start3A_48, %dma_start3A_49] : memref<2500x1x128xi32, #tpu.memory_space<hbm>> -> memref<1x1x128xi32, #tpu.memory_space<hbm>>
      %dma_start3A_51 = tpu.memref_squeeze %dma_start3A_50 : memref<1x1x128xi32, #tpu.memory_space<hbm>> -> memref<1x128xi32, #tpu.memory_space<hbm>>
      tpu.enqueue_dma source(%dma_start3A_51 : memref<1x128xi32, #tpu.memory_space<hbm>>) target(%arg8 : memref<1x128xi32, #tpu.memory_space<vmem>>) target_semaphore(%run_scoped3A : memref<!tpu.dma_semaphore, #tpu.memory_space<semaphore_mem>>)
      %dma_wait3A = arith.constant 0 : i32
      %dma_wait3A_52 = arith.constant 0 : i32
      %dma_wait3A_53 = tpu.memref_slice %arg3[%add3A_19, %dma_wait3A, %dma_wait3A_52] : memref<2500x1x128xi32, #tpu.memory_space<hbm>> -> memref<1x1x128xi32, #tpu.memory_space<hbm>>
      %dma_wait3A_54 = tpu.memref_squeeze %dma_wait3A_53 : memref<1x1x128xi32, #tpu.memory_space<hbm>> -> memref<1x128xi32, #tpu.memory_space<hbm>>
      %dma_wait3A_55 = arith.constant 0 : i32
      %dma_wait3A_56 = arith.constant 0 : i32
      %dma_wait3A_57 = tpu.memref_slice %arg3[%add3A_19, %dma_wait3A_55, %dma_wait3A_56] : memref<2500x1x128xi32, #tpu.memory_space<hbm>> -> memref<1x1x128xi32, #tpu.memory_space<hbm>>
      %dma_wait3A_58 = tpu.memref_squeeze %dma_wait3A_57 : memref<1x1x128xi32, #tpu.memory_space<hbm>> -> memref<1x128xi32, #tpu.memory_space<hbm>>
      tpu.wait_dma2 semaphore(%run_scoped3A : memref<!tpu.dma_semaphore, #tpu.memory_space<semaphore_mem>>) src(%dma_wait3A_58 : memref<1x128xi32, #tpu.memory_space<hbm>>) dst(%arg8 : memref<1x128xi32, #tpu.memory_space<vmem>>)
      tpu.yield
    }) : () -> ()
    %add3A_20 = arith.constant 16 : i32
    %add3A_21 = arith.addi %arg1, %add3A_20 : i32
    "tpu.region"() ({
      %run_scoped3A = tpu.sem_alloc : memref<!tpu.dma_semaphore, #tpu.memory_space<semaphore_mem>>
      %dma_start3A_44 = arith.constant 0 : i32
      %dma_start3A_45 = arith.constant 0 : i32
      %dma_start3A_46 = tpu.memref_slice %arg4[%add3A_21, %dma_start3A_44, %dma_start3A_45] : memref<1250x1x128xi32, #tpu.memory_space<hbm>> -> memref<1x1x128xi32, #tpu.memory_space<hbm>>
      %dma_start3A_47 = tpu.memref_squeeze %dma_start3A_46 : memref<1x1x128xi32, #tpu.memory_space<hbm>> -> memref<1x128xi32, #tpu.memory_space<hbm>>
      %dma_start3A_48 = arith.constant 0 : i32
      %dma_start3A_49 = arith.constant 0 : i32
      %dma_start3A_50 = tpu.memref_slice %arg4[%add3A_21, %dma_start3A_48, %dma_start3A_49] : memref<1250x1x128xi32, #tpu.memory_space<hbm>> -> memref<1x1x128xi32, #tpu.memory_space<hbm>>
      %dma_start3A_51 = tpu.memref_squeeze %dma_start3A_50 : memref<1x1x128xi32, #tpu.memory_space<hbm>> -> memref<1x128xi32, #tpu.memory_space<hbm>>
      tpu.enqueue_dma source(%dma_start3A_51 : memref<1x128xi32, #tpu.memory_space<hbm>>) target(%arg10 : memref<1x128xi32, #tpu.memory_space<vmem>>) target_semaphore(%run_scoped3A : memref<!tpu.dma_semaphore, #tpu.memory_space<semaphore_mem>>)
      %dma_wait3A = arith.constant 0 : i32
      %dma_wait3A_52 = arith.constant 0 : i32
      %dma_wait3A_53 = tpu.memref_slice %arg4[%add3A_21, %dma_wait3A, %dma_wait3A_52] : memref<1250x1x128xi32, #tpu.memory_space<hbm>> -> memref<1x1x128xi32, #tpu.memory_space<hbm>>
      %dma_wait3A_54 = tpu.memref_squeeze %dma_wait3A_53 : memref<1x1x128xi32, #tpu.memory_space<hbm>> -> memref<1x128xi32, #tpu.memory_space<hbm>>
      %dma_wait3A_55 = arith.constant 0 : i32
      %dma_wait3A_56 = arith.constant 0 : i32
      %dma_wait3A_57 = tpu.memref_slice %arg4[%add3A_21, %dma_wait3A_55, %dma_wait3A_56] : memref<1250x1x128xi32, #tpu.memory_space<hbm>> -> memref<1x1x128xi32, #tpu.memory_space<hbm>>
      %dma_wait3A_58 = tpu.memref_squeeze %dma_wait3A_57 : memref<1x1x128xi32, #tpu.memory_space<hbm>> -> memref<1x128xi32, #tpu.memory_space<hbm>>
      tpu.wait_dma2 semaphore(%run_scoped3A : memref<!tpu.dma_semaphore, #tpu.memory_space<semaphore_mem>>) src(%dma_wait3A_58 : memref<1x128xi32, #tpu.memory_space<hbm>>) dst(%arg10 : memref<1x128xi32, #tpu.memory_space<vmem>>)
      tpu.yield
    }) : () -> ()
    %dma_start3A_22 = arith.constant 0 : i32
    %dma_start3A_23 = arith.constant 0 : i32
    %dma_start3A_24 = tpu.memref_slice %arg8[%dma_start3A_22, %dma_start3A_23] : memref<1x128xi32, #tpu.memory_space<vmem>> -> memref<1x128xi32, #tpu.memory_space<vmem>>
    %dma_start3A_25 = tpu.memref_squeeze %dma_start3A_24 : memref<1x128xi32, #tpu.memory_space<vmem>> -> memref<128xi32, #tpu.memory_space<vmem>>
    %dma_start3A_26 = arith.constant 0 : i32
    %dma_start3A_27 = arith.constant 0 : i32
    %dma_start3A_28 = tpu.memref_slice %arg2[%dma_start3A_26, %dma_start3A_27] : memref<20000x128xf32, #tpu.memory_space<hbm>> -> memref<20000x128xf32, #tpu.memory_space<hbm>>
    tpu.enqueue_indirect_dma source(%dma_start3A_28 : memref<20000x128xf32, #tpu.memory_space<hbm>>) target(%arg12 : memref<128x128xf32, #tpu.memory_space<vmem>>) offsets(%dma_start3A_25 : memref<128xi32, #tpu.memory_space<vmem>>) semaphore(%arg13 : memref<!tpu.dma_semaphore, #tpu.memory_space<semaphore_mem>>)
    %scan3A_29 = arith.constant 0 : i32
    %scan3A_30 = arith.constant 39 : i32
    %scan3A_31 = arith.addi %scan3A_29, %scan3A_30 : i32
    %scan3A_32 = arith.constant 1 : i32
    scf.for %scan3A_44 = %scan3A_29 to %scan3A_31 step %scan3A_32  : i32 {
      %mul3A_45 = arith.constant 1 : i32
      %mul3A_46 = arith.muli %scan3A_44, %mul3A_45 : i32
      %add3A_47 = arith.constant 0 : i32
      %add3A_48 = arith.addi %add3A_47, %mul3A_46 : i32
      %mul3A_49 = arith.constant 2 : i32
      %mul3A_50 = arith.muli %mul3A_49, %add3A_48 : i32
      %add3A_51 = arith.constant 0 : i32
      %add3A_52 = arith.addi %mul3A_50, %add3A_51 : i32
      %dma_wait3A = arith.constant 0 : i32
      %dma_wait3A_53 = arith.constant 0 : i32
      %dma_wait3A_54 = tpu.memref_slice %arg7[%dma_wait3A, %dma_wait3A_53] : memref<1x128xi32, #tpu.memory_space<vmem>> -> memref<1x128xi32, #tpu.memory_space<vmem>>
      %dma_wait3A_55 = tpu.memref_squeeze %dma_wait3A_54 : memref<1x128xi32, #tpu.memory_space<vmem>> -> memref<128xi32, #tpu.memory_space<vmem>>
      %dma_wait3A_56 = arith.constant 0 : i32
      %dma_wait3A_57 = arith.constant 0 : i32
      %dma_wait3A_58 = tpu.memref_slice %arg2[%dma_wait3A_56, %dma_wait3A_57] : memref<20000x128xf32, #tpu.memory_space<hbm>> -> memref<20000x128xf32, #tpu.memory_space<hbm>>
      tpu.wait_indirect_dma semaphore(%arg13 : memref<!tpu.dma_semaphore, #tpu.memory_space<semaphore_mem>>) src(%dma_wait3A_58 : memref<20000x128xf32, #tpu.memory_space<hbm>>) dst(%arg11 : memref<128x128xf32, #tpu.memory_space<vmem>>)
      %run_scoped3A = arith.constant 0 : i32
      "tpu.region"() ({
        %run_scoped3A_85 = tpu.sem_alloc : memref<!tpu.dma_semaphore, #tpu.memory_space<semaphore_mem>>
        %dma_start3A_86 = arith.constant 0 : i32
        %dma_start3A_87 = tpu.memref_slice %arg9[%run_scoped3A, %dma_start3A_86] : memref<1x128xi32, #tpu.memory_space<vmem>> -> memref<1x128xi32, #tpu.memory_space<vmem>>
        %dma_start3A_88 = tpu.memref_squeeze %dma_start3A_87 : memref<1x128xi32, #tpu.memory_space<vmem>> -> memref<128xi32, #tpu.memory_space<vmem>>
        %dma_start3A_89 = arith.constant 0 : i32
        %dma_start3A_90 = arith.constant 0 : i32
        %dma_start3A_91 = tpu.memref_slice %arg14[%dma_start3A_89, %dma_start3A_90] : memref<10240x128xf32, #tpu.memory_space<vmem_shared>> -> memref<10240x128xf32, #tpu.memory_space<vmem_shared>>
        tpu.enqueue_indirect_dma source(%arg11 : memref<128x128xf32, #tpu.memory_space<vmem>>) target(%dma_start3A_91 : memref<10240x128xf32, #tpu.memory_space<vmem_shared>>) offsets(%dma_start3A_88 : memref<128xi32, #tpu.memory_space<vmem>>) semaphore(%run_scoped3A_85 : memref<!tpu.dma_semaphore, #tpu.memory_space<semaphore_mem>>) {add = true}
        %dma_wait3A_92 = arith.constant 0 : i32
        %dma_wait3A_93 = tpu.memref_slice %arg9[%run_scoped3A, %dma_wait3A_92] : memref<1x128xi32, #tpu.memory_space<vmem>> -> memref<1x128xi32, #tpu.memory_space<vmem>>
        %dma_wait3A_94 = tpu.memref_squeeze %dma_wait3A_93 : memref<1x128xi32, #tpu.memory_space<vmem>> -> memref<128xi32, #tpu.memory_space<vmem>>
        %dma_wait3A_95 = arith.constant 0 : i32
        %dma_wait3A_96 = arith.constant 0 : i32
        %dma_wait3A_97 = tpu.memref_slice %arg14[%dma_wait3A_95, %dma_wait3A_96] : memref<10240x128xf32, #tpu.memory_space<vmem_shared>> -> memref<10240x128xf32, #tpu.memory_space<vmem_shared>>
        tpu.wait_indirect_dma semaphore(%run_scoped3A_85 : memref<!tpu.dma_semaphore, #tpu.memory_space<semaphore_mem>>) src(%arg11 : memref<128x128xf32, #tpu.memory_space<vmem>>) dst(%dma_wait3A_97 : memref<10240x128xf32, #tpu.memory_space<vmem_shared>>)
        tpu.yield
      }) : () -> ()
      %add3A_59 = arith.constant 2 : i32
      %add3A_60 = arith.addi %add3A_52, %add3A_59 : i32
      %lt3A_61 = arith.constant 78 : i32
      %lt3A_62 = arith.cmpi slt, %add3A_60, %lt3A_61 : i32
      %convert_element_type3A_63 = arith.extui %lt3A_62 : i1 to i32
      %cond3A_64 = arith.constant 0 : i32
      %cond3A_65 = arith.cmpi ne, %convert_element_type3A_63, %cond3A_64 : i32
      scf.if %cond3A_65 {
        %mul3A_85 = arith.constant 1250 : i32
        %mul3A_86 = arith.muli %arg0, %mul3A_85 : i32
        %add3A_87 = arith.constant 2 : i32
        %add3A_88 = arith.addi %add3A_52, %add3A_87 : i32
        %mul3A_89 = arith.constant 16 : i32
        %mul3A_90 = arith.muli %mul3A_89, %add3A_88 : i32
        %add3A_91 = arith.addi %arg1, %mul3A_90 : i32
        %add3A_92 = arith.addi %mul3A_86, %add3A_91 : i32
        "tpu.region"() ({
          %run_scoped3A_105 = tpu.sem_alloc : memref<!tpu.dma_semaphore, #tpu.memory_space<semaphore_mem>>
          %dma_start3A_106 = arith.constant 0 : i32
          %dma_start3A_107 = arith.constant 0 : i32
          %dma_start3A_108 = tpu.memref_slice %arg3[%add3A_92, %dma_start3A_106, %dma_start3A_107] : memref<2500x1x128xi32, #tpu.memory_space<hbm>> -> memref<1x1x128xi32, #tpu.memory_space<hbm>>
          %dma_start3A_109 = tpu.memref_squeeze %dma_start3A_108 : memref<1x1x128xi32, #tpu.memory_space<hbm>> -> memref<1x128xi32, #tpu.memory_space<hbm>>
          %dma_start3A_110 = arith.constant 0 : i32
          %dma_start3A_111 = arith.constant 0 : i32
          %dma_start3A_112 = tpu.memref_slice %arg3[%add3A_92, %dma_start3A_110, %dma_start3A_111] : memref<2500x1x128xi32, #tpu.memory_space<hbm>> -> memref<1x1x128xi32, #tpu.memory_space<hbm>>
          %dma_start3A_113 = tpu.memref_squeeze %dma_start3A_112 : memref<1x1x128xi32, #tpu.memory_space<hbm>> -> memref<1x128xi32, #tpu.memory_space<hbm>>
          tpu.enqueue_dma source(%dma_start3A_113 : memref<1x128xi32, #tpu.memory_space<hbm>>) target(%arg7 : memref<1x128xi32, #tpu.memory_space<vmem>>) target_semaphore(%run_scoped3A_105 : memref<!tpu.dma_semaphore, #tpu.memory_space<semaphore_mem>>)
          %dma_wait3A_114 = arith.constant 0 : i32
          %dma_wait3A_115 = arith.constant 0 : i32
          %dma_wait3A_116 = tpu.memref_slice %arg3[%add3A_92, %dma_wait3A_114, %dma_wait3A_115] : memref<2500x1x128xi32, #tpu.memory_space<hbm>> -> memref<1x1x128xi32, #tpu.memory_space<hbm>>
          %dma_wait3A_117 = tpu.memref_squeeze %dma_wait3A_116 : memref<1x1x128xi32, #tpu.memory_space<hbm>> -> memref<1x128xi32, #tpu.memory_space<hbm>>
          %dma_wait3A_118 = arith.constant 0 : i32
          %dma_wait3A_119 = arith.constant 0 : i32
          %dma_wait3A_120 = tpu.memref_slice %arg3[%add3A_92, %dma_wait3A_118, %dma_wait3A_119] : memref<2500x1x128xi32, #tpu.memory_space<hbm>> -> memref<1x1x128xi32, #tpu.memory_space<hbm>>
          %dma_wait3A_121 = tpu.memref_squeeze %dma_wait3A_120 : memref<1x1x128xi32, #tpu.memory_space<hbm>> -> memref<1x128xi32, #tpu.memory_space<hbm>>
          tpu.wait_dma2 semaphore(%run_scoped3A_105 : memref<!tpu.dma_semaphore, #tpu.memory_space<semaphore_mem>>) src(%dma_wait3A_121 : memref<1x128xi32, #tpu.memory_space<hbm>>) dst(%arg7 : memref<1x128xi32, #tpu.memory_space<vmem>>)
          tpu.yield
        }) : () -> ()
        %add3A_93 = arith.constant 2 : i32
        %add3A_94 = arith.addi %add3A_52, %add3A_93 : i32
        %mul3A_95 = arith.constant 16 : i32
        %mul3A_96 = arith.muli %mul3A_95, %add3A_94 : i32
        %add3A_97 = arith.addi %arg1, %mul3A_96 : i32
        "tpu.region"() ({
          %run_scoped3A_105 = tpu.sem_alloc : memref<!tpu.dma_semaphore, #tpu.memory_space<semaphore_mem>>
          %dma_start3A_106 = arith.constant 0 : i32
          %dma_start3A_107 = arith.constant 0 : i32
          %dma_start3A_108 = tpu.memref_slice %arg4[%add3A_97, %dma_start3A_106, %dma_start3A_107] : memref<1250x1x128xi32, #tpu.memory_space<hbm>> -> memref<1x1x128xi32, #tpu.memory_space<hbm>>
          %dma_start3A_109 = tpu.memref_squeeze %dma_start3A_108 : memref<1x1x128xi32, #tpu.memory_space<hbm>> -> memref<1x128xi32, #tpu.memory_space<hbm>>
          %dma_start3A_110 = arith.constant 0 : i32
          %dma_start3A_111 = arith.constant 0 : i32
          %dma_start3A_112 = tpu.memref_slice %arg4[%add3A_97, %dma_start3A_110, %dma_start3A_111] : memref<1250x1x128xi32, #tpu.memory_space<hbm>> -> memref<1x1x128xi32, #tpu.memory_space<hbm>>
          %dma_start3A_113 = tpu.memref_squeeze %dma_start3A_112 : memref<1x1x128xi32, #tpu.memory_space<hbm>> -> memref<1x128xi32, #tpu.memory_space<hbm>>
          tpu.enqueue_dma source(%dma_start3A_113 : memref<1x128xi32, #tpu.memory_space<hbm>>) target(%arg9 : memref<1x128xi32, #tpu.memory_space<vmem>>) target_semaphore(%run_scoped3A_105 : memref<!tpu.dma_semaphore, #tpu.memory_space<semaphore_mem>>)
          %dma_wait3A_114 = arith.constant 0 : i32
          %dma_wait3A_115 = arith.constant 0 : i32
          %dma_wait3A_116 = tpu.memref_slice %arg4[%add3A_97, %dma_wait3A_114, %dma_wait3A_115] : memref<1250x1x128xi32, #tpu.memory_space<hbm>> -> memref<1x1x128xi32, #tpu.memory_space<hbm>>
          %dma_wait3A_117 = tpu.memref_squeeze %dma_wait3A_116 : memref<1x1x128xi32, #tpu.memory_space<hbm>> -> memref<1x128xi32, #tpu.memory_space<hbm>>
          %dma_wait3A_118 = arith.constant 0 : i32
          %dma_wait3A_119 = arith.constant 0 : i32
          %dma_wait3A_120 = tpu.memref_slice %arg4[%add3A_97, %dma_wait3A_118, %dma_wait3A_119] : memref<1250x1x128xi32, #tpu.memory_space<hbm>> -> memref<1x1x128xi32, #tpu.memory_space<hbm>>
          %dma_wait3A_121 = tpu.memref_squeeze %dma_wait3A_120 : memref<1x1x128xi32, #tpu.memory_space<hbm>> -> memref<1x128xi32, #tpu.memory_space<hbm>>
          tpu.wait_dma2 semaphore(%run_scoped3A_105 : memref<!tpu.dma_semaphore, #tpu.memory_space<semaphore_mem>>) src(%dma_wait3A_121 : memref<1x128xi32, #tpu.memory_space<hbm>>) dst(%arg9 : memref<1x128xi32, #tpu.memory_space<vmem>>)
          tpu.yield
        }) : () -> ()
        %dma_start3A_98 = arith.constant 0 : i32
        %dma_start3A_99 = arith.constant 0 : i32
        %dma_start3A_100 = tpu.memref_slice %arg7[%dma_start3A_98, %dma_start3A_99] : memref<1x128xi32, #tpu.memory_space<vmem>> -> memref<1x128xi32, #tpu.memory_space<vmem>>
        %dma_start3A_101 = tpu.memref_squeeze %dma_start3A_100 : memref<1x128xi32, #tpu.memory_space<vmem>> -> memref<128xi32, #tpu.memory_space<vmem>>
        %dma_start3A_102 = arith.constant 0 : i32
        %dma_start3A_103 = arith.constant 0 : i32
        %dma_start3A_104 = tpu.memref_slice %arg2[%dma_start3A_102, %dma_start3A_103] : memref<20000x128xf32, #tpu.memory_space<hbm>> -> memref<20000x128xf32, #tpu.memory_space<hbm>>
        tpu.enqueue_indirect_dma source(%dma_start3A_104 : memref<20000x128xf32, #tpu.memory_space<hbm>>) target(%arg11 : memref<128x128xf32, #tpu.memory_space<vmem>>) offsets(%dma_start3A_101 : memref<128xi32, #tpu.memory_space<vmem>>) semaphore(%arg13 : memref<!tpu.dma_semaphore, #tpu.memory_space<semaphore_mem>>)
      } else {
      }
      %mul3A_66 = arith.constant 2 : i32
      %mul3A_67 = arith.muli %mul3A_66, %add3A_48 : i32
      %add3A_68 = arith.constant 1 : i32
      %add3A_69 = arith.addi %mul3A_67, %add3A_68 : i32
      %dma_wait3A_70 = arith.constant 0 : i32
      %dma_wait3A_71 = arith.constant 0 : i32
      %dma_wait3A_72 = tpu.memref_slice %arg8[%dma_wait3A_70, %dma_wait3A_71] : memref<1x128xi32, #tpu.memory_space<vmem>> -> memref<1x128xi32, #tpu.memory_space<vmem>>
      %dma_wait3A_73 = tpu.memref_squeeze %dma_wait3A_72 : memref<1x128xi32, #tpu.memory_space<vmem>> -> memref<128xi32, #tpu.memory_space<vmem>>
      %dma_wait3A_74 = arith.constant 0 : i32
      %dma_wait3A_75 = arith.constant 0 : i32
      %dma_wait3A_76 = tpu.memref_slice %arg2[%dma_wait3A_74, %dma_wait3A_75] : memref<20000x128xf32, #tpu.memory_space<hbm>> -> memref<20000x128xf32, #tpu.memory_space<hbm>>
      tpu.wait_indirect_dma semaphore(%arg13 : memref<!tpu.dma_semaphore, #tpu.memory_space<semaphore_mem>>) src(%dma_wait3A_76 : memref<20000x128xf32, #tpu.memory_space<hbm>>) dst(%arg12 : memref<128x128xf32, #tpu.memory_space<vmem>>)
      %run_scoped3A_77 = arith.constant 0 : i32
      "tpu.region"() ({
        %run_scoped3A_85 = tpu.sem_alloc : memref<!tpu.dma_semaphore, #tpu.memory_space<semaphore_mem>>
        %dma_start3A_86 = arith.constant 0 : i32
        %dma_start3A_87 = tpu.memref_slice %arg10[%run_scoped3A_77, %dma_start3A_86] : memref<1x128xi32, #tpu.memory_space<vmem>> -> memref<1x128xi32, #tpu.memory_space<vmem>>
        %dma_start3A_88 = tpu.memref_squeeze %dma_start3A_87 : memref<1x128xi32, #tpu.memory_space<vmem>> -> memref<128xi32, #tpu.memory_space<vmem>>
        %dma_start3A_89 = arith.constant 0 : i32
        %dma_start3A_90 = arith.constant 0 : i32
        %dma_start3A_91 = tpu.memref_slice %arg14[%dma_start3A_89, %dma_start3A_90] : memref<10240x128xf32, #tpu.memory_space<vmem_shared>> -> memref<10240x128xf32, #tpu.memory_space<vmem_shared>>
        tpu.enqueue_indirect_dma source(%arg12 : memref<128x128xf32, #tpu.memory_space<vmem>>) target(%dma_start3A_91 : memref<10240x128xf32, #tpu.memory_space<vmem_shared>>) offsets(%dma_start3A_88 : memref<128xi32, #tpu.memory_space<vmem>>) semaphore(%run_scoped3A_85 : memref<!tpu.dma_semaphore, #tpu.memory_space<semaphore_mem>>) {add = true}
        %dma_wait3A_92 = arith.constant 0 : i32
        %dma_wait3A_93 = tpu.memref_slice %arg10[%run_scoped3A_77, %dma_wait3A_92] : memref<1x128xi32, #tpu.memory_space<vmem>> -> memref<1x128xi32, #tpu.memory_space<vmem>>
        %dma_wait3A_94 = tpu.memref_squeeze %dma_wait3A_93 : memref<1x128xi32, #tpu.memory_space<vmem>> -> memref<128xi32, #tpu.memory_space<vmem>>
        %dma_wait3A_95 = arith.constant 0 : i32
        %dma_wait3A_96 = arith.constant 0 : i32
        %dma_wait3A_97 = tpu.memref_slice %arg14[%dma_wait3A_95, %dma_wait3A_96] : memref<10240x128xf32, #tpu.memory_space<vmem_shared>> -> memref<10240x128xf32, #tpu.memory_space<vmem_shared>>
        tpu.wait_indirect_dma semaphore(%run_scoped3A_85 : memref<!tpu.dma_semaphore, #tpu.memory_space<semaphore_mem>>) src(%arg12 : memref<128x128xf32, #tpu.memory_space<vmem>>) dst(%dma_wait3A_97 : memref<10240x128xf32, #tpu.memory_space<vmem_shared>>)
        tpu.yield
      }) : () -> ()
      %add3A_78 = arith.constant 2 : i32
      %add3A_79 = arith.addi %add3A_69, %add3A_78 : i32
      %lt3A_80 = arith.constant 78 : i32
      %lt3A_81 = arith.cmpi slt, %add3A_79, %lt3A_80 : i32
      %convert_element_type3A_82 = arith.extui %lt3A_81 : i1 to i32
      %cond3A_83 = arith.constant 0 : i32
      %cond3A_84 = arith.cmpi ne, %convert_element_type3A_82, %cond3A_83 : i32
      scf.if %cond3A_84 {
        %mul3A_85 = arith.constant 1250 : i32
        %mul3A_86 = arith.muli %arg0, %mul3A_85 : i32
        %add3A_87 = arith.constant 2 : i32
        %add3A_88 = arith.addi %add3A_69, %add3A_87 : i32
        %mul3A_89 = arith.constant 16 : i32
        %mul3A_90 = arith.muli %mul3A_89, %add3A_88 : i32
        %add3A_91 = arith.addi %arg1, %mul3A_90 : i32
        %add3A_92 = arith.addi %mul3A_86, %add3A_91 : i32
        "tpu.region"() ({
          %run_scoped3A_105 = tpu.sem_alloc : memref<!tpu.dma_semaphore, #tpu.memory_space<semaphore_mem>>
          %dma_start3A_106 = arith.constant 0 : i32
          %dma_start3A_107 = arith.constant 0 : i32
          %dma_start3A_108 = tpu.memref_slice %arg3[%add3A_92, %dma_start3A_106, %dma_start3A_107] : memref<2500x1x128xi32, #tpu.memory_space<hbm>> -> memref<1x1x128xi32, #tpu.memory_space<hbm>>
          %dma_start3A_109 = tpu.memref_squeeze %dma_start3A_108 : memref<1x1x128xi32, #tpu.memory_space<hbm>> -> memref<1x128xi32, #tpu.memory_space<hbm>>
          %dma_start3A_110 = arith.constant 0 : i32
          %dma_start3A_111 = arith.constant 0 : i32
          %dma_start3A_112 = tpu.memref_slice %arg3[%add3A_92, %dma_start3A_110, %dma_start3A_111] : memref<2500x1x128xi32, #tpu.memory_space<hbm>> -> memref<1x1x128xi32, #tpu.memory_space<hbm>>
          %dma_start3A_113 = tpu.memref_squeeze %dma_start3A_112 : memref<1x1x128xi32, #tpu.memory_space<hbm>> -> memref<1x128xi32, #tpu.memory_space<hbm>>
          tpu.enqueue_dma source(%dma_start3A_113 : memref<1x128xi32, #tpu.memory_space<hbm>>) target(%arg8 : memref<1x128xi32, #tpu.memory_space<vmem>>) target_semaphore(%run_scoped3A_105 : memref<!tpu.dma_semaphore, #tpu.memory_space<semaphore_mem>>)
          %dma_wait3A_114 = arith.constant 0 : i32
          %dma_wait3A_115 = arith.constant 0 : i32
          %dma_wait3A_116 = tpu.memref_slice %arg3[%add3A_92, %dma_wait3A_114, %dma_wait3A_115] : memref<2500x1x128xi32, #tpu.memory_space<hbm>> -> memref<1x1x128xi32, #tpu.memory_space<hbm>>
          %dma_wait3A_117 = tpu.memref_squeeze %dma_wait3A_116 : memref<1x1x128xi32, #tpu.memory_space<hbm>> -> memref<1x128xi32, #tpu.memory_space<hbm>>
          %dma_wait3A_118 = arith.constant 0 : i32
          %dma_wait3A_119 = arith.constant 0 : i32
          %dma_wait3A_120 = tpu.memref_slice %arg3[%add3A_92, %dma_wait3A_118, %dma_wait3A_119] : memref<2500x1x128xi32, #tpu.memory_space<hbm>> -> memref<1x1x128xi32, #tpu.memory_space<hbm>>
          %dma_wait3A_121 = tpu.memref_squeeze %dma_wait3A_120 : memref<1x1x128xi32, #tpu.memory_space<hbm>> -> memref<1x128xi32, #tpu.memory_space<hbm>>
          tpu.wait_dma2 semaphore(%run_scoped3A_105 : memref<!tpu.dma_semaphore, #tpu.memory_space<semaphore_mem>>) src(%dma_wait3A_121 : memref<1x128xi32, #tpu.memory_space<hbm>>) dst(%arg8 : memref<1x128xi32, #tpu.memory_space<vmem>>)
          tpu.yield
        }) : () -> ()
        %add3A_93 = arith.constant 2 : i32
        %add3A_94 = arith.addi %add3A_69, %add3A_93 : i32
        %mul3A_95 = arith.constant 16 : i32
        %mul3A_96 = arith.muli %mul3A_95, %add3A_94 : i32
        %add3A_97 = arith.addi %arg1, %mul3A_96 : i32
        "tpu.region"() ({
          %run_scoped3A_105 = tpu.sem_alloc : memref<!tpu.dma_semaphore, #tpu.memory_space<semaphore_mem>>
          %dma_start3A_106 = arith.constant 0 : i32
          %dma_start3A_107 = arith.constant 0 : i32
          %dma_start3A_108 = tpu.memref_slice %arg4[%add3A_97, %dma_start3A_106, %dma_start3A_107] : memref<1250x1x128xi32, #tpu.memory_space<hbm>> -> memref<1x1x128xi32, #tpu.memory_space<hbm>>
          %dma_start3A_109 = tpu.memref_squeeze %dma_start3A_108 : memref<1x1x128xi32, #tpu.memory_space<hbm>> -> memref<1x128xi32, #tpu.memory_space<hbm>>
          %dma_start3A_110 = arith.constant 0 : i32
          %dma_start3A_111 = arith.constant 0 : i32
          %dma_start3A_112 = tpu.memref_slice %arg4[%add3A_97, %dma_start3A_110, %dma_start3A_111] : memref<1250x1x128xi32, #tpu.memory_space<hbm>> -> memref<1x1x128xi32, #tpu.memory_space<hbm>>
          %dma_start3A_113 = tpu.memref_squeeze %dma_start3A_112 : memref<1x1x128xi32, #tpu.memory_space<hbm>> -> memref<1x128xi32, #tpu.memory_space<hbm>>
          tpu.enqueue_dma source(%dma_start3A_113 : memref<1x128xi32, #tpu.memory_space<hbm>>) target(%arg10 : memref<1x128xi32, #tpu.memory_space<vmem>>) target_semaphore(%run_scoped3A_105 : memref<!tpu.dma_semaphore, #tpu.memory_space<semaphore_mem>>)
          %dma_wait3A_114 = arith.constant 0 : i32
          %dma_wait3A_115 = arith.constant 0 : i32
          %dma_wait3A_116 = tpu.memref_slice %arg4[%add3A_97, %dma_wait3A_114, %dma_wait3A_115] : memref<1250x1x128xi32, #tpu.memory_space<hbm>> -> memref<1x1x128xi32, #tpu.memory_space<hbm>>
          %dma_wait3A_117 = tpu.memref_squeeze %dma_wait3A_116 : memref<1x1x128xi32, #tpu.memory_space<hbm>> -> memref<1x128xi32, #tpu.memory_space<hbm>>
          %dma_wait3A_118 = arith.constant 0 : i32
          %dma_wait3A_119 = arith.constant 0 : i32
          %dma_wait3A_120 = tpu.memref_slice %arg4[%add3A_97, %dma_wait3A_118, %dma_wait3A_119] : memref<1250x1x128xi32, #tpu.memory_space<hbm>> -> memref<1x1x128xi32, #tpu.memory_space<hbm>>
          %dma_wait3A_121 = tpu.memref_squeeze %dma_wait3A_120 : memref<1x1x128xi32, #tpu.memory_space<hbm>> -> memref<1x128xi32, #tpu.memory_space<hbm>>
          tpu.wait_dma2 semaphore(%run_scoped3A_105 : memref<!tpu.dma_semaphore, #tpu.memory_space<semaphore_mem>>) src(%dma_wait3A_121 : memref<1x128xi32, #tpu.memory_space<hbm>>) dst(%arg10 : memref<1x128xi32, #tpu.memory_space<vmem>>)
          tpu.yield
        }) : () -> ()
        %dma_start3A_98 = arith.constant 0 : i32
        %dma_start3A_99 = arith.constant 0 : i32
        %dma_start3A_100 = tpu.memref_slice %arg8[%dma_start3A_98, %dma_start3A_99] : memref<1x128xi32, #tpu.memory_space<vmem>> -> memref<1x128xi32, #tpu.memory_space<vmem>>
        %dma_start3A_101 = tpu.memref_squeeze %dma_start3A_100 : memref<1x128xi32, #tpu.memory_space<vmem>> -> memref<128xi32, #tpu.memory_space<vmem>>
        %dma_start3A_102 = arith.constant 0 : i32
        %dma_start3A_103 = arith.constant 0 : i32
        %dma_start3A_104 = tpu.memref_slice %arg2[%dma_start3A_102, %dma_start3A_103] : memref<20000x128xf32, #tpu.memory_space<hbm>> -> memref<20000x128xf32, #tpu.memory_space<hbm>>
        tpu.enqueue_indirect_dma source(%dma_start3A_104 : memref<20000x128xf32, #tpu.memory_space<hbm>>) target(%arg12 : memref<128x128xf32, #tpu.memory_space<vmem>>) offsets(%dma_start3A_101 : memref<128xi32, #tpu.memory_space<vmem>>) semaphore(%arg13 : memref<!tpu.dma_semaphore, #tpu.memory_space<semaphore_mem>>)
      } else {
      }
    }
    %scan3A_33 = arith.constant 39 : i32
    %lt3A = arith.constant 2 : i32
    %lt3A_34 = arith.cmpi slt, %arg1, %lt3A : i32
    %convert_element_type3A = arith.extui %lt3A_34 : i1 to i32
    %cond3A = arith.constant 0 : i32
    %cond3A_35 = arith.cmpi ne, %convert_element_type3A, %cond3A : i32
    scf.if %cond3A_35 {
      %add3A_44 = arith.constant 1248 : i32
      %add3A_45 = arith.addi %arg1, %add3A_44 : i32
      %mul3A_46 = arith.constant 1250 : i32
      %mul3A_47 = arith.muli %arg0, %mul3A_46 : i32
      %add3A_48 = arith.addi %mul3A_47, %add3A_45 : i32
      "tpu.region"() ({
        %run_scoped3A_50 = tpu.sem_alloc : memref<!tpu.dma_semaphore, #tpu.memory_space<semaphore_mem>>
        %dma_start3A_51 = arith.constant 0 : i32
        %dma_start3A_52 = arith.constant 0 : i32
        %dma_start3A_53 = tpu.memref_slice %arg3[%add3A_48, %dma_start3A_51, %dma_start3A_52] : memref<2500x1x128xi32, #tpu.memory_space<hbm>> -> memref<1x1x128xi32, #tpu.memory_space<hbm>>
        %dma_start3A_54 = tpu.memref_squeeze %dma_start3A_53 : memref<1x1x128xi32, #tpu.memory_space<hbm>> -> memref<1x128xi32, #tpu.memory_space<hbm>>
        %dma_start3A_55 = arith.constant 0 : i32
        %dma_start3A_56 = arith.constant 0 : i32
        %dma_start3A_57 = tpu.memref_slice %arg3[%add3A_48, %dma_start3A_55, %dma_start3A_56] : memref<2500x1x128xi32, #tpu.memory_space<hbm>> -> memref<1x1x128xi32, #tpu.memory_space<hbm>>
        %dma_start3A_58 = tpu.memref_squeeze %dma_start3A_57 : memref<1x1x128xi32, #tpu.memory_space<hbm>> -> memref<1x128xi32, #tpu.memory_space<hbm>>
        tpu.enqueue_dma source(%dma_start3A_58 : memref<1x128xi32, #tpu.memory_space<hbm>>) target(%arg7 : memref<1x128xi32, #tpu.memory_space<vmem>>) target_semaphore(%run_scoped3A_50 : memref<!tpu.dma_semaphore, #tpu.memory_space<semaphore_mem>>)
        %dma_wait3A = arith.constant 0 : i32
        %dma_wait3A_59 = arith.constant 0 : i32
        %dma_wait3A_60 = tpu.memref_slice %arg3[%add3A_48, %dma_wait3A, %dma_wait3A_59] : memref<2500x1x128xi32, #tpu.memory_space<hbm>> -> memref<1x1x128xi32, #tpu.memory_space<hbm>>
        %dma_wait3A_61 = tpu.memref_squeeze %dma_wait3A_60 : memref<1x1x128xi32, #tpu.memory_space<hbm>> -> memref<1x128xi32, #tpu.memory_space<hbm>>
        %dma_wait3A_62 = arith.constant 0 : i32
        %dma_wait3A_63 = arith.constant 0 : i32
        %dma_wait3A_64 = tpu.memref_slice %arg3[%add3A_48, %dma_wait3A_62, %dma_wait3A_63] : memref<2500x1x128xi32, #tpu.memory_space<hbm>> -> memref<1x1x128xi32, #tpu.memory_space<hbm>>
        %dma_wait3A_65 = tpu.memref_squeeze %dma_wait3A_64 : memref<1x1x128xi32, #tpu.memory_space<hbm>> -> memref<1x128xi32, #tpu.memory_space<hbm>>
        tpu.wait_dma2 semaphore(%run_scoped3A_50 : memref<!tpu.dma_semaphore, #tpu.memory_space<semaphore_mem>>) src(%dma_wait3A_65 : memref<1x128xi32, #tpu.memory_space<hbm>>) dst(%arg7 : memref<1x128xi32, #tpu.memory_space<vmem>>)
        tpu.yield
      }) : () -> ()
      "tpu.region"() ({
        %run_scoped3A_50 = tpu.sem_alloc : memref<!tpu.dma_semaphore, #tpu.memory_space<semaphore_mem>>
        %dma_start3A_51 = arith.constant 0 : i32
        %dma_start3A_52 = arith.constant 0 : i32
        %dma_start3A_53 = tpu.memref_slice %arg4[%add3A_45, %dma_start3A_51, %dma_start3A_52] : memref<1250x1x128xi32, #tpu.memory_space<hbm>> -> memref<1x1x128xi32, #tpu.memory_space<hbm>>
        %dma_start3A_54 = tpu.memref_squeeze %dma_start3A_53 : memref<1x1x128xi32, #tpu.memory_space<hbm>> -> memref<1x128xi32, #tpu.memory_space<hbm>>
        %dma_start3A_55 = arith.constant 0 : i32
        %dma_start3A_56 = arith.constant 0 : i32
        %dma_start3A_57 = tpu.memref_slice %arg4[%add3A_45, %dma_start3A_55, %dma_start3A_56] : memref<1250x1x128xi32, #tpu.memory_space<hbm>> -> memref<1x1x128xi32, #tpu.memory_space<hbm>>
        %dma_start3A_58 = tpu.memref_squeeze %dma_start3A_57 : memref<1x1x128xi32, #tpu.memory_space<hbm>> -> memref<1x128xi32, #tpu.memory_space<hbm>>
        tpu.enqueue_dma source(%dma_start3A_58 : memref<1x128xi32, #tpu.memory_space<hbm>>) target(%arg9 : memref<1x128xi32, #tpu.memory_space<vmem>>) target_semaphore(%run_scoped3A_50 : memref<!tpu.dma_semaphore, #tpu.memory_space<semaphore_mem>>)
        %dma_wait3A = arith.constant 0 : i32
        %dma_wait3A_59 = arith.constant 0 : i32
        %dma_wait3A_60 = tpu.memref_slice %arg4[%add3A_45, %dma_wait3A, %dma_wait3A_59] : memref<1250x1x128xi32, #tpu.memory_space<hbm>> -> memref<1x1x128xi32, #tpu.memory_space<hbm>>
        %dma_wait3A_61 = tpu.memref_squeeze %dma_wait3A_60 : memref<1x1x128xi32, #tpu.memory_space<hbm>> -> memref<1x128xi32, #tpu.memory_space<hbm>>
        %dma_wait3A_62 = arith.constant 0 : i32
        %dma_wait3A_63 = arith.constant 0 : i32
        %dma_wait3A_64 = tpu.memref_slice %arg4[%add3A_45, %dma_wait3A_62, %dma_wait3A_63] : memref<1250x1x128xi32, #tpu.memory_space<hbm>> -> memref<1x1x128xi32, #tpu.memory_space<hbm>>
        %dma_wait3A_65 = tpu.memref_squeeze %dma_wait3A_64 : memref<1x1x128xi32, #tpu.memory_space<hbm>> -> memref<1x128xi32, #tpu.memory_space<hbm>>
        tpu.wait_dma2 semaphore(%run_scoped3A_50 : memref<!tpu.dma_semaphore, #tpu.memory_space<semaphore_mem>>) src(%dma_wait3A_65 : memref<1x128xi32, #tpu.memory_space<hbm>>) dst(%arg9 : memref<1x128xi32, #tpu.memory_space<vmem>>)
        tpu.yield
      }) : () -> ()
      %run_scoped3A = arith.constant 0 : i32
      "tpu.region"() ({
        %run_scoped3A_50 = tpu.sem_alloc : memref<!tpu.dma_semaphore, #tpu.memory_space<semaphore_mem>>
        %dma_start3A_51 = arith.constant 0 : i32
        %dma_start3A_52 = tpu.memref_slice %arg7[%run_scoped3A, %dma_start3A_51] : memref<1x128xi32, #tpu.memory_space<vmem>> -> memref<1x128xi32, #tpu.memory_space<vmem>>
        %dma_start3A_53 = tpu.memref_squeeze %dma_start3A_52 : memref<1x128xi32, #tpu.memory_space<vmem>> -> memref<128xi32, #tpu.memory_space<vmem>>
        %dma_start3A_54 = arith.constant 0 : i32
        %dma_start3A_55 = arith.constant 0 : i32
        %dma_start3A_56 = tpu.memref_slice %arg2[%dma_start3A_54, %dma_start3A_55] : memref<20000x128xf32, #tpu.memory_space<hbm>> -> memref<20000x128xf32, #tpu.memory_space<hbm>>
        tpu.enqueue_indirect_dma source(%dma_start3A_56 : memref<20000x128xf32, #tpu.memory_space<hbm>>) target(%arg11 : memref<128x128xf32, #tpu.memory_space<vmem>>) offsets(%dma_start3A_53 : memref<128xi32, #tpu.memory_space<vmem>>) semaphore(%run_scoped3A_50 : memref<!tpu.dma_semaphore, #tpu.memory_space<semaphore_mem>>)
        %dma_wait3A = arith.constant 0 : i32
        %dma_wait3A_57 = tpu.memref_slice %arg7[%run_scoped3A, %dma_wait3A] : memref<1x128xi32, #tpu.memory_space<vmem>> -> memref<1x128xi32, #tpu.memory_space<vmem>>
        %dma_wait3A_58 = tpu.memref_squeeze %dma_wait3A_57 : memref<1x128xi32, #tpu.memory_space<vmem>> -> memref<128xi32, #tpu.memory_space<vmem>>
        %dma_wait3A_59 = arith.constant 0 : i32
        %dma_wait3A_60 = arith.constant 0 : i32
        %dma_wait3A_61 = tpu.memref_slice %arg2[%dma_wait3A_59, %dma_wait3A_60] : memref<20000x128xf32, #tpu.memory_space<hbm>> -> memref<20000x128xf32, #tpu.memory_space<hbm>>
        tpu.wait_indirect_dma semaphore(%run_scoped3A_50 : memref<!tpu.dma_semaphore, #tpu.memory_space<semaphore_mem>>) src(%dma_wait3A_61 : memref<20000x128xf32, #tpu.memory_space<hbm>>) dst(%arg11 : memref<128x128xf32, #tpu.memory_space<vmem>>)
        tpu.yield
      }) : () -> ()
      %run_scoped3A_49 = arith.constant 0 : i32
      "tpu.region"() ({
        %run_scoped3A_50 = tpu.sem_alloc : memref<!tpu.dma_semaphore, #tpu.memory_space<semaphore_mem>>
        %dma_start3A_51 = arith.constant 0 : i32
        %dma_start3A_52 = tpu.memref_slice %arg9[%run_scoped3A_49, %dma_start3A_51] : memref<1x128xi32, #tpu.memory_space<vmem>> -> memref<1x128xi32, #tpu.memory_space<vmem>>
        %dma_start3A_53 = tpu.memref_squeeze %dma_start3A_52 : memref<1x128xi32, #tpu.memory_space<vmem>> -> memref<128xi32, #tpu.memory_space<vmem>>
        %dma_start3A_54 = arith.constant 0 : i32
        %dma_start3A_55 = arith.constant 0 : i32
        %dma_start3A_56 = tpu.memref_slice %arg14[%dma_start3A_54, %dma_start3A_55] : memref<10240x128xf32, #tpu.memory_space<vmem_shared>> -> memref<10240x128xf32, #tpu.memory_space<vmem_shared>>
        tpu.enqueue_indirect_dma source(%arg11 : memref<128x128xf32, #tpu.memory_space<vmem>>) target(%dma_start3A_56 : memref<10240x128xf32, #tpu.memory_space<vmem_shared>>) offsets(%dma_start3A_53 : memref<128xi32, #tpu.memory_space<vmem>>) semaphore(%run_scoped3A_50 : memref<!tpu.dma_semaphore, #tpu.memory_space<semaphore_mem>>) {add = true}
        %dma_wait3A = arith.constant 0 : i32
        %dma_wait3A_57 = tpu.memref_slice %arg9[%run_scoped3A_49, %dma_wait3A] : memref<1x128xi32, #tpu.memory_space<vmem>> -> memref<1x128xi32, #tpu.memory_space<vmem>>
        %dma_wait3A_58 = tpu.memref_squeeze %dma_wait3A_57 : memref<1x128xi32, #tpu.memory_space<vmem>> -> memref<128xi32, #tpu.memory_space<vmem>>
        %dma_wait3A_59 = arith.constant 0 : i32
        %dma_wait3A_60 = arith.constant 0 : i32
        %dma_wait3A_61 = tpu.memref_slice %arg14[%dma_wait3A_59, %dma_wait3A_60] : memref<10240x128xf32, #tpu.memory_space<vmem_shared>> -> memref<10240x128xf32, #tpu.memory_space<vmem_shared>>
        tpu.wait_indirect_dma semaphore(%run_scoped3A_50 : memref<!tpu.dma_semaphore, #tpu.memory_space<semaphore_mem>>) src(%arg11 : memref<128x128xf32, #tpu.memory_space<vmem>>) dst(%dma_wait3A_61 : memref<10240x128xf32, #tpu.memory_space<vmem_shared>>)
        tpu.yield
      }) : () -> ()
    } else {
    }
    %barrier3A_36 = arith.constant 0 : index
    tpu.barrier barrier_id(%barrier3A_36)
    %mul3A_37 = arith.constant 640 : i32
    %mul3A_38 = arith.muli %arg1, %mul3A_37 : i32
    %mul3A_39 = arith.constant 10240 : i32
    %mul3A_40 = arith.muli %arg0, %mul3A_39 : i32
    %mul3A_41 = arith.constant 640 : i32
    %mul3A_42 = arith.muli %arg1, %mul3A_41 : i32
    %add3A_43 = arith.addi %mul3A_40, %mul3A_42 : i32
    "tpu.region"() ({
      %run_scoped3A = tpu.sem_alloc : memref<!tpu.dma_semaphore, #tpu.memory_space<semaphore_mem>>
      %dma_start3A_44 = arith.constant 0 : i32
      %dma_start3A_45 = tpu.memref_slice %arg6[%add3A_43, %dma_start3A_44] : memref<20480x128xf32, #tpu.memory_space<hbm>> -> memref<640x128xf32, #tpu.memory_space<hbm>>
      %dma_start3A_46 = arith.constant 0 : i32
      %dma_start3A_47 = tpu.memref_slice %arg14[%mul3A_38, %dma_start3A_46] : memref<10240x128xf32, #tpu.memory_space<vmem_shared>> -> memref<640x128xf32, #tpu.memory_space<vmem_shared>>
      tpu.enqueue_dma source(%dma_start3A_47 : memref<640x128xf32, #tpu.memory_space<vmem_shared>>) target(%dma_start3A_45 : memref<640x128xf32, #tpu.memory_space<hbm>>) target_semaphore(%run_scoped3A : memref<!tpu.dma_semaphore, #tpu.memory_space<semaphore_mem>>)
      %dma_wait3A = arith.constant 0 : i32
      %dma_wait3A_48 = tpu.memref_slice %arg6[%add3A_43, %dma_wait3A] : memref<20480x128xf32, #tpu.memory_space<hbm>> -> memref<640x128xf32, #tpu.memory_space<hbm>>
      %dma_wait3A_49 = arith.constant 0 : i32
      %dma_wait3A_50 = tpu.memref_slice %arg14[%mul3A_38, %dma_wait3A_49] : memref<10240x128xf32, #tpu.memory_space<vmem_shared>> -> memref<640x128xf32, #tpu.memory_space<vmem_shared>>
      tpu.wait_dma2 semaphore(%run_scoped3A : memref<!tpu.dma_semaphore, #tpu.memory_space<semaphore_mem>>) src(%dma_wait3A_50 : memref<640x128xf32, #tpu.memory_space<vmem_shared>>) dst(%dma_wait3A_48 : memref<640x128xf32, #tpu.memory_space<hbm>>)
      tpu.yield
    }) : () -> ()
    return
  }
}

#map = affine_map<(d0, d1) -> (0, 0)>
#map1 = affine_map<(d0, d1) -> (0, 0, 0)>
module attributes {stable_mosaic.version = 14 : i64} {
  func.func @agg_kernel(%arg0: i32, %arg1: i32, %arg2: memref<20000x128xf32, #tpu.memory_space<hbm>>, %arg3: memref<2500x1x128xi32, #tpu.memory_space<hbm>>, %arg4: memref<1250x1x128xi32, #tpu.memory_space<hbm>>, %arg5: memref<128x128xf32, #tpu.memory_space<hbm>>, %arg6: memref<20480x128xf32, #tpu.memory_space<hbm>>, %arg7: memref<1x128xi32, #tpu.memory_space<vmem>>, %arg8: memref<1x128xi32, #tpu.memory_space<vmem>>, %arg9: memref<1x128xi32, #tpu.memory_space<vmem>>, %arg10: memref<1x128xi32, #tpu.memory_space<vmem>>, %arg11: memref<128x128xf32, #tpu.memory_space<vmem>>, %arg12: memref<128x128xf32, #tpu.memory_space<vmem>>, %arg13: memref<!tpu.dma_semaphore, #tpu.memory_space<semaphore_mem>>, %arg14: memref<10240x128xf32, #tpu.memory_space<vmem_shared>>) attributes {dimension_semantics = [#tpu.dimension_semantics<core_parallel>, #tpu.dimension_semantics<subcore_parallel>], iteration_bounds = array<i64: 2, 16>, scalar_prefetch = 0 : i64, scratch_operands = 8 : i64, tpu.core_type = #tpu.core_type<sc_vector_subcore>, window_params = [{transform_indices = #map}, {transform_indices = #map1}, {transform_indices = #map1}, {transform_indices = #map}, {transform_indices = #map}]} {
    %scan3A = arith.constant 0 : i32
    %scan3A_0 = arith.constant 5 : i32
    %scan3A_1 = arith.addi %scan3A, %scan3A_0 : i32
    %scan3A_2 = arith.constant 1 : i32
    scf.for %scan3A_44 = %scan3A to %scan3A_1 step %scan3A_2  : i32 {
      %mul3A_45 = arith.constant 1 : i32
      %mul3A_46 = arith.muli %scan3A_44, %mul3A_45 : i32
      %add3A_47 = arith.constant 0 : i32
      %add3A_48 = arith.addi %add3A_47, %mul3A_46 : i32
      %mul3A_49 = arith.constant 640 : i32
      %mul3A_50 = arith.muli %arg1, %mul3A_49 : i32
      %mul3A_51 = arith.constant 128 : i32
      %mul3A_52 = arith.muli %add3A_48, %mul3A_51 : i32
      %add3A_53 = arith.addi %mul3A_50, %mul3A_52 : i32
      "tpu.region"() ({
        %run_scoped3A = tpu.sem_alloc : memref<!tpu.dma_semaphore, #tpu.memory_space<semaphore_mem>>
        %dma_start3A_54 = arith.constant 0 : i32
        %dma_start3A_55 = tpu.memref_slice %arg14[%add3A_53, %dma_start3A_54] : memref<10240x128xf32, #tpu.memory_space<vmem_shared>> -> memref<128x128xf32, #tpu.memory_space<vmem_shared>>
        tpu.enqueue_dma source(%arg5 : memref<128x128xf32, #tpu.memory_space<hbm>>) target(%dma_start3A_55 : memref<128x128xf32, #tpu.memory_space<vmem_shared>>) target_semaphore(%run_scoped3A : memref<!tpu.dma_semaphore, #tpu.memory_space<semaphore_mem>>)
        %dma_wait3A = arith.constant 0 : i32
        %dma_wait3A_56 = tpu.memref_slice %arg14[%add3A_53, %dma_wait3A] : memref<10240x128xf32, #tpu.memory_space<vmem_shared>> -> memref<128x128xf32, #tpu.memory_space<vmem_shared>>
        tpu.wait_dma2 semaphore(%run_scoped3A : memref<!tpu.dma_semaphore, #tpu.memory_space<semaphore_mem>>) src(%arg5 : memref<128x128xf32, #tpu.memory_space<hbm>>) dst(%dma_wait3A_56 : memref<128x128xf32, #tpu.memory_space<vmem_shared>>)
        tpu.yield
      }) : () -> ()
    }
    %scan3A_3 = arith.constant 5 : i32
    %barrier3A = arith.constant 0 : index
    tpu.barrier barrier_id(%barrier3A)
    %mul3A = arith.constant 1250 : i32
    %mul3A_4 = arith.muli %arg0, %mul3A : i32
    %add3A = arith.constant 0 : i32
    %add3A_5 = arith.addi %arg1, %add3A : i32
    %add3A_6 = arith.addi %mul3A_4, %add3A_5 : i32
    "tpu.region"() ({
      %run_scoped3A = tpu.sem_alloc : memref<!tpu.dma_semaphore, #tpu.memory_space<semaphore_mem>>
      %dma_start3A_44 = arith.constant 0 : i32
      %dma_start3A_45 = arith.constant 0 : i32
      %dma_start3A_46 = tpu.memref_slice %arg3[%add3A_6, %dma_start3A_44, %dma_start3A_45] : memref<2500x1x128xi32, #tpu.memory_space<hbm>> -> memref<1x1x128xi32, #tpu.memory_space<hbm>>
      %dma_start3A_47 = tpu.memref_squeeze %dma_start3A_46 : memref<1x1x128xi32, #tpu.memory_space<hbm>> -> memref<1x128xi32, #tpu.memory_space<hbm>>
      %dma_start3A_48 = arith.constant 0 : i32
      %dma_start3A_49 = arith.constant 0 : i32
      %dma_start3A_50 = tpu.memref_slice %arg3[%add3A_6, %dma_start3A_48, %dma_start3A_49] : memref<2500x1x128xi32, #tpu.memory_space<hbm>> -> memref<1x1x128xi32, #tpu.memory_space<hbm>>
      %dma_start3A_51 = tpu.memref_squeeze %dma_start3A_50 : memref<1x1x128xi32, #tpu.memory_space<hbm>> -> memref<1x128xi32, #tpu.memory_space<hbm>>
      tpu.enqueue_dma source(%dma_start3A_51 : memref<1x128xi32, #tpu.memory_space<hbm>>) target(%arg7 : memref<1x128xi32, #tpu.memory_space<vmem>>) target_semaphore(%run_scoped3A : memref<!tpu.dma_semaphore, #tpu.memory_space<semaphore_mem>>)
      %dma_wait3A = arith.constant 0 : i32
      %dma_wait3A_52 = arith.constant 0 : i32
      %dma_wait3A_53 = tpu.memref_slice %arg3[%add3A_6, %dma_wait3A, %dma_wait3A_52] : memref<2500x1x128xi32, #tpu.memory_space<hbm>> -> memref<1x1x128xi32, #tpu.memory_space<hbm>>
      %dma_wait3A_54 = tpu.memref_squeeze %dma_wait3A_53 : memref<1x1x128xi32, #tpu.memory_space<hbm>> -> memref<1x128xi32, #tpu.memory_space<hbm>>
      %dma_wait3A_55 = arith.constant 0 : i32
      %dma_wait3A_56 = arith.constant 0 : i32
      %dma_wait3A_57 = tpu.memref_slice %arg3[%add3A_6, %dma_wait3A_55, %dma_wait3A_56] : memref<2500x1x128xi32, #tpu.memory_space<hbm>> -> memref<1x1x128xi32, #tpu.memory_space<hbm>>
      %dma_wait3A_58 = tpu.memref_squeeze %dma_wait3A_57 : memref<1x1x128xi32, #tpu.memory_space<hbm>> -> memref<1x128xi32, #tpu.memory_space<hbm>>
      tpu.wait_dma2 semaphore(%run_scoped3A : memref<!tpu.dma_semaphore, #tpu.memory_space<semaphore_mem>>) src(%dma_wait3A_58 : memref<1x128xi32, #tpu.memory_space<hbm>>) dst(%arg7 : memref<1x128xi32, #tpu.memory_space<vmem>>)
      tpu.yield
    }) : () -> ()
    %add3A_7 = arith.constant 0 : i32
    %add3A_8 = arith.addi %arg1, %add3A_7 : i32
    "tpu.region"() ({
      %run_scoped3A = tpu.sem_alloc : memref<!tpu.dma_semaphore, #tpu.memory_space<semaphore_mem>>
      %dma_start3A_44 = arith.constant 0 : i32
      %dma_start3A_45 = arith.constant 0 : i32
      %dma_start3A_46 = tpu.memref_slice %arg4[%add3A_8, %dma_start3A_44, %dma_start3A_45] : memref<1250x1x128xi32, #tpu.memory_space<hbm>> -> memref<1x1x128xi32, #tpu.memory_space<hbm>>
      %dma_start3A_47 = tpu.memref_squeeze %dma_start3A_46 : memref<1x1x128xi32, #tpu.memory_space<hbm>> -> memref<1x128xi32, #tpu.memory_space<hbm>>
      %dma_start3A_48 = arith.constant 0 : i32
      %dma_start3A_49 = arith.constant 0 : i32
      %dma_start3A_50 = tpu.memref_slice %arg4[%add3A_8, %dma_start3A_48, %dma_start3A_49] : memref<1250x1x128xi32, #tpu.memory_space<hbm>> -> memref<1x1x128xi32, #tpu.memory_space<hbm>>
      %dma_start3A_51 = tpu.memref_squeeze %dma_start3A_50 : memref<1x1x128xi32, #tpu.memory_space<hbm>> -> memref<1x128xi32, #tpu.memory_space<hbm>>
      tpu.enqueue_dma source(%dma_start3A_51 : memref<1x128xi32, #tpu.memory_space<hbm>>) target(%arg9 : memref<1x128xi32, #tpu.memory_space<vmem>>) target_semaphore(%run_scoped3A : memref<!tpu.dma_semaphore, #tpu.memory_space<semaphore_mem>>)
      %dma_wait3A = arith.constant 0 : i32
      %dma_wait3A_52 = arith.constant 0 : i32
      %dma_wait3A_53 = tpu.memref_slice %arg4[%add3A_8, %dma_wait3A, %dma_wait3A_52] : memref<1250x1x128xi32, #tpu.memory_space<hbm>> -> memref<1x1x128xi32, #tpu.memory_space<hbm>>
      %dma_wait3A_54 = tpu.memref_squeeze %dma_wait3A_53 : memref<1x1x128xi32, #tpu.memory_space<hbm>> -> memref<1x128xi32, #tpu.memory_space<hbm>>
      %dma_wait3A_55 = arith.constant 0 : i32
      %dma_wait3A_56 = arith.constant 0 : i32
      %dma_wait3A_57 = tpu.memref_slice %arg4[%add3A_8, %dma_wait3A_55, %dma_wait3A_56] : memref<1250x1x128xi32, #tpu.memory_space<hbm>> -> memref<1x1x128xi32, #tpu.memory_space<hbm>>
      %dma_wait3A_58 = tpu.memref_squeeze %dma_wait3A_57 : memref<1x1x128xi32, #tpu.memory_space<hbm>> -> memref<1x128xi32, #tpu.memory_space<hbm>>
      tpu.wait_dma2 semaphore(%run_scoped3A : memref<!tpu.dma_semaphore, #tpu.memory_space<semaphore_mem>>) src(%dma_wait3A_58 : memref<1x128xi32, #tpu.memory_space<hbm>>) dst(%arg9 : memref<1x128xi32, #tpu.memory_space<vmem>>)
      tpu.yield
    }) : () -> ()
    %dma_start3A = arith.constant 0 : i32
    %dma_start3A_9 = arith.constant 0 : i32
    %dma_start3A_10 = tpu.memref_slice %arg7[%dma_start3A, %dma_start3A_9] : memref<1x128xi32, #tpu.memory_space<vmem>> -> memref<1x128xi32, #tpu.memory_space<vmem>>
    %dma_start3A_11 = tpu.memref_squeeze %dma_start3A_10 : memref<1x128xi32, #tpu.memory_space<vmem>> -> memref<128xi32, #tpu.memory_space<vmem>>
    %dma_start3A_12 = arith.constant 0 : i32
    %dma_start3A_13 = arith.constant 0 : i32
    %dma_start3A_14 = tpu.memref_slice %arg2[%dma_start3A_12, %dma_start3A_13] : memref<20000x128xf32, #tpu.memory_space<hbm>> -> memref<20000x128xf32, #tpu.memory_space<hbm>>
    tpu.enqueue_indirect_dma source(%dma_start3A_14 : memref<20000x128xf32, #tpu.memory_space<hbm>>) target(%arg11 : memref<128x128xf32, #tpu.memory_space<vmem>>) offsets(%dma_start3A_11 : memref<128xi32, #tpu.memory_space<vmem>>) semaphore(%arg13 : memref<!tpu.dma_semaphore, #tpu.memory_space<semaphore_mem>>)
    %mul3A_15 = arith.constant 1250 : i32
    %mul3A_16 = arith.muli %arg0, %mul3A_15 : i32
    %add3A_17 = arith.constant 16 : i32
    %add3A_18 = arith.addi %arg1, %add3A_17 : i32
    %add3A_19 = arith.addi %mul3A_16, %add3A_18 : i32
    "tpu.region"() ({
      %run_scoped3A = tpu.sem_alloc : memref<!tpu.dma_semaphore, #tpu.memory_space<semaphore_mem>>
      %dma_start3A_44 = arith.constant 0 : i32
      %dma_start3A_45 = arith.constant 0 : i32
      %dma_start3A_46 = tpu.memref_slice %arg3[%add3A_19, %dma_start3A_44, %dma_start3A_45] : memref<2500x1x128xi32, #tpu.memory_space<hbm>> -> memref<1x1x128xi32, #tpu.memory_space<hbm>>
      %dma_start3A_47 = tpu.memref_squeeze %dma_start3A_46 : memref<1x1x128xi32, #tpu.memory_space<hbm>> -> memref<1x128xi32, #tpu.memory_space<hbm>>
      %dma_start3A_48 = arith.constant 0 : i32
      %dma_start3A_49 = arith.constant 0 : i32
      %dma_start3A_50 = tpu.memref_slice %arg3[%add3A_19, %dma_start3A_48, %dma_start3A_49] : memref<2500x1x128xi32, #tpu.memory_space<hbm>> -> memref<1x1x128xi32, #tpu.memory_space<hbm>>
      %dma_start3A_51 = tpu.memref_squeeze %dma_start3A_50 : memref<1x1x128xi32, #tpu.memory_space<hbm>> -> memref<1x128xi32, #tpu.memory_space<hbm>>
      tpu.enqueue_dma source(%dma_start3A_51 : memref<1x128xi32, #tpu.memory_space<hbm>>) target(%arg8 : memref<1x128xi32, #tpu.memory_space<vmem>>) target_semaphore(%run_scoped3A : memref<!tpu.dma_semaphore, #tpu.memory_space<semaphore_mem>>)
      %dma_wait3A = arith.constant 0 : i32
      %dma_wait3A_52 = arith.constant 0 : i32
      %dma_wait3A_53 = tpu.memref_slice %arg3[%add3A_19, %dma_wait3A, %dma_wait3A_52] : memref<2500x1x128xi32, #tpu.memory_space<hbm>> -> memref<1x1x128xi32, #tpu.memory_space<hbm>>
      %dma_wait3A_54 = tpu.memref_squeeze %dma_wait3A_53 : memref<1x1x128xi32, #tpu.memory_space<hbm>> -> memref<1x128xi32, #tpu.memory_space<hbm>>
      %dma_wait3A_55 = arith.constant 0 : i32
      %dma_wait3A_56 = arith.constant 0 : i32
      %dma_wait3A_57 = tpu.memref_slice %arg3[%add3A_19, %dma_wait3A_55, %dma_wait3A_56] : memref<2500x1x128xi32, #tpu.memory_space<hbm>> -> memref<1x1x128xi32, #tpu.memory_space<hbm>>
      %dma_wait3A_58 = tpu.memref_squeeze %dma_wait3A_57 : memref<1x1x128xi32, #tpu.memory_space<hbm>> -> memref<1x128xi32, #tpu.memory_space<hbm>>
      tpu.wait_dma2 semaphore(%run_scoped3A : memref<!tpu.dma_semaphore, #tpu.memory_space<semaphore_mem>>) src(%dma_wait3A_58 : memref<1x128xi32, #tpu.memory_space<hbm>>) dst(%arg8 : memref<1x128xi32, #tpu.memory_space<vmem>>)
      tpu.yield
    }) : () -> ()
    %add3A_20 = arith.constant 16 : i32
    %add3A_21 = arith.addi %arg1, %add3A_20 : i32
    "tpu.region"() ({
      %run_scoped3A = tpu.sem_alloc : memref<!tpu.dma_semaphore, #tpu.memory_space<semaphore_mem>>
      %dma_start3A_44 = arith.constant 0 : i32
      %dma_start3A_45 = arith.constant 0 : i32
      %dma_start3A_46 = tpu.memref_slice %arg4[%add3A_21, %dma_start3A_44, %dma_start3A_45] : memref<1250x1x128xi32, #tpu.memory_space<hbm>> -> memref<1x1x128xi32, #tpu.memory_space<hbm>>
      %dma_start3A_47 = tpu.memref_squeeze %dma_start3A_46 : memref<1x1x128xi32, #tpu.memory_space<hbm>> -> memref<1x128xi32, #tpu.memory_space<hbm>>
      %dma_start3A_48 = arith.constant 0 : i32
      %dma_start3A_49 = arith.constant 0 : i32
      %dma_start3A_50 = tpu.memref_slice %arg4[%add3A_21, %dma_start3A_48, %dma_start3A_49] : memref<1250x1x128xi32, #tpu.memory_space<hbm>> -> memref<1x1x128xi32, #tpu.memory_space<hbm>>
      %dma_start3A_51 = tpu.memref_squeeze %dma_start3A_50 : memref<1x1x128xi32, #tpu.memory_space<hbm>> -> memref<1x128xi32, #tpu.memory_space<hbm>>
      tpu.enqueue_dma source(%dma_start3A_51 : memref<1x128xi32, #tpu.memory_space<hbm>>) target(%arg10 : memref<1x128xi32, #tpu.memory_space<vmem>>) target_semaphore(%run_scoped3A : memref<!tpu.dma_semaphore, #tpu.memory_space<semaphore_mem>>)
      %dma_wait3A = arith.constant 0 : i32
      %dma_wait3A_52 = arith.constant 0 : i32
      %dma_wait3A_53 = tpu.memref_slice %arg4[%add3A_21, %dma_wait3A, %dma_wait3A_52] : memref<1250x1x128xi32, #tpu.memory_space<hbm>> -> memref<1x1x128xi32, #tpu.memory_space<hbm>>
      %dma_wait3A_54 = tpu.memref_squeeze %dma_wait3A_53 : memref<1x1x128xi32, #tpu.memory_space<hbm>> -> memref<1x128xi32, #tpu.memory_space<hbm>>
      %dma_wait3A_55 = arith.constant 0 : i32
      %dma_wait3A_56 = arith.constant 0 : i32
      %dma_wait3A_57 = tpu.memref_slice %arg4[%add3A_21, %dma_wait3A_55, %dma_wait3A_56] : memref<1250x1x128xi32, #tpu.memory_space<hbm>> -> memref<1x1x128xi32, #tpu.memory_space<hbm>>
      %dma_wait3A_58 = tpu.memref_squeeze %dma_wait3A_57 : memref<1x1x128xi32, #tpu.memory_space<hbm>> -> memref<1x128xi32, #tpu.memory_space<hbm>>
      tpu.wait_dma2 semaphore(%run_scoped3A : memref<!tpu.dma_semaphore, #tpu.memory_space<semaphore_mem>>) src(%dma_wait3A_58 : memref<1x128xi32, #tpu.memory_space<hbm>>) dst(%arg10 : memref<1x128xi32, #tpu.memory_space<vmem>>)
      tpu.yield
    }) : () -> ()
    %dma_start3A_22 = arith.constant 0 : i32
    %dma_start3A_23 = arith.constant 0 : i32
    %dma_start3A_24 = tpu.memref_slice %arg8[%dma_start3A_22, %dma_start3A_23] : memref<1x128xi32, #tpu.memory_space<vmem>> -> memref<1x128xi32, #tpu.memory_space<vmem>>
    %dma_start3A_25 = tpu.memref_squeeze %dma_start3A_24 : memref<1x128xi32, #tpu.memory_space<vmem>> -> memref<128xi32, #tpu.memory_space<vmem>>
    %dma_start3A_26 = arith.constant 0 : i32
    %dma_start3A_27 = arith.constant 0 : i32
    %dma_start3A_28 = tpu.memref_slice %arg2[%dma_start3A_26, %dma_start3A_27] : memref<20000x128xf32, #tpu.memory_space<hbm>> -> memref<20000x128xf32, #tpu.memory_space<hbm>>
    tpu.enqueue_indirect_dma source(%dma_start3A_28 : memref<20000x128xf32, #tpu.memory_space<hbm>>) target(%arg12 : memref<128x128xf32, #tpu.memory_space<vmem>>) offsets(%dma_start3A_25 : memref<128xi32, #tpu.memory_space<vmem>>) semaphore(%arg13 : memref<!tpu.dma_semaphore, #tpu.memory_space<semaphore_mem>>)
    %scan3A_29 = arith.constant 0 : i32
    %scan3A_30 = arith.constant 39 : i32
    %scan3A_31 = arith.addi %scan3A_29, %scan3A_30 : i32
    %scan3A_32 = arith.constant 1 : i32
    scf.for %scan3A_44 = %scan3A_29 to %scan3A_31 step %scan3A_32  : i32 {
      %mul3A_45 = arith.constant 1 : i32
      %mul3A_46 = arith.muli %scan3A_44, %mul3A_45 : i32
      %add3A_47 = arith.constant 0 : i32
      %add3A_48 = arith.addi %add3A_47, %mul3A_46 : i32
      %mul3A_49 = arith.constant 2 : i32
      %mul3A_50 = arith.muli %mul3A_49, %add3A_48 : i32
      %add3A_51 = arith.constant 0 : i32
      %add3A_52 = arith.addi %mul3A_50, %add3A_51 : i32
      %dma_wait3A = arith.constant 0 : i32
      %dma_wait3A_53 = arith.constant 0 : i32
      %dma_wait3A_54 = tpu.memref_slice %arg7[%dma_wait3A, %dma_wait3A_53] : memref<1x128xi32, #tpu.memory_space<vmem>> -> memref<1x128xi32, #tpu.memory_space<vmem>>
      %dma_wait3A_55 = tpu.memref_squeeze %dma_wait3A_54 : memref<1x128xi32, #tpu.memory_space<vmem>> -> memref<128xi32, #tpu.memory_space<vmem>>
      %dma_wait3A_56 = arith.constant 0 : i32
      %dma_wait3A_57 = arith.constant 0 : i32
      %dma_wait3A_58 = tpu.memref_slice %arg2[%dma_wait3A_56, %dma_wait3A_57] : memref<20000x128xf32, #tpu.memory_space<hbm>> -> memref<20000x128xf32, #tpu.memory_space<hbm>>
      tpu.wait_indirect_dma semaphore(%arg13 : memref<!tpu.dma_semaphore, #tpu.memory_space<semaphore_mem>>) src(%dma_wait3A_58 : memref<20000x128xf32, #tpu.memory_space<hbm>>) dst(%arg11 : memref<128x128xf32, #tpu.memory_space<vmem>>)
      %run_scoped3A = arith.constant 0 : i32
      "tpu.region"() ({
        %run_scoped3A_85 = tpu.sem_alloc : memref<!tpu.dma_semaphore, #tpu.memory_space<semaphore_mem>>
        %dma_start3A_86 = arith.constant 0 : i32
        %dma_start3A_87 = tpu.memref_slice %arg9[%run_scoped3A, %dma_start3A_86] : memref<1x128xi32, #tpu.memory_space<vmem>> -> memref<1x128xi32, #tpu.memory_space<vmem>>
        %dma_start3A_88 = tpu.memref_squeeze %dma_start3A_87 : memref<1x128xi32, #tpu.memory_space<vmem>> -> memref<128xi32, #tpu.memory_space<vmem>>
        %dma_start3A_89 = arith.constant 0 : i32
        %dma_start3A_90 = arith.constant 0 : i32
        %dma_start3A_91 = tpu.memref_slice %arg14[%dma_start3A_89, %dma_start3A_90] : memref<10240x128xf32, #tpu.memory_space<vmem_shared>> -> memref<10240x128xf32, #tpu.memory_space<vmem_shared>>
        tpu.enqueue_indirect_dma source(%arg11 : memref<128x128xf32, #tpu.memory_space<vmem>>) target(%dma_start3A_91 : memref<10240x128xf32, #tpu.memory_space<vmem_shared>>) offsets(%dma_start3A_88 : memref<128xi32, #tpu.memory_space<vmem>>) semaphore(%run_scoped3A_85 : memref<!tpu.dma_semaphore, #tpu.memory_space<semaphore_mem>>) {add = true}
        %dma_wait3A_92 = arith.constant 0 : i32
        %dma_wait3A_93 = tpu.memref_slice %arg9[%run_scoped3A, %dma_wait3A_92] : memref<1x128xi32, #tpu.memory_space<vmem>> -> memref<1x128xi32, #tpu.memory_space<vmem>>
        %dma_wait3A_94 = tpu.memref_squeeze %dma_wait3A_93 : memref<1x128xi32, #tpu.memory_space<vmem>> -> memref<128xi32, #tpu.memory_space<vmem>>
        %dma_wait3A_95 = arith.constant 0 : i32
        %dma_wait3A_96 = arith.constant 0 : i32
        %dma_wait3A_97 = tpu.memref_slice %arg14[%dma_wait3A_95, %dma_wait3A_96] : memref<10240x128xf32, #tpu.memory_space<vmem_shared>> -> memref<10240x128xf32, #tpu.memory_space<vmem_shared>>
        tpu.wait_indirect_dma semaphore(%run_scoped3A_85 : memref<!tpu.dma_semaphore, #tpu.memory_space<semaphore_mem>>) src(%arg11 : memref<128x128xf32, #tpu.memory_space<vmem>>) dst(%dma_wait3A_97 : memref<10240x128xf32, #tpu.memory_space<vmem_shared>>)
        tpu.yield
      }) : () -> ()
      %add3A_59 = arith.constant 2 : i32
      %add3A_60 = arith.addi %add3A_52, %add3A_59 : i32
      %lt3A_61 = arith.constant 78 : i32
      %lt3A_62 = arith.cmpi slt, %add3A_60, %lt3A_61 : i32
      %convert_element_type3A_63 = arith.extui %lt3A_62 : i1 to i32
      %cond3A_64 = arith.constant 0 : i32
      %cond3A_65 = arith.cmpi ne, %convert_element_type3A_63, %cond3A_64 : i32
      scf.if %cond3A_65 {
        %mul3A_85 = arith.constant 1250 : i32
        %mul3A_86 = arith.muli %arg0, %mul3A_85 : i32
        %add3A_87 = arith.constant 2 : i32
        %add3A_88 = arith.addi %add3A_52, %add3A_87 : i32
        %mul3A_89 = arith.constant 16 : i32
        %mul3A_90 = arith.muli %mul3A_89, %add3A_88 : i32
        %add3A_91 = arith.addi %arg1, %mul3A_90 : i32
        %add3A_92 = arith.addi %mul3A_86, %add3A_91 : i32
        "tpu.region"() ({
          %run_scoped3A_105 = tpu.sem_alloc : memref<!tpu.dma_semaphore, #tpu.memory_space<semaphore_mem>>
          %dma_start3A_106 = arith.constant 0 : i32
          %dma_start3A_107 = arith.constant 0 : i32
          %dma_start3A_108 = tpu.memref_slice %arg3[%add3A_92, %dma_start3A_106, %dma_start3A_107] : memref<2500x1x128xi32, #tpu.memory_space<hbm>> -> memref<1x1x128xi32, #tpu.memory_space<hbm>>
          %dma_start3A_109 = tpu.memref_squeeze %dma_start3A_108 : memref<1x1x128xi32, #tpu.memory_space<hbm>> -> memref<1x128xi32, #tpu.memory_space<hbm>>
          %dma_start3A_110 = arith.constant 0 : i32
          %dma_start3A_111 = arith.constant 0 : i32
          %dma_start3A_112 = tpu.memref_slice %arg3[%add3A_92, %dma_start3A_110, %dma_start3A_111] : memref<2500x1x128xi32, #tpu.memory_space<hbm>> -> memref<1x1x128xi32, #tpu.memory_space<hbm>>
          %dma_start3A_113 = tpu.memref_squeeze %dma_start3A_112 : memref<1x1x128xi32, #tpu.memory_space<hbm>> -> memref<1x128xi32, #tpu.memory_space<hbm>>
          tpu.enqueue_dma source(%dma_start3A_113 : memref<1x128xi32, #tpu.memory_space<hbm>>) target(%arg7 : memref<1x128xi32, #tpu.memory_space<vmem>>) target_semaphore(%run_scoped3A_105 : memref<!tpu.dma_semaphore, #tpu.memory_space<semaphore_mem>>)
          %dma_wait3A_114 = arith.constant 0 : i32
          %dma_wait3A_115 = arith.constant 0 : i32
          %dma_wait3A_116 = tpu.memref_slice %arg3[%add3A_92, %dma_wait3A_114, %dma_wait3A_115] : memref<2500x1x128xi32, #tpu.memory_space<hbm>> -> memref<1x1x128xi32, #tpu.memory_space<hbm>>
          %dma_wait3A_117 = tpu.memref_squeeze %dma_wait3A_116 : memref<1x1x128xi32, #tpu.memory_space<hbm>> -> memref<1x128xi32, #tpu.memory_space<hbm>>
          %dma_wait3A_118 = arith.constant 0 : i32
          %dma_wait3A_119 = arith.constant 0 : i32
          %dma_wait3A_120 = tpu.memref_slice %arg3[%add3A_92, %dma_wait3A_118, %dma_wait3A_119] : memref<2500x1x128xi32, #tpu.memory_space<hbm>> -> memref<1x1x128xi32, #tpu.memory_space<hbm>>
          %dma_wait3A_121 = tpu.memref_squeeze %dma_wait3A_120 : memref<1x1x128xi32, #tpu.memory_space<hbm>> -> memref<1x128xi32, #tpu.memory_space<hbm>>
          tpu.wait_dma2 semaphore(%run_scoped3A_105 : memref<!tpu.dma_semaphore, #tpu.memory_space<semaphore_mem>>) src(%dma_wait3A_121 : memref<1x128xi32, #tpu.memory_space<hbm>>) dst(%arg7 : memref<1x128xi32, #tpu.memory_space<vmem>>)
          tpu.yield
        }) : () -> ()
        %add3A_93 = arith.constant 2 : i32
        %add3A_94 = arith.addi %add3A_52, %add3A_93 : i32
        %mul3A_95 = arith.constant 16 : i32
        %mul3A_96 = arith.muli %mul3A_95, %add3A_94 : i32
        %add3A_97 = arith.addi %arg1, %mul3A_96 : i32
        "tpu.region"() ({
          %run_scoped3A_105 = tpu.sem_alloc : memref<!tpu.dma_semaphore, #tpu.memory_space<semaphore_mem>>
          %dma_start3A_106 = arith.constant 0 : i32
          %dma_start3A_107 = arith.constant 0 : i32
          %dma_start3A_108 = tpu.memref_slice %arg4[%add3A_97, %dma_start3A_106, %dma_start3A_107] : memref<1250x1x128xi32, #tpu.memory_space<hbm>> -> memref<1x1x128xi32, #tpu.memory_space<hbm>>
          %dma_start3A_109 = tpu.memref_squeeze %dma_start3A_108 : memref<1x1x128xi32, #tpu.memory_space<hbm>> -> memref<1x128xi32, #tpu.memory_space<hbm>>
          %dma_start3A_110 = arith.constant 0 : i32
          %dma_start3A_111 = arith.constant 0 : i32
          %dma_start3A_112 = tpu.memref_slice %arg4[%add3A_97, %dma_start3A_110, %dma_start3A_111] : memref<1250x1x128xi32, #tpu.memory_space<hbm>> -> memref<1x1x128xi32, #tpu.memory_space<hbm>>
          %dma_start3A_113 = tpu.memref_squeeze %dma_start3A_112 : memref<1x1x128xi32, #tpu.memory_space<hbm>> -> memref<1x128xi32, #tpu.memory_space<hbm>>
          tpu.enqueue_dma source(%dma_start3A_113 : memref<1x128xi32, #tpu.memory_space<hbm>>) target(%arg9 : memref<1x128xi32, #tpu.memory_space<vmem>>) target_semaphore(%run_scoped3A_105 : memref<!tpu.dma_semaphore, #tpu.memory_space<semaphore_mem>>)
          %dma_wait3A_114 = arith.constant 0 : i32
          %dma_wait3A_115 = arith.constant 0 : i32
          %dma_wait3A_116 = tpu.memref_slice %arg4[%add3A_97, %dma_wait3A_114, %dma_wait3A_115] : memref<1250x1x128xi32, #tpu.memory_space<hbm>> -> memref<1x1x128xi32, #tpu.memory_space<hbm>>
          %dma_wait3A_117 = tpu.memref_squeeze %dma_wait3A_116 : memref<1x1x128xi32, #tpu.memory_space<hbm>> -> memref<1x128xi32, #tpu.memory_space<hbm>>
          %dma_wait3A_118 = arith.constant 0 : i32
          %dma_wait3A_119 = arith.constant 0 : i32
          %dma_wait3A_120 = tpu.memref_slice %arg4[%add3A_97, %dma_wait3A_118, %dma_wait3A_119] : memref<1250x1x128xi32, #tpu.memory_space<hbm>> -> memref<1x1x128xi32, #tpu.memory_space<hbm>>
          %dma_wait3A_121 = tpu.memref_squeeze %dma_wait3A_120 : memref<1x1x128xi32, #tpu.memory_space<hbm>> -> memref<1x128xi32, #tpu.memory_space<hbm>>
          tpu.wait_dma2 semaphore(%run_scoped3A_105 : memref<!tpu.dma_semaphore, #tpu.memory_space<semaphore_mem>>) src(%dma_wait3A_121 : memref<1x128xi32, #tpu.memory_space<hbm>>) dst(%arg9 : memref<1x128xi32, #tpu.memory_space<vmem>>)
          tpu.yield
        }) : () -> ()
        %dma_start3A_98 = arith.constant 0 : i32
        %dma_start3A_99 = arith.constant 0 : i32
        %dma_start3A_100 = tpu.memref_slice %arg7[%dma_start3A_98, %dma_start3A_99] : memref<1x128xi32, #tpu.memory_space<vmem>> -> memref<1x128xi32, #tpu.memory_space<vmem>>
        %dma_start3A_101 = tpu.memref_squeeze %dma_start3A_100 : memref<1x128xi32, #tpu.memory_space<vmem>> -> memref<128xi32, #tpu.memory_space<vmem>>
        %dma_start3A_102 = arith.constant 0 : i32
        %dma_start3A_103 = arith.constant 0 : i32
        %dma_start3A_104 = tpu.memref_slice %arg2[%dma_start3A_102, %dma_start3A_103] : memref<20000x128xf32, #tpu.memory_space<hbm>> -> memref<20000x128xf32, #tpu.memory_space<hbm>>
        tpu.enqueue_indirect_dma source(%dma_start3A_104 : memref<20000x128xf32, #tpu.memory_space<hbm>>) target(%arg11 : memref<128x128xf32, #tpu.memory_space<vmem>>) offsets(%dma_start3A_101 : memref<128xi32, #tpu.memory_space<vmem>>) semaphore(%arg13 : memref<!tpu.dma_semaphore, #tpu.memory_space<semaphore_mem>>)
      } else {
      }
      %mul3A_66 = arith.constant 2 : i32
      %mul3A_67 = arith.muli %mul3A_66, %add3A_48 : i32
      %add3A_68 = arith.constant 1 : i32
      %add3A_69 = arith.addi %mul3A_67, %add3A_68 : i32
      %dma_wait3A_70 = arith.constant 0 : i32
      %dma_wait3A_71 = arith.constant 0 : i32
      %dma_wait3A_72 = tpu.memref_slice %arg8[%dma_wait3A_70, %dma_wait3A_71] : memref<1x128xi32, #tpu.memory_space<vmem>> -> memref<1x128xi32, #tpu.memory_space<vmem>>
      %dma_wait3A_73 = tpu.memref_squeeze %dma_wait3A_72 : memref<1x128xi32, #tpu.memory_space<vmem>> -> memref<128xi32, #tpu.memory_space<vmem>>
      %dma_wait3A_74 = arith.constant 0 : i32
      %dma_wait3A_75 = arith.constant 0 : i32
      %dma_wait3A_76 = tpu.memref_slice %arg2[%dma_wait3A_74, %dma_wait3A_75] : memref<20000x128xf32, #tpu.memory_space<hbm>> -> memref<20000x128xf32, #tpu.memory_space<hbm>>
      tpu.wait_indirect_dma semaphore(%arg13 : memref<!tpu.dma_semaphore, #tpu.memory_space<semaphore_mem>>) src(%dma_wait3A_76 : memref<20000x128xf32, #tpu.memory_space<hbm>>) dst(%arg12 : memref<128x128xf32, #tpu.memory_space<vmem>>)
      %run_scoped3A_77 = arith.constant 0 : i32
      "tpu.region"() ({
        %run_scoped3A_85 = tpu.sem_alloc : memref<!tpu.dma_semaphore, #tpu.memory_space<semaphore_mem>>
        %dma_start3A_86 = arith.constant 0 : i32
        %dma_start3A_87 = tpu.memref_slice %arg10[%run_scoped3A_77, %dma_start3A_86] : memref<1x128xi32, #tpu.memory_space<vmem>> -> memref<1x128xi32, #tpu.memory_space<vmem>>
        %dma_start3A_88 = tpu.memref_squeeze %dma_start3A_87 : memref<1x128xi32, #tpu.memory_space<vmem>> -> memref<128xi32, #tpu.memory_space<vmem>>
        %dma_start3A_89 = arith.constant 0 : i32
        %dma_start3A_90 = arith.constant 0 : i32
        %dma_start3A_91 = tpu.memref_slice %arg14[%dma_start3A_89, %dma_start3A_90] : memref<10240x128xf32, #tpu.memory_space<vmem_shared>> -> memref<10240x128xf32, #tpu.memory_space<vmem_shared>>
        tpu.enqueue_indirect_dma source(%arg12 : memref<128x128xf32, #tpu.memory_space<vmem>>) target(%dma_start3A_91 : memref<10240x128xf32, #tpu.memory_space<vmem_shared>>) offsets(%dma_start3A_88 : memref<128xi32, #tpu.memory_space<vmem>>) semaphore(%run_scoped3A_85 : memref<!tpu.dma_semaphore, #tpu.memory_space<semaphore_mem>>) {add = true}
        %dma_wait3A_92 = arith.constant 0 : i32
        %dma_wait3A_93 = tpu.memref_slice %arg10[%run_scoped3A_77, %dma_wait3A_92] : memref<1x128xi32, #tpu.memory_space<vmem>> -> memref<1x128xi32, #tpu.memory_space<vmem>>
        %dma_wait3A_94 = tpu.memref_squeeze %dma_wait3A_93 : memref<1x128xi32, #tpu.memory_space<vmem>> -> memref<128xi32, #tpu.memory_space<vmem>>
        %dma_wait3A_95 = arith.constant 0 : i32
        %dma_wait3A_96 = arith.constant 0 : i32
        %dma_wait3A_97 = tpu.memref_slice %arg14[%dma_wait3A_95, %dma_wait3A_96] : memref<10240x128xf32, #tpu.memory_space<vmem_shared>> -> memref<10240x128xf32, #tpu.memory_space<vmem_shared>>
        tpu.wait_indirect_dma semaphore(%run_scoped3A_85 : memref<!tpu.dma_semaphore, #tpu.memory_space<semaphore_mem>>) src(%arg12 : memref<128x128xf32, #tpu.memory_space<vmem>>) dst(%dma_wait3A_97 : memref<10240x128xf32, #tpu.memory_space<vmem_shared>>)
        tpu.yield
      }) : () -> ()
      %add3A_78 = arith.constant 2 : i32
      %add3A_79 = arith.addi %add3A_69, %add3A_78 : i32
      %lt3A_80 = arith.constant 78 : i32
      %lt3A_81 = arith.cmpi slt, %add3A_79, %lt3A_80 : i32
      %convert_element_type3A_82 = arith.extui %lt3A_81 : i1 to i32
      %cond3A_83 = arith.constant 0 : i32
      %cond3A_84 = arith.cmpi ne, %convert_element_type3A_82, %cond3A_83 : i32
      scf.if %cond3A_84 {
        %mul3A_85 = arith.constant 1250 : i32
        %mul3A_86 = arith.muli %arg0, %mul3A_85 : i32
        %add3A_87 = arith.constant 2 : i32
        %add3A_88 = arith.addi %add3A_69, %add3A_87 : i32
        %mul3A_89 = arith.constant 16 : i32
        %mul3A_90 = arith.muli %mul3A_89, %add3A_88 : i32
        %add3A_91 = arith.addi %arg1, %mul3A_90 : i32
        %add3A_92 = arith.addi %mul3A_86, %add3A_91 : i32
        "tpu.region"() ({
          %run_scoped3A_105 = tpu.sem_alloc : memref<!tpu.dma_semaphore, #tpu.memory_space<semaphore_mem>>
          %dma_start3A_106 = arith.constant 0 : i32
          %dma_start3A_107 = arith.constant 0 : i32
          %dma_start3A_108 = tpu.memref_slice %arg3[%add3A_92, %dma_start3A_106, %dma_start3A_107] : memref<2500x1x128xi32, #tpu.memory_space<hbm>> -> memref<1x1x128xi32, #tpu.memory_space<hbm>>
          %dma_start3A_109 = tpu.memref_squeeze %dma_start3A_108 : memref<1x1x128xi32, #tpu.memory_space<hbm>> -> memref<1x128xi32, #tpu.memory_space<hbm>>
          %dma_start3A_110 = arith.constant 0 : i32
          %dma_start3A_111 = arith.constant 0 : i32
          %dma_start3A_112 = tpu.memref_slice %arg3[%add3A_92, %dma_start3A_110, %dma_start3A_111] : memref<2500x1x128xi32, #tpu.memory_space<hbm>> -> memref<1x1x128xi32, #tpu.memory_space<hbm>>
          %dma_start3A_113 = tpu.memref_squeeze %dma_start3A_112 : memref<1x1x128xi32, #tpu.memory_space<hbm>> -> memref<1x128xi32, #tpu.memory_space<hbm>>
          tpu.enqueue_dma source(%dma_start3A_113 : memref<1x128xi32, #tpu.memory_space<hbm>>) target(%arg8 : memref<1x128xi32, #tpu.memory_space<vmem>>) target_semaphore(%run_scoped3A_105 : memref<!tpu.dma_semaphore, #tpu.memory_space<semaphore_mem>>)
          %dma_wait3A_114 = arith.constant 0 : i32
          %dma_wait3A_115 = arith.constant 0 : i32
          %dma_wait3A_116 = tpu.memref_slice %arg3[%add3A_92, %dma_wait3A_114, %dma_wait3A_115] : memref<2500x1x128xi32, #tpu.memory_space<hbm>> -> memref<1x1x128xi32, #tpu.memory_space<hbm>>
          %dma_wait3A_117 = tpu.memref_squeeze %dma_wait3A_116 : memref<1x1x128xi32, #tpu.memory_space<hbm>> -> memref<1x128xi32, #tpu.memory_space<hbm>>
          %dma_wait3A_118 = arith.constant 0 : i32
          %dma_wait3A_119 = arith.constant 0 : i32
          %dma_wait3A_120 = tpu.memref_slice %arg3[%add3A_92, %dma_wait3A_118, %dma_wait3A_119] : memref<2500x1x128xi32, #tpu.memory_space<hbm>> -> memref<1x1x128xi32, #tpu.memory_space<hbm>>
          %dma_wait3A_121 = tpu.memref_squeeze %dma_wait3A_120 : memref<1x1x128xi32, #tpu.memory_space<hbm>> -> memref<1x128xi32, #tpu.memory_space<hbm>>
          tpu.wait_dma2 semaphore(%run_scoped3A_105 : memref<!tpu.dma_semaphore, #tpu.memory_space<semaphore_mem>>) src(%dma_wait3A_121 : memref<1x128xi32, #tpu.memory_space<hbm>>) dst(%arg8 : memref<1x128xi32, #tpu.memory_space<vmem>>)
          tpu.yield
        }) : () -> ()
        %add3A_93 = arith.constant 2 : i32
        %add3A_94 = arith.addi %add3A_69, %add3A_93 : i32
        %mul3A_95 = arith.constant 16 : i32
        %mul3A_96 = arith.muli %mul3A_95, %add3A_94 : i32
        %add3A_97 = arith.addi %arg1, %mul3A_96 : i32
        "tpu.region"() ({
          %run_scoped3A_105 = tpu.sem_alloc : memref<!tpu.dma_semaphore, #tpu.memory_space<semaphore_mem>>
          %dma_start3A_106 = arith.constant 0 : i32
          %dma_start3A_107 = arith.constant 0 : i32
          %dma_start3A_108 = tpu.memref_slice %arg4[%add3A_97, %dma_start3A_106, %dma_start3A_107] : memref<1250x1x128xi32, #tpu.memory_space<hbm>> -> memref<1x1x128xi32, #tpu.memory_space<hbm>>
          %dma_start3A_109 = tpu.memref_squeeze %dma_start3A_108 : memref<1x1x128xi32, #tpu.memory_space<hbm>> -> memref<1x128xi32, #tpu.memory_space<hbm>>
          %dma_start3A_110 = arith.constant 0 : i32
          %dma_start3A_111 = arith.constant 0 : i32
          %dma_start3A_112 = tpu.memref_slice %arg4[%add3A_97, %dma_start3A_110, %dma_start3A_111] : memref<1250x1x128xi32, #tpu.memory_space<hbm>> -> memref<1x1x128xi32, #tpu.memory_space<hbm>>
          %dma_start3A_113 = tpu.memref_squeeze %dma_start3A_112 : memref<1x1x128xi32, #tpu.memory_space<hbm>> -> memref<1x128xi32, #tpu.memory_space<hbm>>
          tpu.enqueue_dma source(%dma_start3A_113 : memref<1x128xi32, #tpu.memory_space<hbm>>) target(%arg10 : memref<1x128xi32, #tpu.memory_space<vmem>>) target_semaphore(%run_scoped3A_105 : memref<!tpu.dma_semaphore, #tpu.memory_space<semaphore_mem>>)
          %dma_wait3A_114 = arith.constant 0 : i32
          %dma_wait3A_115 = arith.constant 0 : i32
          %dma_wait3A_116 = tpu.memref_slice %arg4[%add3A_97, %dma_wait3A_114, %dma_wait3A_115] : memref<1250x1x128xi32, #tpu.memory_space<hbm>> -> memref<1x1x128xi32, #tpu.memory_space<hbm>>
          %dma_wait3A_117 = tpu.memref_squeeze %dma_wait3A_116 : memref<1x1x128xi32, #tpu.memory_space<hbm>> -> memref<1x128xi32, #tpu.memory_space<hbm>>
          %dma_wait3A_118 = arith.constant 0 : i32
          %dma_wait3A_119 = arith.constant 0 : i32
          %dma_wait3A_120 = tpu.memref_slice %arg4[%add3A_97, %dma_wait3A_118, %dma_wait3A_119] : memref<1250x1x128xi32, #tpu.memory_space<hbm>> -> memref<1x1x128xi32, #tpu.memory_space<hbm>>
          %dma_wait3A_121 = tpu.memref_squeeze %dma_wait3A_120 : memref<1x1x128xi32, #tpu.memory_space<hbm>> -> memref<1x128xi32, #tpu.memory_space<hbm>>
          tpu.wait_dma2 semaphore(%run_scoped3A_105 : memref<!tpu.dma_semaphore, #tpu.memory_space<semaphore_mem>>) src(%dma_wait3A_121 : memref<1x128xi32, #tpu.memory_space<hbm>>) dst(%arg10 : memref<1x128xi32, #tpu.memory_space<vmem>>)
          tpu.yield
        }) : () -> ()
        %dma_start3A_98 = arith.constant 0 : i32
        %dma_start3A_99 = arith.constant 0 : i32
        %dma_start3A_100 = tpu.memref_slice %arg8[%dma_start3A_98, %dma_start3A_99] : memref<1x128xi32, #tpu.memory_space<vmem>> -> memref<1x128xi32, #tpu.memory_space<vmem>>
        %dma_start3A_101 = tpu.memref_squeeze %dma_start3A_100 : memref<1x128xi32, #tpu.memory_space<vmem>> -> memref<128xi32, #tpu.memory_space<vmem>>
        %dma_start3A_102 = arith.constant 0 : i32
        %dma_start3A_103 = arith.constant 0 : i32
        %dma_start3A_104 = tpu.memref_slice %arg2[%dma_start3A_102, %dma_start3A_103] : memref<20000x128xf32, #tpu.memory_space<hbm>> -> memref<20000x128xf32, #tpu.memory_space<hbm>>
        tpu.enqueue_indirect_dma source(%dma_start3A_104 : memref<20000x128xf32, #tpu.memory_space<hbm>>) target(%arg12 : memref<128x128xf32, #tpu.memory_space<vmem>>) offsets(%dma_start3A_101 : memref<128xi32, #tpu.memory_space<vmem>>) semaphore(%arg13 : memref<!tpu.dma_semaphore, #tpu.memory_space<semaphore_mem>>)
      } else {
      }
    }
    %scan3A_33 = arith.constant 39 : i32
    %lt3A = arith.constant 2 : i32
    %lt3A_34 = arith.cmpi slt, %arg1, %lt3A : i32
    %convert_element_type3A = arith.extui %lt3A_34 : i1 to i32
    %cond3A = arith.constant 0 : i32
    %cond3A_35 = arith.cmpi ne, %convert_element_type3A, %cond3A : i32
    scf.if %cond3A_35 {
      %add3A_44 = arith.constant 1248 : i32
      %add3A_45 = arith.addi %arg1, %add3A_44 : i32
      %mul3A_46 = arith.constant 1250 : i32
      %mul3A_47 = arith.muli %arg0, %mul3A_46 : i32
      %add3A_48 = arith.addi %mul3A_47, %add3A_45 : i32
      "tpu.region"() ({
        %run_scoped3A_50 = tpu.sem_alloc : memref<!tpu.dma_semaphore, #tpu.memory_space<semaphore_mem>>
        %dma_start3A_51 = arith.constant 0 : i32
        %dma_start3A_52 = arith.constant 0 : i32
        %dma_start3A_53 = tpu.memref_slice %arg3[%add3A_48, %dma_start3A_51, %dma_start3A_52] : memref<2500x1x128xi32, #tpu.memory_space<hbm>> -> memref<1x1x128xi32, #tpu.memory_space<hbm>>
        %dma_start3A_54 = tpu.memref_squeeze %dma_start3A_53 : memref<1x1x128xi32, #tpu.memory_space<hbm>> -> memref<1x128xi32, #tpu.memory_space<hbm>>
        %dma_start3A_55 = arith.constant 0 : i32
        %dma_start3A_56 = arith.constant 0 : i32
        %dma_start3A_57 = tpu.memref_slice %arg3[%add3A_48, %dma_start3A_55, %dma_start3A_56] : memref<2500x1x128xi32, #tpu.memory_space<hbm>> -> memref<1x1x128xi32, #tpu.memory_space<hbm>>
        %dma_start3A_58 = tpu.memref_squeeze %dma_start3A_57 : memref<1x1x128xi32, #tpu.memory_space<hbm>> -> memref<1x128xi32, #tpu.memory_space<hbm>>
        tpu.enqueue_dma source(%dma_start3A_58 : memref<1x128xi32, #tpu.memory_space<hbm>>) target(%arg7 : memref<1x128xi32, #tpu.memory_space<vmem>>) target_semaphore(%run_scoped3A_50 : memref<!tpu.dma_semaphore, #tpu.memory_space<semaphore_mem>>)
        %dma_wait3A = arith.constant 0 : i32
        %dma_wait3A_59 = arith.constant 0 : i32
        %dma_wait3A_60 = tpu.memref_slice %arg3[%add3A_48, %dma_wait3A, %dma_wait3A_59] : memref<2500x1x128xi32, #tpu.memory_space<hbm>> -> memref<1x1x128xi32, #tpu.memory_space<hbm>>
        %dma_wait3A_61 = tpu.memref_squeeze %dma_wait3A_60 : memref<1x1x128xi32, #tpu.memory_space<hbm>> -> memref<1x128xi32, #tpu.memory_space<hbm>>
        %dma_wait3A_62 = arith.constant 0 : i32
        %dma_wait3A_63 = arith.constant 0 : i32
        %dma_wait3A_64 = tpu.memref_slice %arg3[%add3A_48, %dma_wait3A_62, %dma_wait3A_63] : memref<2500x1x128xi32, #tpu.memory_space<hbm>> -> memref<1x1x128xi32, #tpu.memory_space<hbm>>
        %dma_wait3A_65 = tpu.memref_squeeze %dma_wait3A_64 : memref<1x1x128xi32, #tpu.memory_space<hbm>> -> memref<1x128xi32, #tpu.memory_space<hbm>>
        tpu.wait_dma2 semaphore(%run_scoped3A_50 : memref<!tpu.dma_semaphore, #tpu.memory_space<semaphore_mem>>) src(%dma_wait3A_65 : memref<1x128xi32, #tpu.memory_space<hbm>>) dst(%arg7 : memref<1x128xi32, #tpu.memory_space<vmem>>)
        tpu.yield
      }) : () -> ()
      "tpu.region"() ({
        %run_scoped3A_50 = tpu.sem_alloc : memref<!tpu.dma_semaphore, #tpu.memory_space<semaphore_mem>>
        %dma_start3A_51 = arith.constant 0 : i32
        %dma_start3A_52 = arith.constant 0 : i32
        %dma_start3A_53 = tpu.memref_slice %arg4[%add3A_45, %dma_start3A_51, %dma_start3A_52] : memref<1250x1x128xi32, #tpu.memory_space<hbm>> -> memref<1x1x128xi32, #tpu.memory_space<hbm>>
        %dma_start3A_54 = tpu.memref_squeeze %dma_start3A_53 : memref<1x1x128xi32, #tpu.memory_space<hbm>> -> memref<1x128xi32, #tpu.memory_space<hbm>>
        %dma_start3A_55 = arith.constant 0 : i32
        %dma_start3A_56 = arith.constant 0 : i32
        %dma_start3A_57 = tpu.memref_slice %arg4[%add3A_45, %dma_start3A_55, %dma_start3A_56] : memref<1250x1x128xi32, #tpu.memory_space<hbm>> -> memref<1x1x128xi32, #tpu.memory_space<hbm>>
        %dma_start3A_58 = tpu.memref_squeeze %dma_start3A_57 : memref<1x1x128xi32, #tpu.memory_space<hbm>> -> memref<1x128xi32, #tpu.memory_space<hbm>>
        tpu.enqueue_dma source(%dma_start3A_58 : memref<1x128xi32, #tpu.memory_space<hbm>>) target(%arg9 : memref<1x128xi32, #tpu.memory_space<vmem>>) target_semaphore(%run_scoped3A_50 : memref<!tpu.dma_semaphore, #tpu.memory_space<semaphore_mem>>)
        %dma_wait3A = arith.constant 0 : i32
        %dma_wait3A_59 = arith.constant 0 : i32
        %dma_wait3A_60 = tpu.memref_slice %arg4[%add3A_45, %dma_wait3A, %dma_wait3A_59] : memref<1250x1x128xi32, #tpu.memory_space<hbm>> -> memref<1x1x128xi32, #tpu.memory_space<hbm>>
        %dma_wait3A_61 = tpu.memref_squeeze %dma_wait3A_60 : memref<1x1x128xi32, #tpu.memory_space<hbm>> -> memref<1x128xi32, #tpu.memory_space<hbm>>
        %dma_wait3A_62 = arith.constant 0 : i32
        %dma_wait3A_63 = arith.constant 0 : i32
        %dma_wait3A_64 = tpu.memref_slice %arg4[%add3A_45, %dma_wait3A_62, %dma_wait3A_63] : memref<1250x1x128xi32, #tpu.memory_space<hbm>> -> memref<1x1x128xi32, #tpu.memory_space<hbm>>
        %dma_wait3A_65 = tpu.memref_squeeze %dma_wait3A_64 : memref<1x1x128xi32, #tpu.memory_space<hbm>> -> memref<1x128xi32, #tpu.memory_space<hbm>>
        tpu.wait_dma2 semaphore(%run_scoped3A_50 : memref<!tpu.dma_semaphore, #tpu.memory_space<semaphore_mem>>) src(%dma_wait3A_65 : memref<1x128xi32, #tpu.memory_space<hbm>>) dst(%arg9 : memref<1x128xi32, #tpu.memory_space<vmem>>)
        tpu.yield
      }) : () -> ()
      %run_scoped3A = arith.constant 0 : i32
      "tpu.region"() ({
        %run_scoped3A_50 = tpu.sem_alloc : memref<!tpu.dma_semaphore, #tpu.memory_space<semaphore_mem>>
        %dma_start3A_51 = arith.constant 0 : i32
        %dma_start3A_52 = tpu.memref_slice %arg7[%run_scoped3A, %dma_start3A_51] : memref<1x128xi32, #tpu.memory_space<vmem>> -> memref<1x128xi32, #tpu.memory_space<vmem>>
        %dma_start3A_53 = tpu.memref_squeeze %dma_start3A_52 : memref<1x128xi32, #tpu.memory_space<vmem>> -> memref<128xi32, #tpu.memory_space<vmem>>
        %dma_start3A_54 = arith.constant 0 : i32
        %dma_start3A_55 = arith.constant 0 : i32
        %dma_start3A_56 = tpu.memref_slice %arg2[%dma_start3A_54, %dma_start3A_55] : memref<20000x128xf32, #tpu.memory_space<hbm>> -> memref<20000x128xf32, #tpu.memory_space<hbm>>
        tpu.enqueue_indirect_dma source(%dma_start3A_56 : memref<20000x128xf32, #tpu.memory_space<hbm>>) target(%arg11 : memref<128x128xf32, #tpu.memory_space<vmem>>) offsets(%dma_start3A_53 : memref<128xi32, #tpu.memory_space<vmem>>) semaphore(%run_scoped3A_50 : memref<!tpu.dma_semaphore, #tpu.memory_space<semaphore_mem>>)
        %dma_wait3A = arith.constant 0 : i32
        %dma_wait3A_57 = tpu.memref_slice %arg7[%run_scoped3A, %dma_wait3A] : memref<1x128xi32, #tpu.memory_space<vmem>> -> memref<1x128xi32, #tpu.memory_space<vmem>>
        %dma_wait3A_58 = tpu.memref_squeeze %dma_wait3A_57 : memref<1x128xi32, #tpu.memory_space<vmem>> -> memref<128xi32, #tpu.memory_space<vmem>>
        %dma_wait3A_59 = arith.constant 0 : i32
        %dma_wait3A_60 = arith.constant 0 : i32
        %dma_wait3A_61 = tpu.memref_slice %arg2[%dma_wait3A_59, %dma_wait3A_60] : memref<20000x128xf32, #tpu.memory_space<hbm>> -> memref<20000x128xf32, #tpu.memory_space<hbm>>
        tpu.wait_indirect_dma semaphore(%run_scoped3A_50 : memref<!tpu.dma_semaphore, #tpu.memory_space<semaphore_mem>>) src(%dma_wait3A_61 : memref<20000x128xf32, #tpu.memory_space<hbm>>) dst(%arg11 : memref<128x128xf32, #tpu.memory_space<vmem>>)
        tpu.yield
      }) : () -> ()
      %run_scoped3A_49 = arith.constant 0 : i32
      "tpu.region"() ({
        %run_scoped3A_50 = tpu.sem_alloc : memref<!tpu.dma_semaphore, #tpu.memory_space<semaphore_mem>>
        %dma_start3A_51 = arith.constant 0 : i32
        %dma_start3A_52 = tpu.memref_slice %arg9[%run_scoped3A_49, %dma_start3A_51] : memref<1x128xi32, #tpu.memory_space<vmem>> -> memref<1x128xi32, #tpu.memory_space<vmem>>
        %dma_start3A_53 = tpu.memref_squeeze %dma_start3A_52 : memref<1x128xi32, #tpu.memory_space<vmem>> -> memref<128xi32, #tpu.memory_space<vmem>>
        %dma_start3A_54 = arith.constant 0 : i32
        %dma_start3A_55 = arith.constant 0 : i32
        %dma_start3A_56 = tpu.memref_slice %arg14[%dma_start3A_54, %dma_start3A_55] : memref<10240x128xf32, #tpu.memory_space<vmem_shared>> -> memref<10240x128xf32, #tpu.memory_space<vmem_shared>>
        tpu.enqueue_indirect_dma source(%arg11 : memref<128x128xf32, #tpu.memory_space<vmem>>) target(%dma_start3A_56 : memref<10240x128xf32, #tpu.memory_space<vmem_shared>>) offsets(%dma_start3A_53 : memref<128xi32, #tpu.memory_space<vmem>>) semaphore(%run_scoped3A_50 : memref<!tpu.dma_semaphore, #tpu.memory_space<semaphore_mem>>) {add = true}
        %dma_wait3A = arith.constant 0 : i32
        %dma_wait3A_57 = tpu.memref_slice %arg9[%run_scoped3A_49, %dma_wait3A] : memref<1x128xi32, #tpu.memory_space<vmem>> -> memref<1x128xi32, #tpu.memory_space<vmem>>
        %dma_wait3A_58 = tpu.memref_squeeze %dma_wait3A_57 : memref<1x128xi32, #tpu.memory_space<vmem>> -> memref<128xi32, #tpu.memory_space<vmem>>
        %dma_wait3A_59 = arith.constant 0 : i32
        %dma_wait3A_60 = arith.constant 0 : i32
        %dma_wait3A_61 = tpu.memref_slice %arg14[%dma_wait3A_59, %dma_wait3A_60] : memref<10240x128xf32, #tpu.memory_space<vmem_shared>> -> memref<10240x128xf32, #tpu.memory_space<vmem_shared>>
        tpu.wait_indirect_dma semaphore(%run_scoped3A_50 : memref<!tpu.dma_semaphore, #tpu.memory_space<semaphore_mem>>) src(%arg11 : memref<128x128xf32, #tpu.memory_space<vmem>>) dst(%dma_wait3A_61 : memref<10240x128xf32, #tpu.memory_space<vmem_shared>>)
        tpu.yield
      }) : () -> ()
    } else {
    }
    %barrier3A_36 = arith.constant 0 : index
    tpu.barrier barrier_id(%barrier3A_36)
    %mul3A_37 = arith.constant 640 : i32
    %mul3A_38 = arith.muli %arg1, %mul3A_37 : i32
    %mul3A_39 = arith.constant 10240 : i32
    %mul3A_40 = arith.muli %arg0, %mul3A_39 : i32
    %mul3A_41 = arith.constant 640 : i32
    %mul3A_42 = arith.muli %arg1, %mul3A_41 : i32
    %add3A_43 = arith.addi %mul3A_40, %mul3A_42 : i32
    "tpu.region"() ({
      %run_scoped3A = tpu.sem_alloc : memref<!tpu.dma_semaphore, #tpu.memory_space<semaphore_mem>>
      %dma_start3A_44 = arith.constant 0 : i32
      %dma_start3A_45 = tpu.memref_slice %arg6[%add3A_43, %dma_start3A_44] : memref<20480x128xf32, #tpu.memory_space<hbm>> -> memref<640x128xf32, #tpu.memory_space<hbm>>
      %dma_start3A_46 = arith.constant 0 : i32
      %dma_start3A_47 = tpu.memref_slice %arg14[%mul3A_38, %dma_start3A_46] : memref<10240x128xf32, #tpu.memory_space<vmem_shared>> -> memref<640x128xf32, #tpu.memory_space<vmem_shared>>
      tpu.enqueue_dma source(%dma_start3A_47 : memref<640x128xf32, #tpu.memory_space<vmem_shared>>) target(%dma_start3A_45 : memref<640x128xf32, #tpu.memory_space<hbm>>) target_semaphore(%run_scoped3A : memref<!tpu.dma_semaphore, #tpu.memory_space<semaphore_mem>>)
      %dma_wait3A = arith.constant 0 : i32
      %dma_wait3A_48 = tpu.memref_slice %arg6[%add3A_43, %dma_wait3A] : memref<20480x128xf32, #tpu.memory_space<hbm>> -> memref<640x128xf32, #tpu.memory_space<hbm>>
      %dma_wait3A_49 = arith.constant 0 : i32
      %dma_wait3A_50 = tpu.memref_slice %arg14[%mul3A_38, %dma_wait3A_49] : memref<10240x128xf32, #tpu.memory_space<vmem_shared>> -> memref<640x128xf32, #tpu.memory_space<vmem_shared>>
      tpu.wait_dma2 semaphore(%run_scoped3A : memref<!tpu.dma_semaphore, #tpu.memory_space<semaphore_mem>>) src(%dma_wait3A_50 : memref<640x128xf32, #tpu.memory_space<vmem_shared>>) dst(%dma_wait3A_48 : memref<640x128xf32, #tpu.memory_space<hbm>>)
      tpu.yield
    }) : () -> ()
    return
  }
}

#map = affine_map<(d0, d1) -> (0, 0)>
#map1 = affine_map<(d0, d1) -> (0, 0, 0)>
module attributes {stable_mosaic.version = 14 : i64} {
  func.func @agg_kernel(%arg0: i32, %arg1: i32, %arg2: memref<20000x128xf32, #tpu.memory_space<hbm>>, %arg3: memref<2500x1x128xi32, #tpu.memory_space<hbm>>, %arg4: memref<1250x1x128xi32, #tpu.memory_space<hbm>>, %arg5: memref<128x128xf32, #tpu.memory_space<hbm>>, %arg6: memref<20480x128xf32, #tpu.memory_space<hbm>>, %arg7: memref<1x128xi32, #tpu.memory_space<vmem>>, %arg8: memref<1x128xi32, #tpu.memory_space<vmem>>, %arg9: memref<1x128xi32, #tpu.memory_space<vmem>>, %arg10: memref<1x128xi32, #tpu.memory_space<vmem>>, %arg11: memref<128x128xf32, #tpu.memory_space<vmem>>, %arg12: memref<128x128xf32, #tpu.memory_space<vmem>>, %arg13: memref<!tpu.dma_semaphore, #tpu.memory_space<semaphore_mem>>, %arg14: memref<10240x128xf32, #tpu.memory_space<vmem_shared>>) attributes {dimension_semantics = [#tpu.dimension_semantics<core_parallel>, #tpu.dimension_semantics<subcore_parallel>], iteration_bounds = array<i64: 2, 16>, scalar_prefetch = 0 : i64, scratch_operands = 8 : i64, tpu.core_type = #tpu.core_type<sc_vector_subcore>, window_params = [{transform_indices = #map}, {transform_indices = #map1}, {transform_indices = #map1}, {transform_indices = #map}, {transform_indices = #map}]} {
    %scan3A = arith.constant 0 : i32
    %scan3A_0 = arith.constant 5 : i32
    %scan3A_1 = arith.addi %scan3A, %scan3A_0 : i32
    %scan3A_2 = arith.constant 1 : i32
    scf.for %scan3A_44 = %scan3A to %scan3A_1 step %scan3A_2  : i32 {
      %mul3A_45 = arith.constant 1 : i32
      %mul3A_46 = arith.muli %scan3A_44, %mul3A_45 : i32
      %add3A_47 = arith.constant 0 : i32
      %add3A_48 = arith.addi %add3A_47, %mul3A_46 : i32
      %mul3A_49 = arith.constant 640 : i32
      %mul3A_50 = arith.muli %arg1, %mul3A_49 : i32
      %mul3A_51 = arith.constant 128 : i32
      %mul3A_52 = arith.muli %add3A_48, %mul3A_51 : i32
      %add3A_53 = arith.addi %mul3A_50, %mul3A_52 : i32
      "tpu.region"() ({
        %run_scoped3A = tpu.sem_alloc : memref<!tpu.dma_semaphore, #tpu.memory_space<semaphore_mem>>
        %dma_start3A_54 = arith.constant 0 : i32
        %dma_start3A_55 = tpu.memref_slice %arg14[%add3A_53, %dma_start3A_54] : memref<10240x128xf32, #tpu.memory_space<vmem_shared>> -> memref<128x128xf32, #tpu.memory_space<vmem_shared>>
        tpu.enqueue_dma source(%arg5 : memref<128x128xf32, #tpu.memory_space<hbm>>) target(%dma_start3A_55 : memref<128x128xf32, #tpu.memory_space<vmem_shared>>) target_semaphore(%run_scoped3A : memref<!tpu.dma_semaphore, #tpu.memory_space<semaphore_mem>>)
        %dma_wait3A = arith.constant 0 : i32
        %dma_wait3A_56 = tpu.memref_slice %arg14[%add3A_53, %dma_wait3A] : memref<10240x128xf32, #tpu.memory_space<vmem_shared>> -> memref<128x128xf32, #tpu.memory_space<vmem_shared>>
        tpu.wait_dma2 semaphore(%run_scoped3A : memref<!tpu.dma_semaphore, #tpu.memory_space<semaphore_mem>>) src(%arg5 : memref<128x128xf32, #tpu.memory_space<hbm>>) dst(%dma_wait3A_56 : memref<128x128xf32, #tpu.memory_space<vmem_shared>>)
        tpu.yield
      }) : () -> ()
    }
    %scan3A_3 = arith.constant 5 : i32
    %barrier3A = arith.constant 0 : index
    tpu.barrier barrier_id(%barrier3A)
    %mul3A = arith.constant 1250 : i32
    %mul3A_4 = arith.muli %arg0, %mul3A : i32
    %add3A = arith.constant 0 : i32
    %add3A_5 = arith.addi %arg1, %add3A : i32
    %add3A_6 = arith.addi %mul3A_4, %add3A_5 : i32
    "tpu.region"() ({
      %run_scoped3A = tpu.sem_alloc : memref<!tpu.dma_semaphore, #tpu.memory_space<semaphore_mem>>
      %dma_start3A_44 = arith.constant 0 : i32
      %dma_start3A_45 = arith.constant 0 : i32
      %dma_start3A_46 = tpu.memref_slice %arg3[%add3A_6, %dma_start3A_44, %dma_start3A_45] : memref<2500x1x128xi32, #tpu.memory_space<hbm>> -> memref<1x1x128xi32, #tpu.memory_space<hbm>>
      %dma_start3A_47 = tpu.memref_squeeze %dma_start3A_46 : memref<1x1x128xi32, #tpu.memory_space<hbm>> -> memref<1x128xi32, #tpu.memory_space<hbm>>
      %dma_start3A_48 = arith.constant 0 : i32
      %dma_start3A_49 = arith.constant 0 : i32
      %dma_start3A_50 = tpu.memref_slice %arg3[%add3A_6, %dma_start3A_48, %dma_start3A_49] : memref<2500x1x128xi32, #tpu.memory_space<hbm>> -> memref<1x1x128xi32, #tpu.memory_space<hbm>>
      %dma_start3A_51 = tpu.memref_squeeze %dma_start3A_50 : memref<1x1x128xi32, #tpu.memory_space<hbm>> -> memref<1x128xi32, #tpu.memory_space<hbm>>
      tpu.enqueue_dma source(%dma_start3A_51 : memref<1x128xi32, #tpu.memory_space<hbm>>) target(%arg7 : memref<1x128xi32, #tpu.memory_space<vmem>>) target_semaphore(%run_scoped3A : memref<!tpu.dma_semaphore, #tpu.memory_space<semaphore_mem>>)
      %dma_wait3A = arith.constant 0 : i32
      %dma_wait3A_52 = arith.constant 0 : i32
      %dma_wait3A_53 = tpu.memref_slice %arg3[%add3A_6, %dma_wait3A, %dma_wait3A_52] : memref<2500x1x128xi32, #tpu.memory_space<hbm>> -> memref<1x1x128xi32, #tpu.memory_space<hbm>>
      %dma_wait3A_54 = tpu.memref_squeeze %dma_wait3A_53 : memref<1x1x128xi32, #tpu.memory_space<hbm>> -> memref<1x128xi32, #tpu.memory_space<hbm>>
      %dma_wait3A_55 = arith.constant 0 : i32
      %dma_wait3A_56 = arith.constant 0 : i32
      %dma_wait3A_57 = tpu.memref_slice %arg3[%add3A_6, %dma_wait3A_55, %dma_wait3A_56] : memref<2500x1x128xi32, #tpu.memory_space<hbm>> -> memref<1x1x128xi32, #tpu.memory_space<hbm>>
      %dma_wait3A_58 = tpu.memref_squeeze %dma_wait3A_57 : memref<1x1x128xi32, #tpu.memory_space<hbm>> -> memref<1x128xi32, #tpu.memory_space<hbm>>
      tpu.wait_dma2 semaphore(%run_scoped3A : memref<!tpu.dma_semaphore, #tpu.memory_space<semaphore_mem>>) src(%dma_wait3A_58 : memref<1x128xi32, #tpu.memory_space<hbm>>) dst(%arg7 : memref<1x128xi32, #tpu.memory_space<vmem>>)
      tpu.yield
    }) : () -> ()
    %add3A_7 = arith.constant 0 : i32
    %add3A_8 = arith.addi %arg1, %add3A_7 : i32
    "tpu.region"() ({
      %run_scoped3A = tpu.sem_alloc : memref<!tpu.dma_semaphore, #tpu.memory_space<semaphore_mem>>
      %dma_start3A_44 = arith.constant 0 : i32
      %dma_start3A_45 = arith.constant 0 : i32
      %dma_start3A_46 = tpu.memref_slice %arg4[%add3A_8, %dma_start3A_44, %dma_start3A_45] : memref<1250x1x128xi32, #tpu.memory_space<hbm>> -> memref<1x1x128xi32, #tpu.memory_space<hbm>>
      %dma_start3A_47 = tpu.memref_squeeze %dma_start3A_46 : memref<1x1x128xi32, #tpu.memory_space<hbm>> -> memref<1x128xi32, #tpu.memory_space<hbm>>
      %dma_start3A_48 = arith.constant 0 : i32
      %dma_start3A_49 = arith.constant 0 : i32
      %dma_start3A_50 = tpu.memref_slice %arg4[%add3A_8, %dma_start3A_48, %dma_start3A_49] : memref<1250x1x128xi32, #tpu.memory_space<hbm>> -> memref<1x1x128xi32, #tpu.memory_space<hbm>>
      %dma_start3A_51 = tpu.memref_squeeze %dma_start3A_50 : memref<1x1x128xi32, #tpu.memory_space<hbm>> -> memref<1x128xi32, #tpu.memory_space<hbm>>
      tpu.enqueue_dma source(%dma_start3A_51 : memref<1x128xi32, #tpu.memory_space<hbm>>) target(%arg9 : memref<1x128xi32, #tpu.memory_space<vmem>>) target_semaphore(%run_scoped3A : memref<!tpu.dma_semaphore, #tpu.memory_space<semaphore_mem>>)
      %dma_wait3A = arith.constant 0 : i32
      %dma_wait3A_52 = arith.constant 0 : i32
      %dma_wait3A_53 = tpu.memref_slice %arg4[%add3A_8, %dma_wait3A, %dma_wait3A_52] : memref<1250x1x128xi32, #tpu.memory_space<hbm>> -> memref<1x1x128xi32, #tpu.memory_space<hbm>>
      %dma_wait3A_54 = tpu.memref_squeeze %dma_wait3A_53 : memref<1x1x128xi32, #tpu.memory_space<hbm>> -> memref<1x128xi32, #tpu.memory_space<hbm>>
      %dma_wait3A_55 = arith.constant 0 : i32
      %dma_wait3A_56 = arith.constant 0 : i32
      %dma_wait3A_57 = tpu.memref_slice %arg4[%add3A_8, %dma_wait3A_55, %dma_wait3A_56] : memref<1250x1x128xi32, #tpu.memory_space<hbm>> -> memref<1x1x128xi32, #tpu.memory_space<hbm>>
      %dma_wait3A_58 = tpu.memref_squeeze %dma_wait3A_57 : memref<1x1x128xi32, #tpu.memory_space<hbm>> -> memref<1x128xi32, #tpu.memory_space<hbm>>
      tpu.wait_dma2 semaphore(%run_scoped3A : memref<!tpu.dma_semaphore, #tpu.memory_space<semaphore_mem>>) src(%dma_wait3A_58 : memref<1x128xi32, #tpu.memory_space<hbm>>) dst(%arg9 : memref<1x128xi32, #tpu.memory_space<vmem>>)
      tpu.yield
    }) : () -> ()
    %dma_start3A = arith.constant 0 : i32
    %dma_start3A_9 = arith.constant 0 : i32
    %dma_start3A_10 = tpu.memref_slice %arg7[%dma_start3A, %dma_start3A_9] : memref<1x128xi32, #tpu.memory_space<vmem>> -> memref<1x128xi32, #tpu.memory_space<vmem>>
    %dma_start3A_11 = tpu.memref_squeeze %dma_start3A_10 : memref<1x128xi32, #tpu.memory_space<vmem>> -> memref<128xi32, #tpu.memory_space<vmem>>
    %dma_start3A_12 = arith.constant 0 : i32
    %dma_start3A_13 = arith.constant 0 : i32
    %dma_start3A_14 = tpu.memref_slice %arg2[%dma_start3A_12, %dma_start3A_13] : memref<20000x128xf32, #tpu.memory_space<hbm>> -> memref<20000x128xf32, #tpu.memory_space<hbm>>
    tpu.enqueue_indirect_dma source(%dma_start3A_14 : memref<20000x128xf32, #tpu.memory_space<hbm>>) target(%arg11 : memref<128x128xf32, #tpu.memory_space<vmem>>) offsets(%dma_start3A_11 : memref<128xi32, #tpu.memory_space<vmem>>) semaphore(%arg13 : memref<!tpu.dma_semaphore, #tpu.memory_space<semaphore_mem>>)
    %mul3A_15 = arith.constant 1250 : i32
    %mul3A_16 = arith.muli %arg0, %mul3A_15 : i32
    %add3A_17 = arith.constant 16 : i32
    %add3A_18 = arith.addi %arg1, %add3A_17 : i32
    %add3A_19 = arith.addi %mul3A_16, %add3A_18 : i32
    "tpu.region"() ({
      %run_scoped3A = tpu.sem_alloc : memref<!tpu.dma_semaphore, #tpu.memory_space<semaphore_mem>>
      %dma_start3A_44 = arith.constant 0 : i32
      %dma_start3A_45 = arith.constant 0 : i32
      %dma_start3A_46 = tpu.memref_slice %arg3[%add3A_19, %dma_start3A_44, %dma_start3A_45] : memref<2500x1x128xi32, #tpu.memory_space<hbm>> -> memref<1x1x128xi32, #tpu.memory_space<hbm>>
      %dma_start3A_47 = tpu.memref_squeeze %dma_start3A_46 : memref<1x1x128xi32, #tpu.memory_space<hbm>> -> memref<1x128xi32, #tpu.memory_space<hbm>>
      %dma_start3A_48 = arith.constant 0 : i32
      %dma_start3A_49 = arith.constant 0 : i32
      %dma_start3A_50 = tpu.memref_slice %arg3[%add3A_19, %dma_start3A_48, %dma_start3A_49] : memref<2500x1x128xi32, #tpu.memory_space<hbm>> -> memref<1x1x128xi32, #tpu.memory_space<hbm>>
      %dma_start3A_51 = tpu.memref_squeeze %dma_start3A_50 : memref<1x1x128xi32, #tpu.memory_space<hbm>> -> memref<1x128xi32, #tpu.memory_space<hbm>>
      tpu.enqueue_dma source(%dma_start3A_51 : memref<1x128xi32, #tpu.memory_space<hbm>>) target(%arg8 : memref<1x128xi32, #tpu.memory_space<vmem>>) target_semaphore(%run_scoped3A : memref<!tpu.dma_semaphore, #tpu.memory_space<semaphore_mem>>)
      %dma_wait3A = arith.constant 0 : i32
      %dma_wait3A_52 = arith.constant 0 : i32
      %dma_wait3A_53 = tpu.memref_slice %arg3[%add3A_19, %dma_wait3A, %dma_wait3A_52] : memref<2500x1x128xi32, #tpu.memory_space<hbm>> -> memref<1x1x128xi32, #tpu.memory_space<hbm>>
      %dma_wait3A_54 = tpu.memref_squeeze %dma_wait3A_53 : memref<1x1x128xi32, #tpu.memory_space<hbm>> -> memref<1x128xi32, #tpu.memory_space<hbm>>
      %dma_wait3A_55 = arith.constant 0 : i32
      %dma_wait3A_56 = arith.constant 0 : i32
      %dma_wait3A_57 = tpu.memref_slice %arg3[%add3A_19, %dma_wait3A_55, %dma_wait3A_56] : memref<2500x1x128xi32, #tpu.memory_space<hbm>> -> memref<1x1x128xi32, #tpu.memory_space<hbm>>
      %dma_wait3A_58 = tpu.memref_squeeze %dma_wait3A_57 : memref<1x1x128xi32, #tpu.memory_space<hbm>> -> memref<1x128xi32, #tpu.memory_space<hbm>>
      tpu.wait_dma2 semaphore(%run_scoped3A : memref<!tpu.dma_semaphore, #tpu.memory_space<semaphore_mem>>) src(%dma_wait3A_58 : memref<1x128xi32, #tpu.memory_space<hbm>>) dst(%arg8 : memref<1x128xi32, #tpu.memory_space<vmem>>)
      tpu.yield
    }) : () -> ()
    %add3A_20 = arith.constant 16 : i32
    %add3A_21 = arith.addi %arg1, %add3A_20 : i32
    "tpu.region"() ({
      %run_scoped3A = tpu.sem_alloc : memref<!tpu.dma_semaphore, #tpu.memory_space<semaphore_mem>>
      %dma_start3A_44 = arith.constant 0 : i32
      %dma_start3A_45 = arith.constant 0 : i32
      %dma_start3A_46 = tpu.memref_slice %arg4[%add3A_21, %dma_start3A_44, %dma_start3A_45] : memref<1250x1x128xi32, #tpu.memory_space<hbm>> -> memref<1x1x128xi32, #tpu.memory_space<hbm>>
      %dma_start3A_47 = tpu.memref_squeeze %dma_start3A_46 : memref<1x1x128xi32, #tpu.memory_space<hbm>> -> memref<1x128xi32, #tpu.memory_space<hbm>>
      %dma_start3A_48 = arith.constant 0 : i32
      %dma_start3A_49 = arith.constant 0 : i32
      %dma_start3A_50 = tpu.memref_slice %arg4[%add3A_21, %dma_start3A_48, %dma_start3A_49] : memref<1250x1x128xi32, #tpu.memory_space<hbm>> -> memref<1x1x128xi32, #tpu.memory_space<hbm>>
      %dma_start3A_51 = tpu.memref_squeeze %dma_start3A_50 : memref<1x1x128xi32, #tpu.memory_space<hbm>> -> memref<1x128xi32, #tpu.memory_space<hbm>>
      tpu.enqueue_dma source(%dma_start3A_51 : memref<1x128xi32, #tpu.memory_space<hbm>>) target(%arg10 : memref<1x128xi32, #tpu.memory_space<vmem>>) target_semaphore(%run_scoped3A : memref<!tpu.dma_semaphore, #tpu.memory_space<semaphore_mem>>)
      %dma_wait3A = arith.constant 0 : i32
      %dma_wait3A_52 = arith.constant 0 : i32
      %dma_wait3A_53 = tpu.memref_slice %arg4[%add3A_21, %dma_wait3A, %dma_wait3A_52] : memref<1250x1x128xi32, #tpu.memory_space<hbm>> -> memref<1x1x128xi32, #tpu.memory_space<hbm>>
      %dma_wait3A_54 = tpu.memref_squeeze %dma_wait3A_53 : memref<1x1x128xi32, #tpu.memory_space<hbm>> -> memref<1x128xi32, #tpu.memory_space<hbm>>
      %dma_wait3A_55 = arith.constant 0 : i32
      %dma_wait3A_56 = arith.constant 0 : i32
      %dma_wait3A_57 = tpu.memref_slice %arg4[%add3A_21, %dma_wait3A_55, %dma_wait3A_56] : memref<1250x1x128xi32, #tpu.memory_space<hbm>> -> memref<1x1x128xi32, #tpu.memory_space<hbm>>
      %dma_wait3A_58 = tpu.memref_squeeze %dma_wait3A_57 : memref<1x1x128xi32, #tpu.memory_space<hbm>> -> memref<1x128xi32, #tpu.memory_space<hbm>>
      tpu.wait_dma2 semaphore(%run_scoped3A : memref<!tpu.dma_semaphore, #tpu.memory_space<semaphore_mem>>) src(%dma_wait3A_58 : memref<1x128xi32, #tpu.memory_space<hbm>>) dst(%arg10 : memref<1x128xi32, #tpu.memory_space<vmem>>)
      tpu.yield
    }) : () -> ()
    %dma_start3A_22 = arith.constant 0 : i32
    %dma_start3A_23 = arith.constant 0 : i32
    %dma_start3A_24 = tpu.memref_slice %arg8[%dma_start3A_22, %dma_start3A_23] : memref<1x128xi32, #tpu.memory_space<vmem>> -> memref<1x128xi32, #tpu.memory_space<vmem>>
    %dma_start3A_25 = tpu.memref_squeeze %dma_start3A_24 : memref<1x128xi32, #tpu.memory_space<vmem>> -> memref<128xi32, #tpu.memory_space<vmem>>
    %dma_start3A_26 = arith.constant 0 : i32
    %dma_start3A_27 = arith.constant 0 : i32
    %dma_start3A_28 = tpu.memref_slice %arg2[%dma_start3A_26, %dma_start3A_27] : memref<20000x128xf32, #tpu.memory_space<hbm>> -> memref<20000x128xf32, #tpu.memory_space<hbm>>
    tpu.enqueue_indirect_dma source(%dma_start3A_28 : memref<20000x128xf32, #tpu.memory_space<hbm>>) target(%arg12 : memref<128x128xf32, #tpu.memory_space<vmem>>) offsets(%dma_start3A_25 : memref<128xi32, #tpu.memory_space<vmem>>) semaphore(%arg13 : memref<!tpu.dma_semaphore, #tpu.memory_space<semaphore_mem>>)
    %scan3A_29 = arith.constant 0 : i32
    %scan3A_30 = arith.constant 39 : i32
    %scan3A_31 = arith.addi %scan3A_29, %scan3A_30 : i32
    %scan3A_32 = arith.constant 1 : i32
    scf.for %scan3A_44 = %scan3A_29 to %scan3A_31 step %scan3A_32  : i32 {
      %mul3A_45 = arith.constant 1 : i32
      %mul3A_46 = arith.muli %scan3A_44, %mul3A_45 : i32
      %add3A_47 = arith.constant 0 : i32
      %add3A_48 = arith.addi %add3A_47, %mul3A_46 : i32
      %mul3A_49 = arith.constant 2 : i32
      %mul3A_50 = arith.muli %mul3A_49, %add3A_48 : i32
      %add3A_51 = arith.constant 0 : i32
      %add3A_52 = arith.addi %mul3A_50, %add3A_51 : i32
      %dma_wait3A = arith.constant 0 : i32
      %dma_wait3A_53 = arith.constant 0 : i32
      %dma_wait3A_54 = tpu.memref_slice %arg7[%dma_wait3A, %dma_wait3A_53] : memref<1x128xi32, #tpu.memory_space<vmem>> -> memref<1x128xi32, #tpu.memory_space<vmem>>
      %dma_wait3A_55 = tpu.memref_squeeze %dma_wait3A_54 : memref<1x128xi32, #tpu.memory_space<vmem>> -> memref<128xi32, #tpu.memory_space<vmem>>
      %dma_wait3A_56 = arith.constant 0 : i32
      %dma_wait3A_57 = arith.constant 0 : i32
      %dma_wait3A_58 = tpu.memref_slice %arg2[%dma_wait3A_56, %dma_wait3A_57] : memref<20000x128xf32, #tpu.memory_space<hbm>> -> memref<20000x128xf32, #tpu.memory_space<hbm>>
      tpu.wait_indirect_dma semaphore(%arg13 : memref<!tpu.dma_semaphore, #tpu.memory_space<semaphore_mem>>) src(%dma_wait3A_58 : memref<20000x128xf32, #tpu.memory_space<hbm>>) dst(%arg11 : memref<128x128xf32, #tpu.memory_space<vmem>>)
      %run_scoped3A = arith.constant 0 : i32
      "tpu.region"() ({
        %run_scoped3A_85 = tpu.sem_alloc : memref<!tpu.dma_semaphore, #tpu.memory_space<semaphore_mem>>
        %dma_start3A_86 = arith.constant 0 : i32
        %dma_start3A_87 = tpu.memref_slice %arg9[%run_scoped3A, %dma_start3A_86] : memref<1x128xi32, #tpu.memory_space<vmem>> -> memref<1x128xi32, #tpu.memory_space<vmem>>
        %dma_start3A_88 = tpu.memref_squeeze %dma_start3A_87 : memref<1x128xi32, #tpu.memory_space<vmem>> -> memref<128xi32, #tpu.memory_space<vmem>>
        %dma_start3A_89 = arith.constant 0 : i32
        %dma_start3A_90 = arith.constant 0 : i32
        %dma_start3A_91 = tpu.memref_slice %arg14[%dma_start3A_89, %dma_start3A_90] : memref<10240x128xf32, #tpu.memory_space<vmem_shared>> -> memref<10240x128xf32, #tpu.memory_space<vmem_shared>>
        tpu.enqueue_indirect_dma source(%arg11 : memref<128x128xf32, #tpu.memory_space<vmem>>) target(%dma_start3A_91 : memref<10240x128xf32, #tpu.memory_space<vmem_shared>>) offsets(%dma_start3A_88 : memref<128xi32, #tpu.memory_space<vmem>>) semaphore(%run_scoped3A_85 : memref<!tpu.dma_semaphore, #tpu.memory_space<semaphore_mem>>) {add = true}
        %dma_wait3A_92 = arith.constant 0 : i32
        %dma_wait3A_93 = tpu.memref_slice %arg9[%run_scoped3A, %dma_wait3A_92] : memref<1x128xi32, #tpu.memory_space<vmem>> -> memref<1x128xi32, #tpu.memory_space<vmem>>
        %dma_wait3A_94 = tpu.memref_squeeze %dma_wait3A_93 : memref<1x128xi32, #tpu.memory_space<vmem>> -> memref<128xi32, #tpu.memory_space<vmem>>
        %dma_wait3A_95 = arith.constant 0 : i32
        %dma_wait3A_96 = arith.constant 0 : i32
        %dma_wait3A_97 = tpu.memref_slice %arg14[%dma_wait3A_95, %dma_wait3A_96] : memref<10240x128xf32, #tpu.memory_space<vmem_shared>> -> memref<10240x128xf32, #tpu.memory_space<vmem_shared>>
        tpu.wait_indirect_dma semaphore(%run_scoped3A_85 : memref<!tpu.dma_semaphore, #tpu.memory_space<semaphore_mem>>) src(%arg11 : memref<128x128xf32, #tpu.memory_space<vmem>>) dst(%dma_wait3A_97 : memref<10240x128xf32, #tpu.memory_space<vmem_shared>>)
        tpu.yield
      }) : () -> ()
      %add3A_59 = arith.constant 2 : i32
      %add3A_60 = arith.addi %add3A_52, %add3A_59 : i32
      %lt3A_61 = arith.constant 78 : i32
      %lt3A_62 = arith.cmpi slt, %add3A_60, %lt3A_61 : i32
      %convert_element_type3A_63 = arith.extui %lt3A_62 : i1 to i32
      %cond3A_64 = arith.constant 0 : i32
      %cond3A_65 = arith.cmpi ne, %convert_element_type3A_63, %cond3A_64 : i32
      scf.if %cond3A_65 {
        %mul3A_85 = arith.constant 1250 : i32
        %mul3A_86 = arith.muli %arg0, %mul3A_85 : i32
        %add3A_87 = arith.constant 2 : i32
        %add3A_88 = arith.addi %add3A_52, %add3A_87 : i32
        %mul3A_89 = arith.constant 16 : i32
        %mul3A_90 = arith.muli %mul3A_89, %add3A_88 : i32
        %add3A_91 = arith.addi %arg1, %mul3A_90 : i32
        %add3A_92 = arith.addi %mul3A_86, %add3A_91 : i32
        "tpu.region"() ({
          %run_scoped3A_105 = tpu.sem_alloc : memref<!tpu.dma_semaphore, #tpu.memory_space<semaphore_mem>>
          %dma_start3A_106 = arith.constant 0 : i32
          %dma_start3A_107 = arith.constant 0 : i32
          %dma_start3A_108 = tpu.memref_slice %arg3[%add3A_92, %dma_start3A_106, %dma_start3A_107] : memref<2500x1x128xi32, #tpu.memory_space<hbm>> -> memref<1x1x128xi32, #tpu.memory_space<hbm>>
          %dma_start3A_109 = tpu.memref_squeeze %dma_start3A_108 : memref<1x1x128xi32, #tpu.memory_space<hbm>> -> memref<1x128xi32, #tpu.memory_space<hbm>>
          %dma_start3A_110 = arith.constant 0 : i32
          %dma_start3A_111 = arith.constant 0 : i32
          %dma_start3A_112 = tpu.memref_slice %arg3[%add3A_92, %dma_start3A_110, %dma_start3A_111] : memref<2500x1x128xi32, #tpu.memory_space<hbm>> -> memref<1x1x128xi32, #tpu.memory_space<hbm>>
          %dma_start3A_113 = tpu.memref_squeeze %dma_start3A_112 : memref<1x1x128xi32, #tpu.memory_space<hbm>> -> memref<1x128xi32, #tpu.memory_space<hbm>>
          tpu.enqueue_dma source(%dma_start3A_113 : memref<1x128xi32, #tpu.memory_space<hbm>>) target(%arg7 : memref<1x128xi32, #tpu.memory_space<vmem>>) target_semaphore(%run_scoped3A_105 : memref<!tpu.dma_semaphore, #tpu.memory_space<semaphore_mem>>)
          %dma_wait3A_114 = arith.constant 0 : i32
          %dma_wait3A_115 = arith.constant 0 : i32
          %dma_wait3A_116 = tpu.memref_slice %arg3[%add3A_92, %dma_wait3A_114, %dma_wait3A_115] : memref<2500x1x128xi32, #tpu.memory_space<hbm>> -> memref<1x1x128xi32, #tpu.memory_space<hbm>>
          %dma_wait3A_117 = tpu.memref_squeeze %dma_wait3A_116 : memref<1x1x128xi32, #tpu.memory_space<hbm>> -> memref<1x128xi32, #tpu.memory_space<hbm>>
          %dma_wait3A_118 = arith.constant 0 : i32
          %dma_wait3A_119 = arith.constant 0 : i32
          %dma_wait3A_120 = tpu.memref_slice %arg3[%add3A_92, %dma_wait3A_118, %dma_wait3A_119] : memref<2500x1x128xi32, #tpu.memory_space<hbm>> -> memref<1x1x128xi32, #tpu.memory_space<hbm>>
          %dma_wait3A_121 = tpu.memref_squeeze %dma_wait3A_120 : memref<1x1x128xi32, #tpu.memory_space<hbm>> -> memref<1x128xi32, #tpu.memory_space<hbm>>
          tpu.wait_dma2 semaphore(%run_scoped3A_105 : memref<!tpu.dma_semaphore, #tpu.memory_space<semaphore_mem>>) src(%dma_wait3A_121 : memref<1x128xi32, #tpu.memory_space<hbm>>) dst(%arg7 : memref<1x128xi32, #tpu.memory_space<vmem>>)
          tpu.yield
        }) : () -> ()
        %add3A_93 = arith.constant 2 : i32
        %add3A_94 = arith.addi %add3A_52, %add3A_93 : i32
        %mul3A_95 = arith.constant 16 : i32
        %mul3A_96 = arith.muli %mul3A_95, %add3A_94 : i32
        %add3A_97 = arith.addi %arg1, %mul3A_96 : i32
        "tpu.region"() ({
          %run_scoped3A_105 = tpu.sem_alloc : memref<!tpu.dma_semaphore, #tpu.memory_space<semaphore_mem>>
          %dma_start3A_106 = arith.constant 0 : i32
          %dma_start3A_107 = arith.constant 0 : i32
          %dma_start3A_108 = tpu.memref_slice %arg4[%add3A_97, %dma_start3A_106, %dma_start3A_107] : memref<1250x1x128xi32, #tpu.memory_space<hbm>> -> memref<1x1x128xi32, #tpu.memory_space<hbm>>
          %dma_start3A_109 = tpu.memref_squeeze %dma_start3A_108 : memref<1x1x128xi32, #tpu.memory_space<hbm>> -> memref<1x128xi32, #tpu.memory_space<hbm>>
          %dma_start3A_110 = arith.constant 0 : i32
          %dma_start3A_111 = arith.constant 0 : i32
          %dma_start3A_112 = tpu.memref_slice %arg4[%add3A_97, %dma_start3A_110, %dma_start3A_111] : memref<1250x1x128xi32, #tpu.memory_space<hbm>> -> memref<1x1x128xi32, #tpu.memory_space<hbm>>
          %dma_start3A_113 = tpu.memref_squeeze %dma_start3A_112 : memref<1x1x128xi32, #tpu.memory_space<hbm>> -> memref<1x128xi32, #tpu.memory_space<hbm>>
          tpu.enqueue_dma source(%dma_start3A_113 : memref<1x128xi32, #tpu.memory_space<hbm>>) target(%arg9 : memref<1x128xi32, #tpu.memory_space<vmem>>) target_semaphore(%run_scoped3A_105 : memref<!tpu.dma_semaphore, #tpu.memory_space<semaphore_mem>>)
          %dma_wait3A_114 = arith.constant 0 : i32
          %dma_wait3A_115 = arith.constant 0 : i32
          %dma_wait3A_116 = tpu.memref_slice %arg4[%add3A_97, %dma_wait3A_114, %dma_wait3A_115] : memref<1250x1x128xi32, #tpu.memory_space<hbm>> -> memref<1x1x128xi32, #tpu.memory_space<hbm>>
          %dma_wait3A_117 = tpu.memref_squeeze %dma_wait3A_116 : memref<1x1x128xi32, #tpu.memory_space<hbm>> -> memref<1x128xi32, #tpu.memory_space<hbm>>
          %dma_wait3A_118 = arith.constant 0 : i32
          %dma_wait3A_119 = arith.constant 0 : i32
          %dma_wait3A_120 = tpu.memref_slice %arg4[%add3A_97, %dma_wait3A_118, %dma_wait3A_119] : memref<1250x1x128xi32, #tpu.memory_space<hbm>> -> memref<1x1x128xi32, #tpu.memory_space<hbm>>
          %dma_wait3A_121 = tpu.memref_squeeze %dma_wait3A_120 : memref<1x1x128xi32, #tpu.memory_space<hbm>> -> memref<1x128xi32, #tpu.memory_space<hbm>>
          tpu.wait_dma2 semaphore(%run_scoped3A_105 : memref<!tpu.dma_semaphore, #tpu.memory_space<semaphore_mem>>) src(%dma_wait3A_121 : memref<1x128xi32, #tpu.memory_space<hbm>>) dst(%arg9 : memref<1x128xi32, #tpu.memory_space<vmem>>)
          tpu.yield
        }) : () -> ()
        %dma_start3A_98 = arith.constant 0 : i32
        %dma_start3A_99 = arith.constant 0 : i32
        %dma_start3A_100 = tpu.memref_slice %arg7[%dma_start3A_98, %dma_start3A_99] : memref<1x128xi32, #tpu.memory_space<vmem>> -> memref<1x128xi32, #tpu.memory_space<vmem>>
        %dma_start3A_101 = tpu.memref_squeeze %dma_start3A_100 : memref<1x128xi32, #tpu.memory_space<vmem>> -> memref<128xi32, #tpu.memory_space<vmem>>
        %dma_start3A_102 = arith.constant 0 : i32
        %dma_start3A_103 = arith.constant 0 : i32
        %dma_start3A_104 = tpu.memref_slice %arg2[%dma_start3A_102, %dma_start3A_103] : memref<20000x128xf32, #tpu.memory_space<hbm>> -> memref<20000x128xf32, #tpu.memory_space<hbm>>
        tpu.enqueue_indirect_dma source(%dma_start3A_104 : memref<20000x128xf32, #tpu.memory_space<hbm>>) target(%arg11 : memref<128x128xf32, #tpu.memory_space<vmem>>) offsets(%dma_start3A_101 : memref<128xi32, #tpu.memory_space<vmem>>) semaphore(%arg13 : memref<!tpu.dma_semaphore, #tpu.memory_space<semaphore_mem>>)
      } else {
      }
      %mul3A_66 = arith.constant 2 : i32
      %mul3A_67 = arith.muli %mul3A_66, %add3A_48 : i32
      %add3A_68 = arith.constant 1 : i32
      %add3A_69 = arith.addi %mul3A_67, %add3A_68 : i32
      %dma_wait3A_70 = arith.constant 0 : i32
      %dma_wait3A_71 = arith.constant 0 : i32
      %dma_wait3A_72 = tpu.memref_slice %arg8[%dma_wait3A_70, %dma_wait3A_71] : memref<1x128xi32, #tpu.memory_space<vmem>> -> memref<1x128xi32, #tpu.memory_space<vmem>>
      %dma_wait3A_73 = tpu.memref_squeeze %dma_wait3A_72 : memref<1x128xi32, #tpu.memory_space<vmem>> -> memref<128xi32, #tpu.memory_space<vmem>>
      %dma_wait3A_74 = arith.constant 0 : i32
      %dma_wait3A_75 = arith.constant 0 : i32
      %dma_wait3A_76 = tpu.memref_slice %arg2[%dma_wait3A_74, %dma_wait3A_75] : memref<20000x128xf32, #tpu.memory_space<hbm>> -> memref<20000x128xf32, #tpu.memory_space<hbm>>
      tpu.wait_indirect_dma semaphore(%arg13 : memref<!tpu.dma_semaphore, #tpu.memory_space<semaphore_mem>>) src(%dma_wait3A_76 : memref<20000x128xf32, #tpu.memory_space<hbm>>) dst(%arg12 : memref<128x128xf32, #tpu.memory_space<vmem>>)
      %run_scoped3A_77 = arith.constant 0 : i32
      "tpu.region"() ({
        %run_scoped3A_85 = tpu.sem_alloc : memref<!tpu.dma_semaphore, #tpu.memory_space<semaphore_mem>>
        %dma_start3A_86 = arith.constant 0 : i32
        %dma_start3A_87 = tpu.memref_slice %arg10[%run_scoped3A_77, %dma_start3A_86] : memref<1x128xi32, #tpu.memory_space<vmem>> -> memref<1x128xi32, #tpu.memory_space<vmem>>
        %dma_start3A_88 = tpu.memref_squeeze %dma_start3A_87 : memref<1x128xi32, #tpu.memory_space<vmem>> -> memref<128xi32, #tpu.memory_space<vmem>>
        %dma_start3A_89 = arith.constant 0 : i32
        %dma_start3A_90 = arith.constant 0 : i32
        %dma_start3A_91 = tpu.memref_slice %arg14[%dma_start3A_89, %dma_start3A_90] : memref<10240x128xf32, #tpu.memory_space<vmem_shared>> -> memref<10240x128xf32, #tpu.memory_space<vmem_shared>>
        tpu.enqueue_indirect_dma source(%arg12 : memref<128x128xf32, #tpu.memory_space<vmem>>) target(%dma_start3A_91 : memref<10240x128xf32, #tpu.memory_space<vmem_shared>>) offsets(%dma_start3A_88 : memref<128xi32, #tpu.memory_space<vmem>>) semaphore(%run_scoped3A_85 : memref<!tpu.dma_semaphore, #tpu.memory_space<semaphore_mem>>) {add = true}
        %dma_wait3A_92 = arith.constant 0 : i32
        %dma_wait3A_93 = tpu.memref_slice %arg10[%run_scoped3A_77, %dma_wait3A_92] : memref<1x128xi32, #tpu.memory_space<vmem>> -> memref<1x128xi32, #tpu.memory_space<vmem>>
        %dma_wait3A_94 = tpu.memref_squeeze %dma_wait3A_93 : memref<1x128xi32, #tpu.memory_space<vmem>> -> memref<128xi32, #tpu.memory_space<vmem>>
        %dma_wait3A_95 = arith.constant 0 : i32
        %dma_wait3A_96 = arith.constant 0 : i32
        %dma_wait3A_97 = tpu.memref_slice %arg14[%dma_wait3A_95, %dma_wait3A_96] : memref<10240x128xf32, #tpu.memory_space<vmem_shared>> -> memref<10240x128xf32, #tpu.memory_space<vmem_shared>>
        tpu.wait_indirect_dma semaphore(%run_scoped3A_85 : memref<!tpu.dma_semaphore, #tpu.memory_space<semaphore_mem>>) src(%arg12 : memref<128x128xf32, #tpu.memory_space<vmem>>) dst(%dma_wait3A_97 : memref<10240x128xf32, #tpu.memory_space<vmem_shared>>)
        tpu.yield
      }) : () -> ()
      %add3A_78 = arith.constant 2 : i32
      %add3A_79 = arith.addi %add3A_69, %add3A_78 : i32
      %lt3A_80 = arith.constant 78 : i32
      %lt3A_81 = arith.cmpi slt, %add3A_79, %lt3A_80 : i32
      %convert_element_type3A_82 = arith.extui %lt3A_81 : i1 to i32
      %cond3A_83 = arith.constant 0 : i32
      %cond3A_84 = arith.cmpi ne, %convert_element_type3A_82, %cond3A_83 : i32
      scf.if %cond3A_84 {
        %mul3A_85 = arith.constant 1250 : i32
        %mul3A_86 = arith.muli %arg0, %mul3A_85 : i32
        %add3A_87 = arith.constant 2 : i32
        %add3A_88 = arith.addi %add3A_69, %add3A_87 : i32
        %mul3A_89 = arith.constant 16 : i32
        %mul3A_90 = arith.muli %mul3A_89, %add3A_88 : i32
        %add3A_91 = arith.addi %arg1, %mul3A_90 : i32
        %add3A_92 = arith.addi %mul3A_86, %add3A_91 : i32
        "tpu.region"() ({
          %run_scoped3A_105 = tpu.sem_alloc : memref<!tpu.dma_semaphore, #tpu.memory_space<semaphore_mem>>
          %dma_start3A_106 = arith.constant 0 : i32
          %dma_start3A_107 = arith.constant 0 : i32
          %dma_start3A_108 = tpu.memref_slice %arg3[%add3A_92, %dma_start3A_106, %dma_start3A_107] : memref<2500x1x128xi32, #tpu.memory_space<hbm>> -> memref<1x1x128xi32, #tpu.memory_space<hbm>>
          %dma_start3A_109 = tpu.memref_squeeze %dma_start3A_108 : memref<1x1x128xi32, #tpu.memory_space<hbm>> -> memref<1x128xi32, #tpu.memory_space<hbm>>
          %dma_start3A_110 = arith.constant 0 : i32
          %dma_start3A_111 = arith.constant 0 : i32
          %dma_start3A_112 = tpu.memref_slice %arg3[%add3A_92, %dma_start3A_110, %dma_start3A_111] : memref<2500x1x128xi32, #tpu.memory_space<hbm>> -> memref<1x1x128xi32, #tpu.memory_space<hbm>>
          %dma_start3A_113 = tpu.memref_squeeze %dma_start3A_112 : memref<1x1x128xi32, #tpu.memory_space<hbm>> -> memref<1x128xi32, #tpu.memory_space<hbm>>
          tpu.enqueue_dma source(%dma_start3A_113 : memref<1x128xi32, #tpu.memory_space<hbm>>) target(%arg8 : memref<1x128xi32, #tpu.memory_space<vmem>>) target_semaphore(%run_scoped3A_105 : memref<!tpu.dma_semaphore, #tpu.memory_space<semaphore_mem>>)
          %dma_wait3A_114 = arith.constant 0 : i32
          %dma_wait3A_115 = arith.constant 0 : i32
          %dma_wait3A_116 = tpu.memref_slice %arg3[%add3A_92, %dma_wait3A_114, %dma_wait3A_115] : memref<2500x1x128xi32, #tpu.memory_space<hbm>> -> memref<1x1x128xi32, #tpu.memory_space<hbm>>
          %dma_wait3A_117 = tpu.memref_squeeze %dma_wait3A_116 : memref<1x1x128xi32, #tpu.memory_space<hbm>> -> memref<1x128xi32, #tpu.memory_space<hbm>>
          %dma_wait3A_118 = arith.constant 0 : i32
          %dma_wait3A_119 = arith.constant 0 : i32
          %dma_wait3A_120 = tpu.memref_slice %arg3[%add3A_92, %dma_wait3A_118, %dma_wait3A_119] : memref<2500x1x128xi32, #tpu.memory_space<hbm>> -> memref<1x1x128xi32, #tpu.memory_space<hbm>>
          %dma_wait3A_121 = tpu.memref_squeeze %dma_wait3A_120 : memref<1x1x128xi32, #tpu.memory_space<hbm>> -> memref<1x128xi32, #tpu.memory_space<hbm>>
          tpu.wait_dma2 semaphore(%run_scoped3A_105 : memref<!tpu.dma_semaphore, #tpu.memory_space<semaphore_mem>>) src(%dma_wait3A_121 : memref<1x128xi32, #tpu.memory_space<hbm>>) dst(%arg8 : memref<1x128xi32, #tpu.memory_space<vmem>>)
          tpu.yield
        }) : () -> ()
        %add3A_93 = arith.constant 2 : i32
        %add3A_94 = arith.addi %add3A_69, %add3A_93 : i32
        %mul3A_95 = arith.constant 16 : i32
        %mul3A_96 = arith.muli %mul3A_95, %add3A_94 : i32
        %add3A_97 = arith.addi %arg1, %mul3A_96 : i32
        "tpu.region"() ({
          %run_scoped3A_105 = tpu.sem_alloc : memref<!tpu.dma_semaphore, #tpu.memory_space<semaphore_mem>>
          %dma_start3A_106 = arith.constant 0 : i32
          %dma_start3A_107 = arith.constant 0 : i32
          %dma_start3A_108 = tpu.memref_slice %arg4[%add3A_97, %dma_start3A_106, %dma_start3A_107] : memref<1250x1x128xi32, #tpu.memory_space<hbm>> -> memref<1x1x128xi32, #tpu.memory_space<hbm>>
          %dma_start3A_109 = tpu.memref_squeeze %dma_start3A_108 : memref<1x1x128xi32, #tpu.memory_space<hbm>> -> memref<1x128xi32, #tpu.memory_space<hbm>>
          %dma_start3A_110 = arith.constant 0 : i32
          %dma_start3A_111 = arith.constant 0 : i32
          %dma_start3A_112 = tpu.memref_slice %arg4[%add3A_97, %dma_start3A_110, %dma_start3A_111] : memref<1250x1x128xi32, #tpu.memory_space<hbm>> -> memref<1x1x128xi32, #tpu.memory_space<hbm>>
          %dma_start3A_113 = tpu.memref_squeeze %dma_start3A_112 : memref<1x1x128xi32, #tpu.memory_space<hbm>> -> memref<1x128xi32, #tpu.memory_space<hbm>>
          tpu.enqueue_dma source(%dma_start3A_113 : memref<1x128xi32, #tpu.memory_space<hbm>>) target(%arg10 : memref<1x128xi32, #tpu.memory_space<vmem>>) target_semaphore(%run_scoped3A_105 : memref<!tpu.dma_semaphore, #tpu.memory_space<semaphore_mem>>)
          %dma_wait3A_114 = arith.constant 0 : i32
          %dma_wait3A_115 = arith.constant 0 : i32
          %dma_wait3A_116 = tpu.memref_slice %arg4[%add3A_97, %dma_wait3A_114, %dma_wait3A_115] : memref<1250x1x128xi32, #tpu.memory_space<hbm>> -> memref<1x1x128xi32, #tpu.memory_space<hbm>>
          %dma_wait3A_117 = tpu.memref_squeeze %dma_wait3A_116 : memref<1x1x128xi32, #tpu.memory_space<hbm>> -> memref<1x128xi32, #tpu.memory_space<hbm>>
          %dma_wait3A_118 = arith.constant 0 : i32
          %dma_wait3A_119 = arith.constant 0 : i32
          %dma_wait3A_120 = tpu.memref_slice %arg4[%add3A_97, %dma_wait3A_118, %dma_wait3A_119] : memref<1250x1x128xi32, #tpu.memory_space<hbm>> -> memref<1x1x128xi32, #tpu.memory_space<hbm>>
          %dma_wait3A_121 = tpu.memref_squeeze %dma_wait3A_120 : memref<1x1x128xi32, #tpu.memory_space<hbm>> -> memref<1x128xi32, #tpu.memory_space<hbm>>
          tpu.wait_dma2 semaphore(%run_scoped3A_105 : memref<!tpu.dma_semaphore, #tpu.memory_space<semaphore_mem>>) src(%dma_wait3A_121 : memref<1x128xi32, #tpu.memory_space<hbm>>) dst(%arg10 : memref<1x128xi32, #tpu.memory_space<vmem>>)
          tpu.yield
        }) : () -> ()
        %dma_start3A_98 = arith.constant 0 : i32
        %dma_start3A_99 = arith.constant 0 : i32
        %dma_start3A_100 = tpu.memref_slice %arg8[%dma_start3A_98, %dma_start3A_99] : memref<1x128xi32, #tpu.memory_space<vmem>> -> memref<1x128xi32, #tpu.memory_space<vmem>>
        %dma_start3A_101 = tpu.memref_squeeze %dma_start3A_100 : memref<1x128xi32, #tpu.memory_space<vmem>> -> memref<128xi32, #tpu.memory_space<vmem>>
        %dma_start3A_102 = arith.constant 0 : i32
        %dma_start3A_103 = arith.constant 0 : i32
        %dma_start3A_104 = tpu.memref_slice %arg2[%dma_start3A_102, %dma_start3A_103] : memref<20000x128xf32, #tpu.memory_space<hbm>> -> memref<20000x128xf32, #tpu.memory_space<hbm>>
        tpu.enqueue_indirect_dma source(%dma_start3A_104 : memref<20000x128xf32, #tpu.memory_space<hbm>>) target(%arg12 : memref<128x128xf32, #tpu.memory_space<vmem>>) offsets(%dma_start3A_101 : memref<128xi32, #tpu.memory_space<vmem>>) semaphore(%arg13 : memref<!tpu.dma_semaphore, #tpu.memory_space<semaphore_mem>>)
      } else {
      }
    }
    %scan3A_33 = arith.constant 39 : i32
    %lt3A = arith.constant 2 : i32
    %lt3A_34 = arith.cmpi slt, %arg1, %lt3A : i32
    %convert_element_type3A = arith.extui %lt3A_34 : i1 to i32
    %cond3A = arith.constant 0 : i32
    %cond3A_35 = arith.cmpi ne, %convert_element_type3A, %cond3A : i32
    scf.if %cond3A_35 {
      %add3A_44 = arith.constant 1248 : i32
      %add3A_45 = arith.addi %arg1, %add3A_44 : i32
      %mul3A_46 = arith.constant 1250 : i32
      %mul3A_47 = arith.muli %arg0, %mul3A_46 : i32
      %add3A_48 = arith.addi %mul3A_47, %add3A_45 : i32
      "tpu.region"() ({
        %run_scoped3A_50 = tpu.sem_alloc : memref<!tpu.dma_semaphore, #tpu.memory_space<semaphore_mem>>
        %dma_start3A_51 = arith.constant 0 : i32
        %dma_start3A_52 = arith.constant 0 : i32
        %dma_start3A_53 = tpu.memref_slice %arg3[%add3A_48, %dma_start3A_51, %dma_start3A_52] : memref<2500x1x128xi32, #tpu.memory_space<hbm>> -> memref<1x1x128xi32, #tpu.memory_space<hbm>>
        %dma_start3A_54 = tpu.memref_squeeze %dma_start3A_53 : memref<1x1x128xi32, #tpu.memory_space<hbm>> -> memref<1x128xi32, #tpu.memory_space<hbm>>
        %dma_start3A_55 = arith.constant 0 : i32
        %dma_start3A_56 = arith.constant 0 : i32
        %dma_start3A_57 = tpu.memref_slice %arg3[%add3A_48, %dma_start3A_55, %dma_start3A_56] : memref<2500x1x128xi32, #tpu.memory_space<hbm>> -> memref<1x1x128xi32, #tpu.memory_space<hbm>>
        %dma_start3A_58 = tpu.memref_squeeze %dma_start3A_57 : memref<1x1x128xi32, #tpu.memory_space<hbm>> -> memref<1x128xi32, #tpu.memory_space<hbm>>
        tpu.enqueue_dma source(%dma_start3A_58 : memref<1x128xi32, #tpu.memory_space<hbm>>) target(%arg7 : memref<1x128xi32, #tpu.memory_space<vmem>>) target_semaphore(%run_scoped3A_50 : memref<!tpu.dma_semaphore, #tpu.memory_space<semaphore_mem>>)
        %dma_wait3A = arith.constant 0 : i32
        %dma_wait3A_59 = arith.constant 0 : i32
        %dma_wait3A_60 = tpu.memref_slice %arg3[%add3A_48, %dma_wait3A, %dma_wait3A_59] : memref<2500x1x128xi32, #tpu.memory_space<hbm>> -> memref<1x1x128xi32, #tpu.memory_space<hbm>>
        %dma_wait3A_61 = tpu.memref_squeeze %dma_wait3A_60 : memref<1x1x128xi32, #tpu.memory_space<hbm>> -> memref<1x128xi32, #tpu.memory_space<hbm>>
        %dma_wait3A_62 = arith.constant 0 : i32
        %dma_wait3A_63 = arith.constant 0 : i32
        %dma_wait3A_64 = tpu.memref_slice %arg3[%add3A_48, %dma_wait3A_62, %dma_wait3A_63] : memref<2500x1x128xi32, #tpu.memory_space<hbm>> -> memref<1x1x128xi32, #tpu.memory_space<hbm>>
        %dma_wait3A_65 = tpu.memref_squeeze %dma_wait3A_64 : memref<1x1x128xi32, #tpu.memory_space<hbm>> -> memref<1x128xi32, #tpu.memory_space<hbm>>
        tpu.wait_dma2 semaphore(%run_scoped3A_50 : memref<!tpu.dma_semaphore, #tpu.memory_space<semaphore_mem>>) src(%dma_wait3A_65 : memref<1x128xi32, #tpu.memory_space<hbm>>) dst(%arg7 : memref<1x128xi32, #tpu.memory_space<vmem>>)
        tpu.yield
      }) : () -> ()
      "tpu.region"() ({
        %run_scoped3A_50 = tpu.sem_alloc : memref<!tpu.dma_semaphore, #tpu.memory_space<semaphore_mem>>
        %dma_start3A_51 = arith.constant 0 : i32
        %dma_start3A_52 = arith.constant 0 : i32
        %dma_start3A_53 = tpu.memref_slice %arg4[%add3A_45, %dma_start3A_51, %dma_start3A_52] : memref<1250x1x128xi32, #tpu.memory_space<hbm>> -> memref<1x1x128xi32, #tpu.memory_space<hbm>>
        %dma_start3A_54 = tpu.memref_squeeze %dma_start3A_53 : memref<1x1x128xi32, #tpu.memory_space<hbm>> -> memref<1x128xi32, #tpu.memory_space<hbm>>
        %dma_start3A_55 = arith.constant 0 : i32
        %dma_start3A_56 = arith.constant 0 : i32
        %dma_start3A_57 = tpu.memref_slice %arg4[%add3A_45, %dma_start3A_55, %dma_start3A_56] : memref<1250x1x128xi32, #tpu.memory_space<hbm>> -> memref<1x1x128xi32, #tpu.memory_space<hbm>>
        %dma_start3A_58 = tpu.memref_squeeze %dma_start3A_57 : memref<1x1x128xi32, #tpu.memory_space<hbm>> -> memref<1x128xi32, #tpu.memory_space<hbm>>
        tpu.enqueue_dma source(%dma_start3A_58 : memref<1x128xi32, #tpu.memory_space<hbm>>) target(%arg9 : memref<1x128xi32, #tpu.memory_space<vmem>>) target_semaphore(%run_scoped3A_50 : memref<!tpu.dma_semaphore, #tpu.memory_space<semaphore_mem>>)
        %dma_wait3A = arith.constant 0 : i32
        %dma_wait3A_59 = arith.constant 0 : i32
        %dma_wait3A_60 = tpu.memref_slice %arg4[%add3A_45, %dma_wait3A, %dma_wait3A_59] : memref<1250x1x128xi32, #tpu.memory_space<hbm>> -> memref<1x1x128xi32, #tpu.memory_space<hbm>>
        %dma_wait3A_61 = tpu.memref_squeeze %dma_wait3A_60 : memref<1x1x128xi32, #tpu.memory_space<hbm>> -> memref<1x128xi32, #tpu.memory_space<hbm>>
        %dma_wait3A_62 = arith.constant 0 : i32
        %dma_wait3A_63 = arith.constant 0 : i32
        %dma_wait3A_64 = tpu.memref_slice %arg4[%add3A_45, %dma_wait3A_62, %dma_wait3A_63] : memref<1250x1x128xi32, #tpu.memory_space<hbm>> -> memref<1x1x128xi32, #tpu.memory_space<hbm>>
        %dma_wait3A_65 = tpu.memref_squeeze %dma_wait3A_64 : memref<1x1x128xi32, #tpu.memory_space<hbm>> -> memref<1x128xi32, #tpu.memory_space<hbm>>
        tpu.wait_dma2 semaphore(%run_scoped3A_50 : memref<!tpu.dma_semaphore, #tpu.memory_space<semaphore_mem>>) src(%dma_wait3A_65 : memref<1x128xi32, #tpu.memory_space<hbm>>) dst(%arg9 : memref<1x128xi32, #tpu.memory_space<vmem>>)
        tpu.yield
      }) : () -> ()
      %run_scoped3A = arith.constant 0 : i32
      "tpu.region"() ({
        %run_scoped3A_50 = tpu.sem_alloc : memref<!tpu.dma_semaphore, #tpu.memory_space<semaphore_mem>>
        %dma_start3A_51 = arith.constant 0 : i32
        %dma_start3A_52 = tpu.memref_slice %arg7[%run_scoped3A, %dma_start3A_51] : memref<1x128xi32, #tpu.memory_space<vmem>> -> memref<1x128xi32, #tpu.memory_space<vmem>>
        %dma_start3A_53 = tpu.memref_squeeze %dma_start3A_52 : memref<1x128xi32, #tpu.memory_space<vmem>> -> memref<128xi32, #tpu.memory_space<vmem>>
        %dma_start3A_54 = arith.constant 0 : i32
        %dma_start3A_55 = arith.constant 0 : i32
        %dma_start3A_56 = tpu.memref_slice %arg2[%dma_start3A_54, %dma_start3A_55] : memref<20000x128xf32, #tpu.memory_space<hbm>> -> memref<20000x128xf32, #tpu.memory_space<hbm>>
        tpu.enqueue_indirect_dma source(%dma_start3A_56 : memref<20000x128xf32, #tpu.memory_space<hbm>>) target(%arg11 : memref<128x128xf32, #tpu.memory_space<vmem>>) offsets(%dma_start3A_53 : memref<128xi32, #tpu.memory_space<vmem>>) semaphore(%run_scoped3A_50 : memref<!tpu.dma_semaphore, #tpu.memory_space<semaphore_mem>>)
        %dma_wait3A = arith.constant 0 : i32
        %dma_wait3A_57 = tpu.memref_slice %arg7[%run_scoped3A, %dma_wait3A] : memref<1x128xi32, #tpu.memory_space<vmem>> -> memref<1x128xi32, #tpu.memory_space<vmem>>
        %dma_wait3A_58 = tpu.memref_squeeze %dma_wait3A_57 : memref<1x128xi32, #tpu.memory_space<vmem>> -> memref<128xi32, #tpu.memory_space<vmem>>
        %dma_wait3A_59 = arith.constant 0 : i32
        %dma_wait3A_60 = arith.constant 0 : i32
        %dma_wait3A_61 = tpu.memref_slice %arg2[%dma_wait3A_59, %dma_wait3A_60] : memref<20000x128xf32, #tpu.memory_space<hbm>> -> memref<20000x128xf32, #tpu.memory_space<hbm>>
        tpu.wait_indirect_dma semaphore(%run_scoped3A_50 : memref<!tpu.dma_semaphore, #tpu.memory_space<semaphore_mem>>) src(%dma_wait3A_61 : memref<20000x128xf32, #tpu.memory_space<hbm>>) dst(%arg11 : memref<128x128xf32, #tpu.memory_space<vmem>>)
        tpu.yield
      }) : () -> ()
      %run_scoped3A_49 = arith.constant 0 : i32
      "tpu.region"() ({
        %run_scoped3A_50 = tpu.sem_alloc : memref<!tpu.dma_semaphore, #tpu.memory_space<semaphore_mem>>
        %dma_start3A_51 = arith.constant 0 : i32
        %dma_start3A_52 = tpu.memref_slice %arg9[%run_scoped3A_49, %dma_start3A_51] : memref<1x128xi32, #tpu.memory_space<vmem>> -> memref<1x128xi32, #tpu.memory_space<vmem>>
        %dma_start3A_53 = tpu.memref_squeeze %dma_start3A_52 : memref<1x128xi32, #tpu.memory_space<vmem>> -> memref<128xi32, #tpu.memory_space<vmem>>
        %dma_start3A_54 = arith.constant 0 : i32
        %dma_start3A_55 = arith.constant 0 : i32
        %dma_start3A_56 = tpu.memref_slice %arg14[%dma_start3A_54, %dma_start3A_55] : memref<10240x128xf32, #tpu.memory_space<vmem_shared>> -> memref<10240x128xf32, #tpu.memory_space<vmem_shared>>
        tpu.enqueue_indirect_dma source(%arg11 : memref<128x128xf32, #tpu.memory_space<vmem>>) target(%dma_start3A_56 : memref<10240x128xf32, #tpu.memory_space<vmem_shared>>) offsets(%dma_start3A_53 : memref<128xi32, #tpu.memory_space<vmem>>) semaphore(%run_scoped3A_50 : memref<!tpu.dma_semaphore, #tpu.memory_space<semaphore_mem>>) {add = true}
        %dma_wait3A = arith.constant 0 : i32
        %dma_wait3A_57 = tpu.memref_slice %arg9[%run_scoped3A_49, %dma_wait3A] : memref<1x128xi32, #tpu.memory_space<vmem>> -> memref<1x128xi32, #tpu.memory_space<vmem>>
        %dma_wait3A_58 = tpu.memref_squeeze %dma_wait3A_57 : memref<1x128xi32, #tpu.memory_space<vmem>> -> memref<128xi32, #tpu.memory_space<vmem>>
        %dma_wait3A_59 = arith.constant 0 : i32
        %dma_wait3A_60 = arith.constant 0 : i32
        %dma_wait3A_61 = tpu.memref_slice %arg14[%dma_wait3A_59, %dma_wait3A_60] : memref<10240x128xf32, #tpu.memory_space<vmem_shared>> -> memref<10240x128xf32, #tpu.memory_space<vmem_shared>>
        tpu.wait_indirect_dma semaphore(%run_scoped3A_50 : memref<!tpu.dma_semaphore, #tpu.memory_space<semaphore_mem>>) src(%arg11 : memref<128x128xf32, #tpu.memory_space<vmem>>) dst(%dma_wait3A_61 : memref<10240x128xf32, #tpu.memory_space<vmem_shared>>)
        tpu.yield
      }) : () -> ()
    } else {
    }
    %barrier3A_36 = arith.constant 0 : index
    tpu.barrier barrier_id(%barrier3A_36)
    %mul3A_37 = arith.constant 640 : i32
    %mul3A_38 = arith.muli %arg1, %mul3A_37 : i32
    %mul3A_39 = arith.constant 10240 : i32
    %mul3A_40 = arith.muli %arg0, %mul3A_39 : i32
    %mul3A_41 = arith.constant 640 : i32
    %mul3A_42 = arith.muli %arg1, %mul3A_41 : i32
    %add3A_43 = arith.addi %mul3A_40, %mul3A_42 : i32
    "tpu.region"() ({
      %run_scoped3A = tpu.sem_alloc : memref<!tpu.dma_semaphore, #tpu.memory_space<semaphore_mem>>
      %dma_start3A_44 = arith.constant 0 : i32
      %dma_start3A_45 = tpu.memref_slice %arg6[%add3A_43, %dma_start3A_44] : memref<20480x128xf32, #tpu.memory_space<hbm>> -> memref<640x128xf32, #tpu.memory_space<hbm>>
      %dma_start3A_46 = arith.constant 0 : i32
      %dma_start3A_47 = tpu.memref_slice %arg14[%mul3A_38, %dma_start3A_46] : memref<10240x128xf32, #tpu.memory_space<vmem_shared>> -> memref<640x128xf32, #tpu.memory_space<vmem_shared>>
      tpu.enqueue_dma source(%dma_start3A_47 : memref<640x128xf32, #tpu.memory_space<vmem_shared>>) target(%dma_start3A_45 : memref<640x128xf32, #tpu.memory_space<hbm>>) target_semaphore(%run_scoped3A : memref<!tpu.dma_semaphore, #tpu.memory_space<semaphore_mem>>)
      %dma_wait3A = arith.constant 0 : i32
      %dma_wait3A_48 = tpu.memref_slice %arg6[%add3A_43, %dma_wait3A] : memref<20480x128xf32, #tpu.memory_space<hbm>> -> memref<640x128xf32, #tpu.memory_space<hbm>>
      %dma_wait3A_49 = arith.constant 0 : i32
      %dma_wait3A_50 = tpu.memref_slice %arg14[%mul3A_38, %dma_wait3A_49] : memref<10240x128xf32, #tpu.memory_space<vmem_shared>> -> memref<640x128xf32, #tpu.memory_space<vmem_shared>>
      tpu.wait_dma2 semaphore(%run_scoped3A : memref<!tpu.dma_semaphore, #tpu.memory_space<semaphore_mem>>) src(%dma_wait3A_50 : memref<640x128xf32, #tpu.memory_space<vmem_shared>>) dst(%dma_wait3A_48 : memref<640x128xf32, #tpu.memory_space<hbm>>)
      tpu.yield
    }) : () -> ()
    return
  }
}

module attributes {stable_mosaic.version = 14 : i64} {
  func.func @body(%arg0: i32, %arg1: memref<1000x256xf32, #tpu.memory_space<vmem>>, %arg2: memref<256x128xf32, #tpu.memory_space<vmem>>, %arg3: memref<1000x128xf32, #tpu.memory_space<vmem>>, %arg4: memref<1000x128xf32, #tpu.memory_space<vmem>>, %arg5: memref<1000x128xf32, #tpu.memory_space<vmem>>) attributes {dimension_semantics = [#tpu.dimension_semantics<arbitrary>], iteration_bounds = array<i64: 20>, scalar_prefetch = 0 : i64, scratch_operands = 0 : i64, tpu.core_type = #tpu.core_type<tc>, window_params = [{transform_indices = @transform_0, window_bounds = array<i64: 1000, 256>}, {transform_indices = @transform_1, window_bounds = array<i64: 256, 128>}, {transform_indices = @transform_2, window_bounds = array<i64: 1000, 128>}, {transform_indices = @transform_3, window_bounds = array<i64: 1000, 128>}, {transform_indices = @transform_4, window_bounds = array<i64: 1000, 128>}]} {
    %get3A = arith.constant 0 : index
    %get3A_0 = arith.constant 0 : index
    %get3A_1 = vector.load %arg3[%get3A, %get3A_0] : memref<1000x128xf32, #tpu.memory_space<vmem>>, vector<1000x128xf32>
    %get3A_2 = arith.constant 0 : index
    %get3A_3 = arith.constant 0 : index
    %get3A_4 = vector.load %arg4[%get3A_2, %get3A_3] : memref<1000x128xf32, #tpu.memory_space<vmem>>, vector<1000x128xf32>
    %slice3A = vector.extract_strided_slice %get3A_1 {offsets = [0, 0], sizes = [1000, 1], strides = [1, 1]} : vector<1000x128xf32> to vector<1000x1xf32>
    %slice3A_5 = vector.extract_strided_slice %get3A_4 {offsets = [0, 0], sizes = [1000, 1], strides = [1, 1]} : vector<1000x128xf32> to vector<1000x1xf32>
    %add3A = arith.addf %slice3A, %slice3A_5 : vector<1000x1xf32>
    %add3A_6 = arith.constant 1.000000e+00 : f32
    %add3A_7 = vector.broadcast %add3A_6 : f32 to vector<1000x1xf32>
    %add3A_8 = arith.addf %add3A, %add3A_7 : vector<1000x1xf32>
    %rsqrt3A = math.rsqrt %add3A_8 : vector<1000x1xf32>
    %get3A_9 = arith.constant 0 : index
    %get3A_10 = arith.constant 0 : index
    %get3A_11 = vector.load %arg1[%get3A_9, %get3A_10] : memref<1000x256xf32, #tpu.memory_space<vmem>>, vector<1000x256xf32>
    %get3A_12 = arith.constant 0 : index
    %get3A_13 = arith.constant 0 : index
    %get3A_14 = vector.load %arg2[%get3A_12, %get3A_13] : memref<256x128xf32, #tpu.memory_space<vmem>>, vector<256x128xf32>
    %dot_general3A = arith.constant dense<0.000000e+00> : vector<1000x128xf32>
    %dot_general3A_15 = tpu.matmul %get3A_11, %get3A_14, %dot_general3A {dimension_numbers = #tpu.dot_dimension_numbers<[1], [0], [0], [1], [0, 0, 1, 1], [], []>, precision = #tpu.contract_precision<fp32>, transpose_lhs_hint = false} : vector<1000x256xf32>, vector<256x128xf32>, vector<1000x128xf32> -> vector<1000x128xf32>
    %mul3A = vector.broadcast %rsqrt3A : vector<1000x1xf32> to vector<1000x128xf32>
    %mul3A_16 = arith.mulf %dot_general3A_15, %mul3A : vector<1000x128xf32>
    %swap3A = arith.constant 0 : index
    %swap3A_17 = arith.constant 0 : index
    %swap3A_18 = vector.load %arg5[%swap3A, %swap3A_17] : memref<1000x128xf32, #tpu.memory_space<vmem>>, vector<1000x128xf32>
    tpu.vector_store %arg5[%swap3A, %swap3A_17], %mul3A_16 {strides = array<i32>} : memref<1000x128xf32, #tpu.memory_space<vmem>>, vector<1000x128xf32>,
    return
  }
  func.func @transform_0(%arg0: i32) -> (i32, i32) {
    %jit3A = arith.constant 10 : i32
    %eq3A = arith.constant 0 : i32
    %eq3A_0 = arith.cmpi eq, %jit3A, %eq3A : i32
    %jit3A_1 = arith.constant 1 : i32
    %select_n3A = arith.select %eq3A_0, %jit3A_1, %jit3A : i32
    %rem3A = arith.remsi %arg0, %select_n3A : i32
    %ne3A = arith.constant 0 : i32
    %ne3A_2 = arith.cmpi ne, %rem3A, %ne3A : i32
    %lt3A = arith.constant 0 : i32
    %lt3A_3 = arith.cmpi slt, %rem3A, %lt3A : i32
    %lt3A_4 = arith.constant 0 : i32
    %lt3A_5 = arith.cmpi slt, %select_n3A, %lt3A_4 : i32
    %ne3A_6 = arith.xori %lt3A_3, %lt3A_5 : i1
    %and3A = arith.andi %ne3A_6, %ne3A_2 : i1
    %add3A = arith.addi %rem3A, %select_n3A : i32
    %select_n3A_7 = arith.select %and3A, %add3A, %rem3A : i32
    %c0_i32 = arith.constant 0 : i32
    %c0_i32_8 = arith.constant 0 : i32
    return %select_n3A_7, %c0_i32 : i32, i32
  }
  func.func @transform_1(%arg0: i32) -> (i32, i32) {
    %jit3A = arith.constant 10 : i32
    %div3A = arith.divsi %arg0, %jit3A : i32
    %sign3A = arith.constant 0 : i32
    %sign3A_0 = arith.cmpi sgt, %arg0, %sign3A : i32
    %sign3A_1 = arith.extui %sign3A_0 : i1 to i32
    %sign3A_2 = arith.constant 0 : i32
    %sign3A_3 = arith.cmpi slt, %arg0, %sign3A_2 : i32
    %sign3A_4 = arith.extui %sign3A_3 : i1 to i32
    %sign3A_5 = arith.subi %sign3A_1, %sign3A_4 : i32
    %sign3A_6 = arith.constant 0 : i32
    %sign3A_7 = arith.cmpi sgt, %jit3A, %sign3A_6 : i32
    %sign3A_8 = arith.extui %sign3A_7 : i1 to i32
    %sign3A_9 = arith.constant 0 : i32
    %sign3A_10 = arith.cmpi slt, %jit3A, %sign3A_9 : i32
    %sign3A_11 = arith.extui %sign3A_10 : i1 to i32
    %sign3A_12 = arith.subi %sign3A_8, %sign3A_11 : i32
    %ne3A = arith.cmpi ne, %sign3A_5, %sign3A_12 : i32
    %rem3A = arith.remsi %arg0, %jit3A : i32
    %ne3A_13 = arith.constant 0 : i32
    %ne3A_14 = arith.cmpi ne, %rem3A, %ne3A_13 : i32
    %and3A = arith.andi %ne3A, %ne3A_14 : i1
    %sub3A = arith.constant 1 : i32
    %sub3A_15 = arith.subi %div3A, %sub3A : i32
    %select_n3A = arith.select %and3A, %sub3A_15, %div3A : i32
    %c0_i32 = arith.constant 0 : i32
    %c0_i32_16 = arith.constant 0 : i32
    return %c0_i32, %select_n3A : i32, i32
  }
  func.func @transform_2(%arg0: i32) -> (i32, i32) {
    %jit3A = arith.constant 10 : i32
    %eq3A = arith.constant 0 : i32
    %eq3A_0 = arith.cmpi eq, %jit3A, %eq3A : i32
    %jit3A_1 = arith.constant 1 : i32
    %select_n3A = arith.select %eq3A_0, %jit3A_1, %jit3A : i32
    %rem3A = arith.remsi %arg0, %select_n3A : i32
    %ne3A = arith.constant 0 : i32
    %ne3A_2 = arith.cmpi ne, %rem3A, %ne3A : i32
    %lt3A = arith.constant 0 : i32
    %lt3A_3 = arith.cmpi slt, %rem3A, %lt3A : i32
    %lt3A_4 = arith.constant 0 : i32
    %lt3A_5 = arith.cmpi slt, %select_n3A, %lt3A_4 : i32
    %ne3A_6 = arith.xori %lt3A_3, %lt3A_5 : i1
    %and3A = arith.andi %ne3A_6, %ne3A_2 : i1
    %add3A = arith.addi %rem3A, %select_n3A : i32
    %select_n3A_7 = arith.select %and3A, %add3A, %rem3A : i32
    %c0_i32 = arith.constant 0 : i32
    %c0_i32_8 = arith.constant 0 : i32
    return %select_n3A_7, %c0_i32 : i32, i32
  }
  func.func @transform_3(%arg0: i32) -> (i32, i32) {
    %jit3A = arith.constant 10 : i32
    %eq3A = arith.constant 0 : i32
    %eq3A_0 = arith.cmpi eq, %jit3A, %eq3A : i32
    %jit3A_1 = arith.constant 1 : i32
    %select_n3A = arith.select %eq3A_0, %jit3A_1, %jit3A : i32
    %rem3A = arith.remsi %arg0, %select_n3A : i32
    %ne3A = arith.constant 0 : i32
    %ne3A_2 = arith.cmpi ne, %rem3A, %ne3A : i32
    %lt3A = arith.constant 0 : i32
    %lt3A_3 = arith.cmpi slt, %rem3A, %lt3A : i32
    %lt3A_4 = arith.constant 0 : i32
    %lt3A_5 = arith.cmpi slt, %select_n3A, %lt3A_4 : i32
    %ne3A_6 = arith.xori %lt3A_3, %lt3A_5 : i1
    %and3A = arith.andi %ne3A_6, %ne3A_2 : i1
    %add3A = arith.addi %rem3A, %select_n3A : i32
    %select_n3A_7 = arith.select %and3A, %add3A, %rem3A : i32
    %c0_i32 = arith.constant 0 : i32
    %c0_i32_8 = arith.constant 0 : i32
    return %select_n3A_7, %c0_i32 : i32, i32
  }
  func.func @transform_4(%arg0: i32) -> (i32, i32) {
    %c0_i32 = arith.constant 0 : i32
    %c0_i32_0 = arith.constant 0 : i32
    return %arg0, %c0_i32 : i32, i32
  }
}

module attributes {stable_mosaic.version = 14 : i64} {
  func.func @body(%arg0: i32, %arg1: memref<1000x128xf32, #tpu.memory_space<vmem>>, %arg2: memref<1000x128xf32, #tpu.memory_space<vmem>>, %arg3: memref<1000x128xf32, #tpu.memory_space<vmem>>, %arg4: memref<1000x128xf32, #tpu.memory_space<vmem>>, %arg5: memref<1000x128xf32, #tpu.memory_space<vmem>>, %arg6: memref<1000x128xf32, #tpu.memory_space<vmem>>, %arg7: memref<1x256xf32, #tpu.memory_space<vmem>>, %arg8: memref<256x128xf32, #tpu.memory_space<vmem>>, %arg9: memref<1000x128xf32, #tpu.memory_space<vmem>>) attributes {dimension_semantics = [#tpu.dimension_semantics<arbitrary>], iteration_bounds = array<i64: 20>, scalar_prefetch = 0 : i64, scratch_operands = 0 : i64, tpu.core_type = #tpu.core_type<tc>, window_params = [{transform_indices = @transform_0, window_bounds = array<i64: 1000, 128>}, {transform_indices = @transform_1, window_bounds = array<i64: 1000, 128>}, {transform_indices = @transform_2, window_bounds = array<i64: 1000, 128>}, {transform_indices = @transform_3, window_bounds = array<i64: 1000, 128>}, {transform_indices = @transform_4, window_bounds = array<i64: 1000, 128>}, {transform_indices = @transform_5, window_bounds = array<i64: 1000, 128>}, {pipeline_mode = #tpu.pipeline_mode<synchronous>, transform_indices = @transform_6, window_bounds = array<i64: 1, 256>}, {transform_indices = @transform_7, window_bounds = array<i64: 256, 128>}, {transform_indices = @transform_8, window_bounds = array<i64: 1000, 128>}]} {
    %get3A = arith.constant 0 : index
    %get3A_0 = arith.constant 0 : index
    %get3A_1 = vector.load %arg5[%get3A, %get3A_0] : memref<1000x128xf32, #tpu.memory_space<vmem>>, vector<1000x128xf32>
    %get3A_2 = arith.constant 0 : index
    %get3A_3 = arith.constant 0 : index
    %get3A_4 = vector.load %arg6[%get3A_2, %get3A_3] : memref<1000x128xf32, #tpu.memory_space<vmem>>, vector<1000x128xf32>
    %slice3A = vector.extract_strided_slice %get3A_1 {offsets = [0, 0], sizes = [1000, 1], strides = [1, 1]} : vector<1000x128xf32> to vector<1000x1xf32>
    %slice3A_5 = vector.extract_strided_slice %get3A_4 {offsets = [0, 0], sizes = [1000, 1], strides = [1, 1]} : vector<1000x128xf32> to vector<1000x1xf32>
    %add3A = arith.addf %slice3A, %slice3A_5 : vector<1000x1xf32>
    %add3A_6 = arith.constant 1.000000e+00 : f32
    %add3A_7 = vector.broadcast %add3A_6 : f32 to vector<1000x1xf32>
    %add3A_8 = arith.addf %add3A, %add3A_7 : vector<1000x1xf32>
    %rsqrt3A = math.rsqrt %add3A_8 : vector<1000x1xf32>
    %get3A_9 = arith.constant 0 : index
    %get3A_10 = arith.constant 0 : index
    %get3A_11 = vector.load %arg1[%get3A_9, %get3A_10] : memref<1000x128xf32, #tpu.memory_space<vmem>>, vector<1000x128xf32>
    %get3A_12 = arith.constant 0 : index
    %get3A_13 = arith.constant 0 : index
    %get3A_14 = vector.load %arg2[%get3A_12, %get3A_13] : memref<1000x128xf32, #tpu.memory_space<vmem>>, vector<1000x128xf32>
    %concatenate3A = tpu.concatenate %get3A_11, %get3A_14 in 1 : vector<1000x128xf32>, vector<1000x128xf32> -> vector<1000x256xf32>
    %get3A_15 = arith.constant 0 : index
    %get3A_16 = arith.constant 0 : index
    %get3A_17 = vector.load %arg3[%get3A_15, %get3A_16] : memref<1000x128xf32, #tpu.memory_space<vmem>>, vector<1000x128xf32>
    %get3A_18 = arith.constant 0 : index
    %get3A_19 = arith.constant 0 : index
    %get3A_20 = vector.load %arg4[%get3A_18, %get3A_19] : memref<1000x128xf32, #tpu.memory_space<vmem>>, vector<1000x128xf32>
    %concatenate3A_21 = tpu.concatenate %get3A_17, %get3A_20 in 1 : vector<1000x128xf32>, vector<1000x128xf32> -> vector<1000x256xf32>
    %add3A_22 = arith.addf %concatenate3A, %concatenate3A_21 : vector<1000x256xf32>
    %mul3A = vector.broadcast %rsqrt3A : vector<1000x1xf32> to vector<1000x256xf32>
    %mul3A_23 = arith.mulf %mul3A, %add3A_22 : vector<1000x256xf32>
    %get3A_24 = arith.constant 0 : index
    %get3A_25 = arith.constant 0 : index
    %get3A_26 = vector.load %arg7[%get3A_24, %get3A_25] : memref<1x256xf32, #tpu.memory_space<vmem>>, vector<1x256xf32>
    %add3A_27 = vector.broadcast %get3A_26 : vector<1x256xf32> to vector<1000x256xf32>
    %add3A_28 = arith.addf %mul3A_23, %add3A_27 : vector<1000x256xf32>
    %max3A = arith.constant 0.000000e+00 : f32
    %max3A_29 = vector.broadcast %max3A : f32 to vector<1000x256xf32>
    %max3A_30 = arith.maximumf %add3A_28, %max3A_29 : vector<1000x256xf32>
    %get3A_31 = arith.constant 0 : index
    %get3A_32 = arith.constant 0 : index
    %get3A_33 = vector.load %arg8[%get3A_31, %get3A_32] : memref<256x128xf32, #tpu.memory_space<vmem>>, vector<256x128xf32>
    %dot_general3A = arith.constant dense<0.000000e+00> : vector<1000x128xf32>
    %dot_general3A_34 = tpu.matmul %max3A_30, %get3A_33, %dot_general3A {dimension_numbers = #tpu.dot_dimension_numbers<[1], [0], [0], [1], [0, 0, 1, 1], [], []>, precision = #tpu.contract_precision<fp32>, transpose_lhs_hint = false} : vector<1000x256xf32>, vector<256x128xf32>, vector<1000x128xf32> -> vector<1000x128xf32>
    %mul3A_35 = vector.broadcast %rsqrt3A : vector<1000x1xf32> to vector<1000x128xf32>
    %mul3A_36 = arith.mulf %dot_general3A_34, %mul3A_35 : vector<1000x128xf32>
    %swap3A = arith.constant 0 : index
    %swap3A_37 = arith.constant 0 : index
    %swap3A_38 = vector.load %arg9[%swap3A, %swap3A_37] : memref<1000x128xf32, #tpu.memory_space<vmem>>, vector<1000x128xf32>
    tpu.vector_store %arg9[%swap3A, %swap3A_37], %mul3A_36 {strides = array<i32>} : memref<1000x128xf32, #tpu.memory_space<vmem>>, vector<1000x128xf32>,
    return
  }
  func.func @transform_0(%arg0: i32) -> (i32, i32) {
    %jit3A = arith.constant 10 : i32
    %eq3A = arith.constant 0 : i32
    %eq3A_0 = arith.cmpi eq, %jit3A, %eq3A : i32
    %jit3A_1 = arith.constant 1 : i32
    %select_n3A = arith.select %eq3A_0, %jit3A_1, %jit3A : i32
    %rem3A = arith.remsi %arg0, %select_n3A : i32
    %ne3A = arith.constant 0 : i32
    %ne3A_2 = arith.cmpi ne, %rem3A, %ne3A : i32
    %lt3A = arith.constant 0 : i32
    %lt3A_3 = arith.cmpi slt, %rem3A, %lt3A : i32
    %lt3A_4 = arith.constant 0 : i32
    %lt3A_5 = arith.cmpi slt, %select_n3A, %lt3A_4 : i32
    %ne3A_6 = arith.xori %lt3A_3, %lt3A_5 : i1
    %and3A = arith.andi %ne3A_6, %ne3A_2 : i1
    %add3A = arith.addi %rem3A, %select_n3A : i32
    %select_n3A_7 = arith.select %and3A, %add3A, %rem3A : i32
    %c0_i32 = arith.constant 0 : i32
    %c0_i32_8 = arith.constant 0 : i32
    return %select_n3A_7, %c0_i32 : i32, i32
  }
  func.func @transform_1(%arg0: i32) -> (i32, i32) {
    %jit3A = arith.constant 10 : i32
    %eq3A = arith.constant 0 : i32
    %eq3A_0 = arith.cmpi eq, %jit3A, %eq3A : i32
    %jit3A_1 = arith.constant 1 : i32
    %select_n3A = arith.select %eq3A_0, %jit3A_1, %jit3A : i32
    %rem3A = arith.remsi %arg0, %select_n3A : i32
    %ne3A = arith.constant 0 : i32
    %ne3A_2 = arith.cmpi ne, %rem3A, %ne3A : i32
    %lt3A = arith.constant 0 : i32
    %lt3A_3 = arith.cmpi slt, %rem3A, %lt3A : i32
    %lt3A_4 = arith.constant 0 : i32
    %lt3A_5 = arith.cmpi slt, %select_n3A, %lt3A_4 : i32
    %ne3A_6 = arith.xori %lt3A_3, %lt3A_5 : i1
    %and3A = arith.andi %ne3A_6, %ne3A_2 : i1
    %add3A = arith.addi %rem3A, %select_n3A : i32
    %select_n3A_7 = arith.select %and3A, %add3A, %rem3A : i32
    %c0_i32 = arith.constant 0 : i32
    %c0_i32_8 = arith.constant 0 : i32
    return %select_n3A_7, %c0_i32 : i32, i32
  }
  func.func @transform_2(%arg0: i32) -> (i32, i32) {
    %jit3A = arith.constant 10 : i32
    %eq3A = arith.constant 0 : i32
    %eq3A_0 = arith.cmpi eq, %jit3A, %eq3A : i32
    %jit3A_1 = arith.constant 1 : i32
    %select_n3A = arith.select %eq3A_0, %jit3A_1, %jit3A : i32
    %rem3A = arith.remsi %arg0, %select_n3A : i32
    %ne3A = arith.constant 0 : i32
    %ne3A_2 = arith.cmpi ne, %rem3A, %ne3A : i32
    %lt3A = arith.constant 0 : i32
    %lt3A_3 = arith.cmpi slt, %rem3A, %lt3A : i32
    %lt3A_4 = arith.constant 0 : i32
    %lt3A_5 = arith.cmpi slt, %select_n3A, %lt3A_4 : i32
    %ne3A_6 = arith.xori %lt3A_3, %lt3A_5 : i1
    %and3A = arith.andi %ne3A_6, %ne3A_2 : i1
    %add3A = arith.addi %rem3A, %select_n3A : i32
    %select_n3A_7 = arith.select %and3A, %add3A, %rem3A : i32
    %c0_i32 = arith.constant 0 : i32
    %c0_i32_8 = arith.constant 0 : i32
    return %select_n3A_7, %c0_i32 : i32, i32
  }
  func.func @transform_3(%arg0: i32) -> (i32, i32) {
    %jit3A = arith.constant 10 : i32
    %eq3A = arith.constant 0 : i32
    %eq3A_0 = arith.cmpi eq, %jit3A, %eq3A : i32
    %jit3A_1 = arith.constant 1 : i32
    %select_n3A = arith.select %eq3A_0, %jit3A_1, %jit3A : i32
    %rem3A = arith.remsi %arg0, %select_n3A : i32
    %ne3A = arith.constant 0 : i32
    %ne3A_2 = arith.cmpi ne, %rem3A, %ne3A : i32
    %lt3A = arith.constant 0 : i32
    %lt3A_3 = arith.cmpi slt, %rem3A, %lt3A : i32
    %lt3A_4 = arith.constant 0 : i32
    %lt3A_5 = arith.cmpi slt, %select_n3A, %lt3A_4 : i32
    %ne3A_6 = arith.xori %lt3A_3, %lt3A_5 : i1
    %and3A = arith.andi %ne3A_6, %ne3A_2 : i1
    %add3A = arith.addi %rem3A, %select_n3A : i32
    %select_n3A_7 = arith.select %and3A, %add3A, %rem3A : i32
    %add3A_8 = arith.constant 10 : i32
    %add3A_9 = arith.addi %add3A_8, %select_n3A_7 : i32
    %c0_i32 = arith.constant 0 : i32
    %c0_i32_10 = arith.constant 0 : i32
    return %add3A_9, %c0_i32 : i32, i32
  }
  func.func @transform_4(%arg0: i32) -> (i32, i32) {
    %jit3A = arith.constant 10 : i32
    %eq3A = arith.constant 0 : i32
    %eq3A_0 = arith.cmpi eq, %jit3A, %eq3A : i32
    %jit3A_1 = arith.constant 1 : i32
    %select_n3A = arith.select %eq3A_0, %jit3A_1, %jit3A : i32
    %rem3A = arith.remsi %arg0, %select_n3A : i32
    %ne3A = arith.constant 0 : i32
    %ne3A_2 = arith.cmpi ne, %rem3A, %ne3A : i32
    %lt3A = arith.constant 0 : i32
    %lt3A_3 = arith.cmpi slt, %rem3A, %lt3A : i32
    %lt3A_4 = arith.constant 0 : i32
    %lt3A_5 = arith.cmpi slt, %select_n3A, %lt3A_4 : i32
    %ne3A_6 = arith.xori %lt3A_3, %lt3A_5 : i1
    %and3A = arith.andi %ne3A_6, %ne3A_2 : i1
    %add3A = arith.addi %rem3A, %select_n3A : i32
    %select_n3A_7 = arith.select %and3A, %add3A, %rem3A : i32
    %c0_i32 = arith.constant 0 : i32
    %c0_i32_8 = arith.constant 0 : i32
    return %select_n3A_7, %c0_i32 : i32, i32
  }
  func.func @transform_5(%arg0: i32) -> (i32, i32) {
    %jit3A = arith.constant 10 : i32
    %eq3A = arith.constant 0 : i32
    %eq3A_0 = arith.cmpi eq, %jit3A, %eq3A : i32
    %jit3A_1 = arith.constant 1 : i32
    %select_n3A = arith.select %eq3A_0, %jit3A_1, %jit3A : i32
    %rem3A = arith.remsi %arg0, %select_n3A : i32
    %ne3A = arith.constant 0 : i32
    %ne3A_2 = arith.cmpi ne, %rem3A, %ne3A : i32
    %lt3A = arith.constant 0 : i32
    %lt3A_3 = arith.cmpi slt, %rem3A, %lt3A : i32
    %lt3A_4 = arith.constant 0 : i32
    %lt3A_5 = arith.cmpi slt, %select_n3A, %lt3A_4 : i32
    %ne3A_6 = arith.xori %lt3A_3, %lt3A_5 : i1
    %and3A = arith.andi %ne3A_6, %ne3A_2 : i1
    %add3A = arith.addi %rem3A, %select_n3A : i32
    %select_n3A_7 = arith.select %and3A, %add3A, %rem3A : i32
    %c0_i32 = arith.constant 0 : i32
    %c0_i32_8 = arith.constant 0 : i32
    return %select_n3A_7, %c0_i32 : i32, i32
  }
  func.func @transform_6(%arg0: i32) -> (i32, i32) {
    %c0_i32 = arith.constant 0 : i32
    %c0_i32_0 = arith.constant 0 : i32
    %c0_i32_1 = arith.constant 0 : i32
    return %c0_i32, %c0_i32_0 : i32, i32
  }
  func.func @transform_7(%arg0: i32) -> (i32, i32) {
    %jit3A = arith.constant 10 : i32
    %div3A = arith.divsi %arg0, %jit3A : i32
    %sign3A = arith.constant 0 : i32
    %sign3A_0 = arith.cmpi sgt, %arg0, %sign3A : i32
    %sign3A_1 = arith.extui %sign3A_0 : i1 to i32
    %sign3A_2 = arith.constant 0 : i32
    %sign3A_3 = arith.cmpi slt, %arg0, %sign3A_2 : i32
    %sign3A_4 = arith.extui %sign3A_3 : i1 to i32
    %sign3A_5 = arith.subi %sign3A_1, %sign3A_4 : i32
    %sign3A_6 = arith.constant 0 : i32
    %sign3A_7 = arith.cmpi sgt, %jit3A, %sign3A_6 : i32
    %sign3A_8 = arith.extui %sign3A_7 : i1 to i32
    %sign3A_9 = arith.constant 0 : i32
    %sign3A_10 = arith.cmpi slt, %jit3A, %sign3A_9 : i32
    %sign3A_11 = arith.extui %sign3A_10 : i1 to i32
    %sign3A_12 = arith.subi %sign3A_8, %sign3A_11 : i32
    %ne3A = arith.cmpi ne, %sign3A_5, %sign3A_12 : i32
    %rem3A = arith.remsi %arg0, %jit3A : i32
    %ne3A_13 = arith.constant 0 : i32
    %ne3A_14 = arith.cmpi ne, %rem3A, %ne3A_13 : i32
    %and3A = arith.andi %ne3A, %ne3A_14 : i1
    %sub3A = arith.constant 1 : i32
    %sub3A_15 = arith.subi %div3A, %sub3A : i32
    %select_n3A = arith.select %and3A, %sub3A_15, %div3A : i32
    %c0_i32 = arith.constant 0 : i32
    %c0_i32_16 = arith.constant 0 : i32
    return %c0_i32, %select_n3A : i32, i32
  }
  func.func @transform_8(%arg0: i32) -> (i32, i32) {
    %c0_i32 = arith.constant 0 : i32
    %c0_i32_0 = arith.constant 0 : i32
    return %arg0, %c0_i32 : i32, i32
  }
}

module attributes {stable_mosaic.version = 14 : i64} {
  func.func @body(%arg0: i32, %arg1: memref<1000x128xf32, #tpu.memory_space<vmem>>, %arg2: memref<1000x128xf32, #tpu.memory_space<vmem>>, %arg3: memref<1000x128xf32, #tpu.memory_space<vmem>>, %arg4: memref<1000x128xf32, #tpu.memory_space<vmem>>, %arg5: memref<1000x128xf32, #tpu.memory_space<vmem>>, %arg6: memref<1000x128xf32, #tpu.memory_space<vmem>>, %arg7: memref<1x256xf32, #tpu.memory_space<vmem>>, %arg8: memref<1x1x1000xi32, #tpu.memory_space<vmem>>, %arg9: memref<64x256xf32, #tpu.memory_space<vmem>>, %arg10: memref<64x128xf32, #tpu.memory_space<vmem>>) attributes {dimension_semantics = [#tpu.dimension_semantics<arbitrary>], iteration_bounds = array<i64: 10>, scalar_prefetch = 0 : i64, scratch_operands = 0 : i64, tpu.core_type = #tpu.core_type<tc>, window_params = [{transform_indices = @transform_0, window_bounds = array<i64: 1000, 128>}, {transform_indices = @transform_1, window_bounds = array<i64: 1000, 128>}, {transform_indices = @transform_2, window_bounds = array<i64: 1000, 128>}, {transform_indices = @transform_3, window_bounds = array<i64: 1000, 128>}, {transform_indices = @transform_4, window_bounds = array<i64: 1000, 128>}, {transform_indices = @transform_5, window_bounds = array<i64: 1000, 128>}, {pipeline_mode = #tpu.pipeline_mode<synchronous>, transform_indices = @transform_6, window_bounds = array<i64: 1, 256>}, {transform_indices = @transform_7, window_bounds = array<i64: 1, 1, 1000>}, {pipeline_mode = #tpu.pipeline_mode<synchronous>, transform_indices = @transform_8, window_bounds = array<i64: 64, 256>}, {pipeline_mode = #tpu.pipeline_mode<synchronous>, transform_indices = @transform_9, window_bounds = array<i64: 64, 128>}]} {
    %get3A = arith.constant 0 : index
    %get3A_0 = arith.constant 0 : index
    %get3A_1 = vector.load %arg5[%get3A, %get3A_0] : memref<1000x128xf32, #tpu.memory_space<vmem>>, vector<1000x128xf32>
    %get3A_2 = arith.constant 0 : index
    %get3A_3 = arith.constant 0 : index
    %get3A_4 = vector.load %arg6[%get3A_2, %get3A_3] : memref<1000x128xf32, #tpu.memory_space<vmem>>, vector<1000x128xf32>
    %slice3A = vector.extract_strided_slice %get3A_1 {offsets = [0, 0], sizes = [1000, 1], strides = [1, 1]} : vector<1000x128xf32> to vector<1000x1xf32>
    %slice3A_5 = vector.extract_strided_slice %get3A_4 {offsets = [0, 0], sizes = [1000, 1], strides = [1, 1]} : vector<1000x128xf32> to vector<1000x1xf32>
    %add3A = arith.addf %slice3A, %slice3A_5 : vector<1000x1xf32>
    %add3A_6 = arith.constant 1.000000e+00 : f32
    %add3A_7 = vector.broadcast %add3A_6 : f32 to vector<1000x1xf32>
    %add3A_8 = arith.addf %add3A, %add3A_7 : vector<1000x1xf32>
    %rsqrt3A = math.rsqrt %add3A_8 : vector<1000x1xf32>
    %get3A_9 = arith.constant 0 : index
    %get3A_10 = arith.constant 0 : index
    %get3A_11 = vector.load %arg1[%get3A_9, %get3A_10] : memref<1000x128xf32, #tpu.memory_space<vmem>>, vector<1000x128xf32>
    %get3A_12 = arith.constant 0 : index
    %get3A_13 = arith.constant 0 : index
    %get3A_14 = vector.load %arg2[%get3A_12, %get3A_13] : memref<1000x128xf32, #tpu.memory_space<vmem>>, vector<1000x128xf32>
    %concatenate3A = tpu.concatenate %get3A_11, %get3A_14 in 1 : vector<1000x128xf32>, vector<1000x128xf32> -> vector<1000x256xf32>
    %get3A_15 = arith.constant 0 : index
    %get3A_16 = arith.constant 0 : index
    %get3A_17 = vector.load %arg3[%get3A_15, %get3A_16] : memref<1000x128xf32, #tpu.memory_space<vmem>>, vector<1000x128xf32>
    %get3A_18 = arith.constant 0 : index
    %get3A_19 = arith.constant 0 : index
    %get3A_20 = vector.load %arg4[%get3A_18, %get3A_19] : memref<1000x128xf32, #tpu.memory_space<vmem>>, vector<1000x128xf32>
    %concatenate3A_21 = tpu.concatenate %get3A_17, %get3A_20 in 1 : vector<1000x128xf32>, vector<1000x128xf32> -> vector<1000x256xf32>
    %add3A_22 = arith.addf %concatenate3A, %concatenate3A_21 : vector<1000x256xf32>
    %mul3A = vector.broadcast %rsqrt3A : vector<1000x1xf32> to vector<1000x256xf32>
    %mul3A_23 = arith.mulf %mul3A, %add3A_22 : vector<1000x256xf32>
    %get3A_24 = arith.constant 0 : index
    %get3A_25 = arith.constant 0 : index
    %get3A_26 = vector.load %arg7[%get3A_24, %get3A_25] : memref<1x256xf32, #tpu.memory_space<vmem>>, vector<1x256xf32>
    %add3A_27 = vector.broadcast %get3A_26 : vector<1x256xf32> to vector<1000x256xf32>
    %add3A_28 = arith.addf %mul3A_23, %add3A_27 : vector<1000x256xf32>
    %iota3A = tpu.iota {dimensions = array<i32: 0>} : vector<64x1000xi32>
    %get3A_29 = arith.constant 0 : index
    %get3A_30 = arith.constant 0 : index
    %get3A_31 = arith.constant 0 : index
    %get3A_32 = vector.load %arg8[%get3A_29, %get3A_30, %get3A_31] : memref<1x1x1000xi32, #tpu.memory_space<vmem>>, vector<1x1x1000xi32>
    %squeeze3A = vector.shape_cast %get3A_32 : vector<1x1x1000xi32> to vector<1x1000xi32>
    %eq3A = vector.broadcast %squeeze3A : vector<1x1000xi32> to vector<64x1000xi32>
    %eq3A_33 = arith.cmpi eq, %eq3A, %iota3A : vector<64x1000xi32>
    %convert_element_type3A = arith.extui %eq3A_33 : vector<64x1000xi1> to vector<64x1000xi32>
    %convert_element_type3A_34 = arith.sitofp %convert_element_type3A : vector<64x1000xi32> to vector<64x1000xf32>
    %dot_general3A = arith.constant dense<0.000000e+00> : vector<64x256xf32>
    %dot_general3A_35 = tpu.matmul %convert_element_type3A_34, %add3A_28, %dot_general3A {dimension_numbers = #tpu.dot_dimension_numbers<[1], [0], [0], [1], [0, 0, 1, 1], [], []>, precision = #tpu.contract_precision<fp32>, transpose_lhs_hint = false} : vector<64x1000xf32>, vector<1000x256xf32>, vector<64x256xf32> -> vector<64x256xf32>
    %convert_element_type3A_36 = arith.extui %eq3A_33 : vector<64x1000xi1> to vector<64x1000xi32>
    %convert_element_type3A_37 = arith.sitofp %convert_element_type3A_36 : vector<64x1000xi32> to vector<64x1000xf32>
    %reduce_sum3A = arith.constant dense<0.000000e+00> : vector<64xf32>
    %reduce_sum3A_38 = vector.multi_reduction <add>, %convert_element_type3A_37, %reduce_sum3A [1] : vector<64x1000xf32> to vector<64xf32>
    %broadcast_in_dim3A = vector.shape_cast %reduce_sum3A_38 : vector<64xf32> to vector<64x1xf32>
    %broadcast_in_dim3A_39 = vector.shape_cast %broadcast_in_dim3A : vector<64x1xf32> to vector<64x1xf32>
    %broadcast_in_dim3A_40 = vector.broadcast %broadcast_in_dim3A_39 : vector<64x1xf32> to vector<64x128xf32>
    %eq3A_41 = arith.constant 0 : i32
    %eq3A_42 = arith.cmpi eq, %arg0, %eq3A_41 : i32
    %convert_element_type3A_43 = arith.extui %eq3A_42 : i1 to i32
    %cond3A = arith.constant 0 : i32
    %cond3A_44 = arith.cmpi ne, %convert_element_type3A_43, %cond3A : i32
    scf.if %cond3A_44 {
      %swap3A = arith.constant 0 : index
      %swap3A_49 = arith.constant 0 : index
      %swap3A_50 = vector.load %arg9[%swap3A, %swap3A_49] : memref<64x256xf32, #tpu.memory_space<vmem>>, vector<64x256xf32>
      tpu.vector_store %arg9[%swap3A, %swap3A_49], %dot_general3A_35 {strides = array<i32>} : memref<64x256xf32, #tpu.memory_space<vmem>>, vector<64x256xf32>,
      %swap3A_51 = arith.constant 0 : index
      %swap3A_52 = arith.constant 0 : index
      %swap3A_53 = vector.load %arg10[%swap3A_51, %swap3A_52] : memref<64x128xf32, #tpu.memory_space<vmem>>, vector<64x128xf32>
      tpu.vector_store %arg10[%swap3A_51, %swap3A_52], %broadcast_in_dim3A_40 {strides = array<i32>} : memref<64x128xf32, #tpu.memory_space<vmem>>, vector<64x128xf32>,
    } else {
    }
    %gt3A = arith.constant 0 : i32
    %gt3A_45 = arith.cmpi sgt, %arg0, %gt3A : i32
    %convert_element_type3A_46 = arith.extui %gt3A_45 : i1 to i32
    %cond3A_47 = arith.constant 0 : i32
    %cond3A_48 = arith.cmpi ne, %convert_element_type3A_46, %cond3A_47 : i32
    scf.if %cond3A_48 {
      %get3A_49 = arith.constant 0 : index
      %get3A_50 = arith.constant 0 : index
      %get3A_51 = vector.load %arg9[%get3A_49, %get3A_50] : memref<64x256xf32, #tpu.memory_space<vmem>>, vector<64x256xf32>
      %add3A_52 = arith.addf %get3A_51, %dot_general3A_35 : vector<64x256xf32>
      %swap3A = arith.constant 0 : index
      %swap3A_53 = arith.constant 0 : index
      %swap3A_54 = vector.load %arg9[%swap3A, %swap3A_53] : memref<64x256xf32, #tpu.memory_space<vmem>>, vector<64x256xf32>
      tpu.vector_store %arg9[%swap3A, %swap3A_53], %add3A_52 {strides = array<i32>} : memref<64x256xf32, #tpu.memory_space<vmem>>, vector<64x256xf32>,
      %get3A_55 = arith.constant 0 : index
      %get3A_56 = arith.constant 0 : index
      %get3A_57 = vector.load %arg10[%get3A_55, %get3A_56] : memref<64x128xf32, #tpu.memory_space<vmem>>, vector<64x128xf32>
      %add3A_58 = arith.addf %get3A_57, %broadcast_in_dim3A_40 : vector<64x128xf32>
      %swap3A_59 = arith.constant 0 : index
      %swap3A_60 = arith.constant 0 : index
      %swap3A_61 = vector.load %arg10[%swap3A_59, %swap3A_60] : memref<64x128xf32, #tpu.memory_space<vmem>>, vector<64x128xf32>
      tpu.vector_store %arg10[%swap3A_59, %swap3A_60], %add3A_58 {strides = array<i32>} : memref<64x128xf32, #tpu.memory_space<vmem>>, vector<64x128xf32>,
    } else {
    }
    return
  }
  func.func @transform_0(%arg0: i32) -> (i32, i32) {
    %c0_i32 = arith.constant 0 : i32
    %c0_i32_0 = arith.constant 0 : i32
    return %arg0, %c0_i32 : i32, i32
  }
  func.func @transform_1(%arg0: i32) -> (i32, i32) {
    %c0_i32 = arith.constant 0 : i32
    %c0_i32_0 = arith.constant 0 : i32
    return %arg0, %c0_i32 : i32, i32
  }
  func.func @transform_2(%arg0: i32) -> (i32, i32) {
    %c0_i32 = arith.constant 0 : i32
    %c0_i32_0 = arith.constant 0 : i32
    return %arg0, %c0_i32 : i32, i32
  }
  func.func @transform_3(%arg0: i32) -> (i32, i32) {
    %add3A = arith.constant 10 : i32
    %add3A_0 = arith.addi %add3A, %arg0 : i32
    %c0_i32 = arith.constant 0 : i32
    %c0_i32_1 = arith.constant 0 : i32
    return %add3A_0, %c0_i32 : i32, i32
  }
  func.func @transform_4(%arg0: i32) -> (i32, i32) {
    %c0_i32 = arith.constant 0 : i32
    %c0_i32_0 = arith.constant 0 : i32
    return %arg0, %c0_i32 : i32, i32
  }
  func.func @transform_5(%arg0: i32) -> (i32, i32) {
    %c0_i32 = arith.constant 0 : i32
    %c0_i32_0 = arith.constant 0 : i32
    return %arg0, %c0_i32 : i32, i32
  }
  func.func @transform_6(%arg0: i32) -> (i32, i32) {
    %c0_i32 = arith.constant 0 : i32
    %c0_i32_0 = arith.constant 0 : i32
    %c0_i32_1 = arith.constant 0 : i32
    return %c0_i32, %c0_i32_0 : i32, i32
  }
  func.func @transform_7(%arg0: i32) -> (i32, i32, i32) {
    %c0_i32 = arith.constant 0 : i32
    %c0_i32_0 = arith.constant 0 : i32
    %c0_i32_1 = arith.constant 0 : i32
    return %arg0, %c0_i32, %c0_i32_0 : i32, i32, i32
  }
  func.func @transform_8(%arg0: i32) -> (i32, i32) {
    %c0_i32 = arith.constant 0 : i32
    %c0_i32_0 = arith.constant 0 : i32
    %c0_i32_1 = arith.constant 0 : i32
    return %c0_i32, %c0_i32_0 : i32, i32
  }
  func.func @transform_9(%arg0: i32) -> (i32, i32) {
    %c0_i32 = arith.constant 0 : i32
    %c0_i32_0 = arith.constant 0 : i32
    %c0_i32_1 = arith.constant 0 : i32
    return %c0_i32, %c0_i32_0 : i32, i32
  }
}

module attributes {stable_mosaic.version = 14 : i64} {
  func.func @body(%arg0: memref<64x256xf32, #tpu.memory_space<vmem>>, %arg1: memref<64x128xf32, #tpu.memory_space<vmem>>, %arg2: memref<64x768xf32, #tpu.memory_space<vmem>>, %arg3: memref<256x512xf32, #tpu.memory_space<vmem>>, %arg4: memref<1x512xf32, #tpu.memory_space<vmem>>, %arg5: memref<512x256xf32, #tpu.memory_space<vmem>>, %arg6: memref<1x256xf32, #tpu.memory_space<vmem>>, %arg7: memref<768x512xf32, #tpu.memory_space<vmem>>, %arg8: memref<1x512xf32, #tpu.memory_space<vmem>>, %arg9: memref<512x256xf32, #tpu.memory_space<vmem>>, %arg10: memref<1x256xf32, #tpu.memory_space<vmem>>, %arg11: memref<1x256xf32, #tpu.memory_space<vmem>>, %arg12: memref<1x256xf32, #tpu.memory_space<vmem>>, %arg13: memref<1x256xf32, #tpu.memory_space<vmem>>, %arg14: memref<1x256xf32, #tpu.memory_space<vmem>>, %arg15: memref<1x1xf32, #tpu.memory_space<vmem>>, %arg16: memref<64x256xf32, #tpu.memory_space<vmem>>, %arg17: memref<64x256xf32, #tpu.memory_space<vmem>>) attributes {dimension_semantics = [], scalar_prefetch = 0 : i64, scratch_operands = 0 : i64, tpu.core_type = #tpu.core_type<tc>} {
    %get3A = arith.constant 0 : index
    %get3A_0 = arith.constant 0 : index
    %get3A_1 = vector.load %arg1[%get3A, %get3A_0] : memref<64x128xf32, #tpu.memory_space<vmem>>, vector<64x1xf32>
    %max3A = arith.constant 1.000000e+00 : f32
    %max3A_2 = vector.broadcast %max3A : f32 to vector<64x1xf32>
    %max3A_3 = arith.maximumf %get3A_1, %max3A_2 : vector<64x1xf32>
    %get3A_4 = arith.constant 0 : index
    %get3A_5 = arith.constant 0 : index
    %get3A_6 = vector.load %arg0[%get3A_4, %get3A_5] : memref<64x256xf32, #tpu.memory_space<vmem>>, vector<64x256xf32>
    %div3A = vector.broadcast %max3A_3 : vector<64x1xf32> to vector<64x256xf32>
    %div3A_7 = arith.divf %get3A_6, %div3A : vector<64x256xf32>
    %get3A_8 = arith.constant 0 : index
    %get3A_9 = arith.constant 0 : index
    %get3A_10 = vector.load %arg3[%get3A_8, %get3A_9] : memref<256x512xf32, #tpu.memory_space<vmem>>, vector<256x512xf32>
    %dot_general3A = arith.constant dense<0.000000e+00> : vector<64x512xf32>
    %dot_general3A_11 = tpu.matmul %div3A_7, %get3A_10, %dot_general3A {dimension_numbers = #tpu.dot_dimension_numbers<[1], [0], [0], [1], [0, 0, 1, 1], [], []>, precision = #tpu.contract_precision<fp32>, transpose_lhs_hint = false} : vector<64x256xf32>, vector<256x512xf32>, vector<64x512xf32> -> vector<64x512xf32>
    %get3A_12 = arith.constant 0 : index
    %get3A_13 = arith.constant 0 : index
    %get3A_14 = vector.load %arg4[%get3A_12, %get3A_13] : memref<1x512xf32, #tpu.memory_space<vmem>>, vector<1x512xf32>
    %add3A = vector.broadcast %get3A_14 : vector<1x512xf32> to vector<64x512xf32>
    %add3A_15 = arith.addf %dot_general3A_11, %add3A : vector<64x512xf32>
    %max3A_16 = arith.constant 0.000000e+00 : f32
    %max3A_17 = vector.broadcast %max3A_16 : f32 to vector<64x512xf32>
    %max3A_18 = arith.maximumf %add3A_15, %max3A_17 : vector<64x512xf32>
    %get3A_19 = arith.constant 0 : index
    %get3A_20 = arith.constant 0 : index
    %get3A_21 = vector.load %arg5[%get3A_19, %get3A_20] : memref<512x256xf32, #tpu.memory_space<vmem>>, vector<512x256xf32>
    %dot_general3A_22 = arith.constant dense<0.000000e+00> : vector<64x256xf32>
    %dot_general3A_23 = tpu.matmul %max3A_18, %get3A_21, %dot_general3A_22 {dimension_numbers = #tpu.dot_dimension_numbers<[1], [0], [0], [1], [0, 0, 1, 1], [], []>, precision = #tpu.contract_precision<fp32>, transpose_lhs_hint = false} : vector<64x512xf32>, vector<512x256xf32>, vector<64x256xf32> -> vector<64x256xf32>
    %get3A_24 = arith.constant 0 : index
    %get3A_25 = arith.constant 0 : index
    %get3A_26 = vector.load %arg6[%get3A_24, %get3A_25] : memref<1x256xf32, #tpu.memory_space<vmem>>, vector<1x256xf32>
    %add3A_27 = vector.broadcast %get3A_26 : vector<1x256xf32> to vector<64x256xf32>
    %add3A_28 = arith.addf %dot_general3A_23, %add3A_27 : vector<64x256xf32>
    %get3A_29 = arith.constant 0 : index
    %get3A_30 = arith.constant 0 : index
    %get3A_31 = vector.load %arg2[%get3A_29, %get3A_30] : memref<64x768xf32, #tpu.memory_space<vmem>>, vector<64x768xf32>
    %get3A_32 = arith.constant 0 : index
    %get3A_33 = arith.constant 0 : index
    %get3A_34 = vector.load %arg7[%get3A_32, %get3A_33] : memref<768x512xf32, #tpu.memory_space<vmem>>, vector<768x512xf32>
    %dot_general3A_35 = arith.constant dense<0.000000e+00> : vector<64x512xf32>
    %dot_general3A_36 = tpu.matmul %get3A_31, %get3A_34, %dot_general3A_35 {dimension_numbers = #tpu.dot_dimension_numbers<[1], [0], [0], [1], [0, 0, 1, 1], [], []>, precision = #tpu.contract_precision<fp32>, transpose_lhs_hint = false} : vector<64x768xf32>, vector<768x512xf32>, vector<64x512xf32> -> vector<64x512xf32>
    %get3A_37 = arith.constant 0 : index
    %get3A_38 = arith.constant 0 : index
    %get3A_39 = vector.load %arg8[%get3A_37, %get3A_38] : memref<1x512xf32, #tpu.memory_space<vmem>>, vector<1x512xf32>
    %add3A_40 = vector.broadcast %get3A_39 : vector<1x512xf32> to vector<64x512xf32>
    %add3A_41 = arith.addf %dot_general3A_36, %add3A_40 : vector<64x512xf32>
    %tanh3A = math.tanh %add3A_41 : vector<64x512xf32>
    %get3A_42 = arith.constant 0 : index
    %get3A_43 = arith.constant 0 : index
    %get3A_44 = vector.load %arg9[%get3A_42, %get3A_43] : memref<512x256xf32, #tpu.memory_space<vmem>>, vector<512x256xf32>
    %dot_general3A_45 = arith.constant dense<0.000000e+00> : vector<64x256xf32>
    %dot_general3A_46 = tpu.matmul %tanh3A, %get3A_44, %dot_general3A_45 {dimension_numbers = #tpu.dot_dimension_numbers<[1], [0], [0], [1], [0, 0, 1, 1], [], []>, precision = #tpu.contract_precision<fp32>, transpose_lhs_hint = false} : vector<64x512xf32>, vector<512x256xf32>, vector<64x256xf32> -> vector<64x256xf32>
    %get3A_47 = arith.constant 0 : index
    %get3A_48 = arith.constant 0 : index
    %get3A_49 = vector.load %arg10[%get3A_47, %get3A_48] : memref<1x256xf32, #tpu.memory_space<vmem>>, vector<1x256xf32>
    %add3A_50 = vector.broadcast %get3A_49 : vector<1x256xf32> to vector<64x256xf32>
    %add3A_51 = arith.addf %dot_general3A_46, %add3A_50 : vector<64x256xf32>
    %get3A_52 = arith.constant 0 : index
    %get3A_53 = arith.constant 0 : index
    %get3A_54 = vector.load %arg15[%get3A_52, %get3A_53] : memref<1x1xf32, #tpu.memory_space<vmem>>, vector<1x1xf32>
    %get3A_55 = vector.extract %get3A_54[0, 0] : f32 from vector<1x1xf32>
    %exp3A = math.exp %get3A_55 : f32
    %get3A_56 = arith.constant 0 : index
    %get3A_57 = arith.constant 0 : index
    %get3A_58 = vector.load %arg11[%get3A_56, %get3A_57] : memref<1x256xf32, #tpu.memory_space<vmem>>, vector<1x256xf32>
    %get3A_59 = arith.constant 0 : index
    %get3A_60 = arith.constant 0 : index
    %get3A_61 = vector.load %arg12[%get3A_59, %get3A_60] : memref<1x256xf32, #tpu.memory_space<vmem>>, vector<1x256xf32>
    %reduce_sum3A = arith.constant dense<0.000000e+00> : vector<64xf32>
    %reduce_sum3A_62 = vector.multi_reduction <add>, %add3A_28, %reduce_sum3A [1] : vector<64x256xf32> to vector<64xf32>
    %broadcast_in_dim3A = vector.shape_cast %reduce_sum3A_62 : vector<64xf32> to vector<64x1xf32>
    %div3A_63 = arith.constant 2.560000e+02 : f32
    %div3A_64 = vector.broadcast %div3A_63 : f32 to vector<64x1xf32>
    %div3A_65 = arith.divf %broadcast_in_dim3A, %div3A_64 : vector<64x1xf32>
    %sub3A = vector.broadcast %div3A_65 : vector<64x1xf32> to vector<64x256xf32>
    %sub3A_66 = arith.subf %add3A_28, %sub3A : vector<64x256xf32>
    %square3A = arith.mulf %sub3A_66, %sub3A_66 : vector<64x256xf32>
    %reduce_sum3A_67 = arith.constant dense<0.000000e+00> : vector<64xf32>
    %reduce_sum3A_68 = vector.multi_reduction <add>, %square3A, %reduce_sum3A_67 [1] : vector<64x256xf32> to vector<64xf32>
    %broadcast_in_dim3A_69 = vector.shape_cast %reduce_sum3A_68 : vector<64xf32> to vector<64x1xf32>
    %div3A_70 = arith.constant 2.560000e+02 : f32
    %div3A_71 = vector.broadcast %div3A_70 : f32 to vector<64x1xf32>
    %div3A_72 = arith.divf %broadcast_in_dim3A_69, %div3A_71 : vector<64x1xf32>
    %sub3A_73 = vector.broadcast %div3A_65 : vector<64x1xf32> to vector<64x256xf32>
    %sub3A_74 = arith.subf %add3A_28, %sub3A_73 : vector<64x256xf32>
    %add3A_75 = arith.constant 9.99999974E-6 : f32
    %add3A_76 = vector.broadcast %add3A_75 : f32 to vector<64x1xf32>
    %add3A_77 = arith.addf %div3A_72, %add3A_76 : vector<64x1xf32>
    %rsqrt3A = math.rsqrt %add3A_77 : vector<64x1xf32>
    %mul3A = vector.broadcast %rsqrt3A : vector<64x1xf32> to vector<64x256xf32>
    %mul3A_78 = arith.mulf %sub3A_74, %mul3A : vector<64x256xf32>
    %mul3A_79 = vector.broadcast %get3A_58 : vector<1x256xf32> to vector<64x256xf32>
    %mul3A_80 = arith.mulf %mul3A_78, %mul3A_79 : vector<64x256xf32>
    %add3A_81 = vector.broadcast %get3A_61 : vector<1x256xf32> to vector<64x256xf32>
    %add3A_82 = arith.addf %mul3A_80, %add3A_81 : vector<64x256xf32>
    %mul3A_83 = vector.broadcast %exp3A : f32 to vector<64x256xf32>
    %mul3A_84 = arith.mulf %add3A_82, %mul3A_83 : vector<64x256xf32>
    %swap3A = arith.constant 0 : index
    %swap3A_85 = arith.constant 0 : index
    %swap3A_86 = vector.load %arg17[%swap3A, %swap3A_85] : memref<64x256xf32, #tpu.memory_space<vmem>>, vector<64x256xf32>
    tpu.vector_store %arg17[%swap3A, %swap3A_85], %mul3A_84 {strides = array<i32>} : memref<64x256xf32, #tpu.memory_space<vmem>>, vector<64x256xf32>,
    %get3A_87 = arith.constant 0 : index
    %get3A_88 = arith.constant 0 : index
    %get3A_89 = vector.load %arg13[%get3A_87, %get3A_88] : memref<1x256xf32, #tpu.memory_space<vmem>>, vector<1x256xf32>
    %get3A_90 = arith.constant 0 : index
    %get3A_91 = arith.constant 0 : index
    %get3A_92 = vector.load %arg14[%get3A_90, %get3A_91] : memref<1x256xf32, #tpu.memory_space<vmem>>, vector<1x256xf32>
    %reduce_sum3A_93 = arith.constant dense<0.000000e+00> : vector<64xf32>
    %reduce_sum3A_94 = vector.multi_reduction <add>, %add3A_51, %reduce_sum3A_93 [1] : vector<64x256xf32> to vector<64xf32>
    %broadcast_in_dim3A_95 = vector.shape_cast %reduce_sum3A_94 : vector<64xf32> to vector<64x1xf32>
    %div3A_96 = arith.constant 2.560000e+02 : f32
    %div3A_97 = vector.broadcast %div3A_96 : f32 to vector<64x1xf32>
    %div3A_98 = arith.divf %broadcast_in_dim3A_95, %div3A_97 : vector<64x1xf32>
    %sub3A_99 = vector.broadcast %div3A_98 : vector<64x1xf32> to vector<64x256xf32>
    %sub3A_100 = arith.subf %add3A_51, %sub3A_99 : vector<64x256xf32>
    %square3A_101 = arith.mulf %sub3A_100, %sub3A_100 : vector<64x256xf32>
    %reduce_sum3A_102 = arith.constant dense<0.000000e+00> : vector<64xf32>
    %reduce_sum3A_103 = vector.multi_reduction <add>, %square3A_101, %reduce_sum3A_102 [1] : vector<64x256xf32> to vector<64xf32>
    %broadcast_in_dim3A_104 = vector.shape_cast %reduce_sum3A_103 : vector<64xf32> to vector<64x1xf32>
    %div3A_105 = arith.constant 2.560000e+02 : f32
    %div3A_106 = vector.broadcast %div3A_105 : f32 to vector<64x1xf32>
    %div3A_107 = arith.divf %broadcast_in_dim3A_104, %div3A_106 : vector<64x1xf32>
    %sub3A_108 = vector.broadcast %div3A_98 : vector<64x1xf32> to vector<64x256xf32>
    %sub3A_109 = arith.subf %add3A_51, %sub3A_108 : vector<64x256xf32>
    %add3A_110 = arith.constant 9.99999974E-6 : f32
    %add3A_111 = vector.broadcast %add3A_110 : f32 to vector<64x1xf32>
    %add3A_112 = arith.addf %div3A_107, %add3A_111 : vector<64x1xf32>
    %rsqrt3A_113 = math.rsqrt %add3A_112 : vector<64x1xf32>
    %mul3A_114 = vector.broadcast %rsqrt3A_113 : vector<64x1xf32> to vector<64x256xf32>
    %mul3A_115 = arith.mulf %sub3A_109, %mul3A_114 : vector<64x256xf32>
    %mul3A_116 = vector.broadcast %get3A_89 : vector<1x256xf32> to vector<64x256xf32>
    %mul3A_117 = arith.mulf %mul3A_115, %mul3A_116 : vector<64x256xf32>
    %add3A_118 = vector.broadcast %get3A_92 : vector<1x256xf32> to vector<64x256xf32>
    %add3A_119 = arith.addf %mul3A_117, %add3A_118 : vector<64x256xf32>
    %mul3A_120 = vector.broadcast %exp3A : f32 to vector<64x256xf32>
    %mul3A_121 = arith.mulf %add3A_119, %mul3A_120 : vector<64x256xf32>
    %swap3A_122 = arith.constant 0 : index
    %swap3A_123 = arith.constant 0 : index
    %swap3A_124 = vector.load %arg16[%swap3A_122, %swap3A_123] : memref<64x256xf32, #tpu.memory_space<vmem>>, vector<64x256xf32>
    tpu.vector_store %arg16[%swap3A_122, %swap3A_123], %mul3A_121 {strides = array<i32>} : memref<64x256xf32, #tpu.memory_space<vmem>>, vector<64x256xf32>,
    return
  }
}

</mosaic_0001>

<sc_bundles>
// kernel: kernel.11.cloned.1.call-start
scs
__scs_entry_jumppad:
0x0: {  	(pc) =	sbr.rel $0x88, $3  }
0x1: {  	(tag) =	ssettag $0x0;
	lr =	simm.s32 $0x1  }
0x2: {  	[smem:$0x3F8A] =	sst lr;
	_ =	strace $0xD0000000  }
0x3: {  	_ = 	snop  }
0x4: {  	_ = 	snop  }
0x5: {  	_ = 	snop  }
0x6: {  	_ = 	snop  }
0x7: {  	_ = 	snop  }
__scs_overlays_trampoline_lowered:
0x8: {  	[smem:$0x3F99] =	sst s0  }
0x9: {  	[smem:$0x3F9A] =	sst s1  }
0xa: {  	[smem:$0x3F9B] =	sst s2  }
0xb: {  	[smem:$0x3F9C] =	sst s3  }
0xc: {  	[smem:$0x3F9D] =	sst s4  }
0xd: {  	[smem:$0x3F9E] =	sst s5  }
0xe: {  	[smem:$0x3F9F] =	sst s6  }
0xf: {  	[smem:$0x3FA0] =	sst s7  }
0x10: {  	[smem:$0x3FA1] =	sst s8  }
0x11: {  	[smem:$0x3FA2] =	sst s9;
	s0 =	simm.s32 @!p0 $0x0  }
0x12: {  	s1 =	sld [smem:$0x3F88];
	s0 =	simm.s32 @p0 $0x1  }
0x13: {  	[smem:$0x3FA3] =	sst s0;
	s0 =	simm.s32 @!p1 $0x0  }
0x14: {  	s2 =	sld [smem:$0x3F87];
	s0 =	simm.s32 @p1 $0x1  }
0x15: {  	[smem:$0x3FA4] =	sst s0;
	s0 =	simm.s32 @!p2 $0x0  }
0x16: {  	s3 =	sld [smem:$0x3FDB];
	s0 =	simm.s32 @p2 $0x1  }
0x17: {  	s4 =	simm.s32 $0x1BF5;
	[smem:$0x3FA6] =	sst s0  }
0x18: {  	s0 =	sld [smem:$0x3F89];
	_ =	swait.ge [sflag:s4], $0x0  }
0x19: {  	s7 =	sld [smem:$0x3F8A]  }
0x1a: {  	s8 =	sadd.s32 $0xFFFFE003, lr  }
0x1b: {  	s9 =	sadd.s32 $0xFFFFFEF7, lr;
	s5 =	simm.s32 $0xFFFFFFFF;
	p2 =	slt.u32 s8, $0xFFFFF086  }
0x1c: {  	p1 =	slt.u32 s9, $0xF7A;
	s5 =	simm.s32 @!p2 $0x0  }
0x1d: {  	s5 =	simm.s32 @p1 $0x1;
	p0 =	seq.s32 s7, s2  }
0x1e: {  	s7 =	smul.u32 @!p0 $0xF7A, s2;
	p2 =	seq.s32 @!p0 s5, $0x0  }
0x1f: {  	s9 =	smul.u32 $0xF7A, s1;
	s8 =	simm.s32 @!p0 $0x1BF5;
	p2 =	por !p2, p0  }
0x20: {  	[sflag:s8] =	ssyncset.s32 @!p0 $0xFFFFF086;
	s6 =	sadd.s32 @!p0 s3, s7;
	s7 =	simm.s32 @!p0 $0x108  }
0x21: {  	s3 =	sadd.s32 s3, s9;
	s6 =	sadd.s32 @!p0 $0x88, s6;
	s7 =	simm.s32 @p2 $0x1082  }
0x22: {  	[simem:s7], [sflag:s8] =	dma.local @!p0 [hbm:s6], $0xF7A  }
0x23: {  	s9 =	sor.u32 $0xD0000000, s2;
	s6 =	simm.s32 $0x108;
	_ =	swait.ge @!p0 [sflag:s8], $0x0  }
0x24: {  	s3 =	sadd.s32 $0x88, s3;
	s6 =	simm.s32 @!p1 $0x1082;
	[sflag:s4] =	ssyncset.s32 $0xFFFFF086  }
0x25: {  	[simem:s6], [sflag:s4] =	dma.local [hbm:s3], $0xF7A  }
0x26: {  	[smem:$0x3F8A] =	sst s1;
	(tag) =	ssettag s2;
	_ =	strace s9  }
0x27: {  	s1 =	sld [smem:$0x3F9A]  }
0x28: {  	s2 =	sld [smem:$0x3F9B]  }
0x29: {  	s4 =	sld [smem:$0x3F9D]  }
0x2a: {  	p0 =	seq.s32 s5, $0x0;
	s5 =	sld [smem:$0x3F9E]  }
0x2b: {  	s6 =	sld [smem:$0x3F9F]  }
0x2c: {  	s7 =	sld [smem:$0x3FA0]  }
0x2d: {  	s3 =	simm.s32 $0x108;
	s8 =	sld [smem:$0x3FA1]  }
0x2e: {  	s3 =	simm.s32 @!p0 $0x1082;
	s9 =	sld [smem:$0x3FA2]  }
0x2f: {  	lr =	sadd.s32 s0, s3;
	s0 =	sld [smem:$0x3F99]  }
0x30: {  	s3 =	sld [smem:$0x3F9C]  }
0x31: {  	[smem:$0x3FA5] =	sst s10  }
0x32: {  	s10 =	sld [smem:$0x3FA3];
	_ =	sdelay $0x3  }
0x33: {  	p0 =	seq.s32 s10, $0x1;
	s10 =	sld [smem:$0x3FA5];
	_ =	sdelay $0x3  }
0x34: {  	[smem:$0x3FA5] =	sst s10  }
0x35: {  	s10 =	sld [smem:$0x3FA4];
	_ =	sdelay $0x3  }
0x36: {  	p1 =	seq.s32 s10, $0x1;
	s10 =	sld [smem:$0x3FA5];
	_ =	sdelay $0x3  }
0x37: {  	[smem:$0x3FA5] =	sst s10  }
0x38: {  	s10 =	sld [smem:$0x3FA6]  }
0x39: {  	_ = 	snop;
	(pc) =	sbr.ind lr, $3  }
0x3a: {  	_ = 	snop  }
0x3b: {  	_ = 	snop  }
0x3c: {  	p2 =	seq.s32 s10, $0x1;
	s10 =	sld [smem:$0x3FA5]  }
0x3d: {  	_ =	shalt  }
0x3e: {  	_ =	shalt  }
0x3f: {  	_ =	shalt  }
0x40: {  	_ =	shalt  }
0x41: {  	_ =	shalt  }
0x42: {  	_ =	shalt  }
0x43: {  	_ =	shalt  }
0x44: {  	_ =	shalt  }
0x45: {  	_ =	shalt  }
0x46: {  	_ =	shalt  }
0x47: {  	_ =	shalt  }
0x48: {  	_ =	shalt  }
0x49: {  	_ =	shalt  }
0x4a: {  	_ =	shalt  }
0x4b: {  	_ =	shalt  }
0x4c: {  	_ =	shalt  }
0x4d: {  	_ =	shalt  }
0x4e: {  	_ =	shalt  }
0x4f: {  	_ =	shalt  }
0x50: {  	_ =	shalt  }
0x51: {  	_ =	shalt  }
0x52: {  	_ =	shalt  }
0x53: {  	_ =	shalt  }
0x54: {  	_ =	shalt  }
0x55: {  	_ =	shalt  }
0x56: {  	_ =	shalt  }
0x57: {  	_ =	shalt  }
0x58: {  	_ =	shalt  }
0x59: {  	_ =	shalt  }
0x5a: {  	_ =	shalt  }
0x5b: {  	_ =	shalt  }
0x5c: {  	_ =	shalt  }
0x5d: {  	_ =	shalt  }
0x5e: {  	_ =	shalt  }
0x5f: {  	_ =	shalt  }
0x60: {  	_ =	shalt  }
0x61: {  	_ =	shalt  }
0x62: {  	_ =	shalt  }
0x63: {  	_ =	shalt  }
0x64: {  	_ =	shalt  }
0x65: {  	_ =	shalt  }
0x66: {  	_ =	shalt  }
0x67: {  	_ =	shalt  }
0x68: {  	_ =	shalt  }
0x69: {  	_ =	shalt  }
0x6a: {  	_ =	shalt  }
0x6b: {  	_ =	shalt  }
0x6c: {  	_ =	shalt  }
0x6d: {  	_ =	shalt  }
0x6e: {  	_ =	shalt  }
0x6f: {  	_ =	shalt  }
0x70: {  	_ =	shalt  }
0x71: {  	_ =	shalt  }
0x72: {  	_ =	shalt  }
0x73: {  	_ =	shalt  }
0x74: {  	_ =	shalt  }
0x75: {  	_ =	shalt  }
0x76: {  	_ =	shalt  }
0x77: {  	_ =	shalt  }
0x78: {  	_ =	shalt  }
0x79: {  	_ =	shalt  }
0x7a: {  	_ =	shalt  }
0x7b: {  	_ =	shalt  }
0x7c: {  	_ =	shalt  }
0x7d: {  	_ =	shalt  }
0x7e: {  	_ =	shalt  }
0x7f: {  	_ =	shalt  }
0x80: {  	_ =	shalt  }
0x81: {  	_ =	shalt  }
0x82: {  	_ =	shalt  }
0x83: {  	_ =	shalt  }
0x84: {  	_ =	shalt  }
0x85: {  	_ =	shalt  }
0x86: {  	_ =	shalt  }
0x87: {  	_ =	shalt  }
.Lfunc_end0:
.L_simem_size_0:
called_computation_lowered:
.L_overlay_start_0:
0x88: {  	s2 =	sld [smem:$0x3FD9]  }
0x89: {  	s3 =	sld [smem:$0x3FFE];
	_ =	sdelay $0x1  }
0x8a: {  	s1 =	srdreg.scid  }
0x8b: {  	s0 =	sand.u32 $0x1, s1  }
0x8c: {  	s14 =	sshll.u32 s0, $0xA;
	s2 =	sadd.s32 s3, s2  }
0x8d: {  	s2 =	sadd.s32 s2, s14  }
0x8e: {  	[smem:$0x3FB1] =	sst s2  }
0x8f: {  	_ = 	snop  }
0x90: {  	s2 =	sld [smem:$0x3FD0];
	_ =	sdelay $0x2  }
0x91: {  	s15 =	simm.s32 $0xA;
	s4 =	simm.s32 $0x10  }
0x92: {  	[smem:s4], [sflag:s15] =	dma.local [hbm:s2], $0x1  }
0x93: {  	_ =	swait.eq [sflag:s15], $0x1  }
0x94: {  	[sflag:s15] =	ssyncset.done $0x0  }
0x95: {  	s16 =	sld [smem:$0x10];
	[sflag:s15] =	ssyncadd.s32 $0xFFFFFFFF  }
0x96: {  	s17 =	sld [smem:$0x11];
	(tm) =	ssettm $0x1  }
0x97: {  	s18 =	sld [smem:$0x3FFB];
	_ =	sdelay $0x3  }
0x98: {  	_ =	strace s18  }
0x99: {  	s4 =	sld [smem:$0x3FFC];
	_ =	sdelay $0x3  }
0x9a: {  	_ =	strace s4  }
0x9b: {  	s4 =	sld [smem:$0x3FFD];
	_ =	sdelay $0x3  }
0x9c: {  	_ =	strace s4  }
0x9d: {  	_ =	strace $0x8FFFFFFF  }
0x9e: {  	s19 =	sld [smem:$0x3FDB];
	_ =	sdelay $0x1  }
0x9f: {  	s5 =	simm.s32 $_scs_section_size  }
0xa0: {  	s6 =	simm.s32 $_size__tile_overlayer_lowered;
	s7 =	simm.s32 $_tile_overlayer_lowered  }
0xa1: {  	s22 =	simm.s32 $0x1BFF;
	s21 =	sshll.u32 s7, $0x1;
	s4 =	sadd.s32 s5, s19  }
0xa2: {  	s8 =	simm.s32 $0x0;
	s20 =	sshll.u32 s6, $0x1;
	s6 =	sadd.s32 s21, s4  }
0xa3: {  	[timem:s8], [sflag:s22] =	dma.local [hbm:s6], s20  }
0xa4: {  	_ =	swait.ge [sflag:s22], s20  }
0xa5: {  	s5 =	ssub.s32 $0x0, s20;
	[sflag:s22] =	ssyncset.done $0x0  }
0xa6: {  	[sflag:s22] =	ssyncadd.s32 s5;
	_ =	sdelay $0x1  }
0xa7: {  	s23 =	simm.s32 $0x1B8B  }
0xa8: {  	_ =	swait.ge [sflag:s23], $0x1  }
0xa9: {  	[sflag:s23] =	ssyncset.done $0x0  }
0xaa: {  	s25 =	simm.s32 $0x1B8E;
	s24 =	sld [smem:$0x3FFE];
	[sflag:s23] =	ssyncadd.s32 $0xFFFFFFFF  }
0xab: {  	s26 =	simm.s32 $execute0_lowered;
	[smem:$0x3FD2] =	sst s25  }
0xac: {  	s6 =	sshll.u32 s26, $0x1;
	_ =	strace $0x80000046;
	[dreg:$0x1] =	wrdreg $0xFFFFFFFF  }
0xad: {  	s28 =	simm.s32 $_size_execute0_lowered;
	s4 =	sadd.s32 s4, s6;
	[dreg:$0x0] =	wrdreg $0x0  }
0xae: {  	s6 =	sshll.u32 s28, $0x1;
	[dreg:$0x2] =	wrdreg s4  }
0xaf: {  	[dreg:$0x3] =	wrdreg s6  }
0xb0: {  	[dreg:$0x4] =	wrdreg $0xC0  }
0xb1: {  	_ =	task [dreg:s8], $0x5FFFF  }
0xb2: {  	[dreg:$0x1] =	wrdreg $0xFFFFFFFF  }
0xb3: {  	[dreg:$0x0] =	wrdreg $0x60  }
0xb4: {  	[dreg:$0x2] =	wrdreg s24  }
0xb5: {  	[dreg:$0x3] =	wrdreg s17  }
0xb6: {  	[dreg:$0x4] =	wrdreg s16  }
0xb7: {  	[dreg:$0x5] =	wrdreg $0x40800  }
0xb8: {  	[dreg:$0x6] =	wrdreg $0x9  }
0xb9: {  	_ =	task.clear_ibuf [dreg:s8], $0x7FFFF;
	_ =	strace $0x90000046  }
0xba: {  	s29 =	simm.s32 $0x9;
	_ =	strace $0x80000048  }
0xbb: {  	_ =	swait.ge [sflag:s29], $0x1  }
0xbc: {  	[sflag:s29] =	ssyncadd.s32 $0xFFFFFFFF  }
0xbd: {  	_ =	strace $0x90000048  }
0xbe: {  	_ =	sfence  }
0xbf: {  	s30 =	sld [smem:$0x0];
	_ =	sdelay $0x2  }
0xc0: {  	s31 =	sshll.u32 s1, $0xD;
	s1 =	sshrl.u32 s1, $0x2  }
0xc1: {  	s3 =	sand.u32 $0x4000, s31;
	s1 =	sadd.s32 s1, s30  }
0xc2: {  	s0 =	sor.u32 s3, s0;
	s1 =	sshll.u32 s1, $0x11  }
0xc3: {  	s0 =	sor.u32 s1, s0  }
0xc4: {  	s0 =	sadd.s32 $0x8F2B, s0  }
0xc5: {  	[sflag:s0] =	ssyncadd.remote.s32 $0x1  }
0xc6: {  	_ =	sfence.sel $0xFFFF  }
0xc7: {  	[dreg:$0x0] =	wrdreg $0xFFFFFFFF;
	(pc) =	sbr.abs _section_cstart, $3  }
0xc8: {  	[dreg:$0x1] =	wrdreg $0xFFFFFFFF  }
0xc9: {  	_ =	task.clear_ibuf [dreg:s8], $0x2FFFF;
	_ =	strace $0x9FFFFFFF  }
0xca: {  	(tm) =	ssettm $0x7FFFFFFF  }
0xcb: {  	_ =	shalt  }
tec
execute0_lowered:
.L_overlay_start_1:
0x0: {  	(tag) =	ssettag $0x1  }
0x1: {  	s6 =	rddreg [dreg:$0x0]  }
0x2: {  	s1 =	rddreg [dreg:$0x1]  }
0x3: {  	s2 =	rddreg [dreg:$0x2]  }
0x4: {  	s3 =	rddreg [dreg:$0x3];
	s4 =	srdreg.scid  }
0x5: {  	s5 =	simm.s32 $0x0;
	s9 =	sand.u32 $0x1, s4;
	s4 =	stileid.u32  }
0x6: {  	[smem:$0x7FF] =	sst s5;
	s7 =	smul.u32 $0x28000, s9  }
0x7: {  	s0 =	rddreg [dreg:$0x4];
	s8 =	smul.u32 $0x2800, s4;
	_ =	strace $0x80000047  }
0x8: {  	s10 =	sshll.u32 s4, $0x4;
	s28 =	smul.u32 $0x50000, s4;
	s29 =	ssub.s32 $0x2, s9  }
0x9: {  	s12 =	sshll.u32 s9, $0x4;
	s9 =	sshll.u32 s9, $0x8;
	s31 =	sshll.u32 s4, $0x6  }
0xa: {  	s10 =	sadd.s32 s10, s6;
	s11 =	sshrl.u32 s29, $0x1;
	s18 =	sor.u32 s4, s12  }
0xb: {  	s12 =	sor.u32 $0x1C01, s31;
	s7 =	sadd.s32 s8, s7;
	s8 =	sshrl.u32 s28, $0x2  }
0xc: {  	s11 =	ssub.s32 s29, s11;
	s30 =	sadd.s32 $0x4800, s10;
	p0 =	sgt.u32 s18, $0x1  }
0xd: {  	s18 =	simm.s32 $0x0;
	s7 =	sadd.s32 s7, s6;
	s13 =	sadd.s32 s8, s3  }
0xe: {  	s6 =	sadd.s32 $0x9600, s10;
	s8 =	smax.u32 s11, $0x1;
	s9 =	sadd.s32 s9, s30  }
0xf: {  	s10 =	simm.s32 $0x80;
	s11 =	simm.s32 $0x1;
	s7 =	sadd.s32 $0x9800, s7  }
0x10: {  	s14 =	sadd.s32 $0x4000, s13;
	s15 =	sadd.s32 $0x8000, s13;
	s16 =	sadd.s32 $0xC000, s13  }
0x11: {  	s17 =	sadd.s32 $0x10000, s13;
	s13 =	sshrl.u32 s13, $0x3;
	s14 =	sshrl.u32 s14, $0x3  }
0x12: {  	s15 =	sshrl.u32 s15, $0x3;
	s16 =	sshrl.u32 s16, $0x3;
	s17 =	sshrl.u32 s17, $0x3  }
.LBB2_1:
0x13: {  	[tilespmem:s10], [sflag:$0x1] =	stream.linear.gather [hbm4b:s2+s5], $0x4000, $0x38;
	[tilespmem:$0x18080] =	vst v63  }
0x14: {  	_ =	swait.ge [sflag:s11], $0x4000  }
0x15: {  	[sflag:s11] =	ssyncset.done $0x0  }
0x16: {  	[sflag:s11] =	ssyncadd.s32 $0xFFFFC000  }
0x17: {  	[spmem:s13], [sflag:s12] =	dma.local [hbm:s1], $0x800  }
0x18: {  	_ =	swait.ge [sflag:s11], $0x800  }
0x19: {  	[sflag:s11] =	ssyncset.done $0x0  }
0x1a: {  	[sflag:s11] =	ssyncadd.s32 $0xFFFFF800  }
0x1b: {  	[spmem:s14], [sflag:s12] =	dma.local [hbm:s1], $0x800  }
0x1c: {  	_ =	swait.ge [sflag:s11], $0x800  }
0x1d: {  	[sflag:s11] =	ssyncset.done $0x0  }
0x1e: {  	[sflag:s11] =	ssyncadd.s32 $0xFFFFF800  }
0x1f: {  	[spmem:s15], [sflag:s12] =	dma.local [hbm:s1], $0x800  }
0x20: {  	_ =	swait.ge [sflag:s11], $0x800  }
0x21: {  	[sflag:s11] =	ssyncset.done $0x0  }
0x22: {  	[sflag:s11] =	ssyncadd.s32 $0xFFFFF800  }
0x23: {  	[spmem:s16], [sflag:s12] =	dma.local [hbm:s1], $0x800  }
0x24: {  	_ =	swait.ge [sflag:s11], $0x800  }
0x25: {  	[sflag:s11] =	ssyncset.done $0x0  }
0x26: {  	[sflag:s11] =	ssyncadd.s32 $0xFFFFF800  }
0x27: {  	[spmem:s17], [sflag:s12] =	dma.local [hbm:s1], $0x800  }
0x28: {  	_ =	swait.ge [sflag:s11], $0x800  }
0x29: {  	[sflag:s11] =	ssyncset.done $0x0  }
0x2a: {  	[sflag:s11] =	ssyncadd.s32 $0xFFFFF800  }
0x2b: {  	s19 =	sadd.s32 $0x0, s9;
	[bflag:$0x0] =	sbarrier.arrive $0xFFFF  }
0x2c: {  	[tilespmem:s5], [sflag:$0x1] =	stream.linear.gather [hbm4b:s19+s5], $0x80, $0x38;
	[tilespmem:$0x18080] =	vst v63  }
0x2d: {  	_ =	swait.ge [sflag:s11], $0x80  }
0x2e: {  	[sflag:s11] =	ssyncset.done $0x0  }
0x2f: {  	[sflag:s11] =	ssyncadd.s32 $0xFFFFFF80  }
0x30: {  	[spmem:s3] =	stream.indirect.scatter.add.f32 [tilespmem:s10], [sflag:$0x1], $0x80, s5, s10, $0xb8;
	[tilespmem:$0x18080] =	vst v63  }
0x31: {  	_ =	swait.ge [sflag:s11], $0x4000  }
0x32: {  	s20 =	simm.s32 $0x400;
	s19 =	simm.s32 $0x200;
	[sflag:s11] =	ssyncset.done $0x0  }
.LBB2_2:
0x33: {  	s21 =	sadd.s32 s19, s9  }
0x34: {  	[sflag:s11] =	ssyncadd.s32 $0xFFFFC000;
	s19 =	smov.u32 s20;
	s22 =	sadd.s32 $0x200, s20  }
0x35: {  	[tilespmem:s5], [sflag:$0x1] =	stream.linear.gather [hbm4b:s21+s5], $0x80, $0x38;
	[tilespmem:$0x18080] =	vst v63  }
0x36: {  	p1 =	sne.s32 s20, $0x4C00;
	_ =	swait.ge [sflag:s11], $0x80  }
.Ltmp0:
0x37: {  	[sflag:s11] =	ssyncset.done $0x0;
	(pc) =	sbr.rel @p1 .LBB2_2-.Ltmp0, $4  }
0x38: {  	[sflag:s11] =	ssyncadd.s32 $0xFFFFFF80  }
0x39: {  	[spmem:s3] =	stream.indirect.scatter.add.f32 [tilespmem:s10], [sflag:$0x1], $0x80, s5, s10, $0xb8;
	[tilespmem:$0x18080] =	vst v63  }
0x3a: {  	_ =	swait.ge [sflag:s11], $0x4000  }
0x3b: {  	s20 =	smov.u32 s22;
	[sflag:s11] =	ssyncset.done $0x0  }
0x3c: {  	s19 =	sadd.s32 s19, s9;
	[sflag:s11] =	ssyncadd.s32 $0xFFFFC000  }
0x3d: {  	[tilespmem:s5], [sflag:$0x1] =	stream.linear.gather [hbm4b:s19+s5], $0x80, $0x38;
	[tilespmem:$0x18080] =	vst v63  }
0x3e: {  	_ =	swait.ge [sflag:s11], $0x80  }
0x3f: {  	[sflag:s11] =	ssyncset.done $0x0  }
0x40: {  	[sflag:s11] =	ssyncadd.s32 $0xFFFFFF80  }
0x41: {  	[spmem:s3] =	stream.indirect.scatter.add.f32 [tilespmem:s10], [sflag:$0x1], $0x80, s5, s10, $0xb8;
	[tilespmem:$0x18080] =	vst v63  }
0x42: {  	_ =	swait.ge [sflag:s11], $0x4000  }
0x43: {  	[sflag:s11] =	ssyncset.done $0x0  }
0x44: {  	s20 =	simm.s32 @!p0 $0x1;
	s19 =	simm.s32 @!p0 $0x0;
	[sflag:s11] =	ssyncadd.s32 $0xFFFFC000  }
0x45: {  	[tilespmem:s19], [sflag:$0x1] =	stream.linear.gather @!p0 [hbm4b:s6+s19], $0x80, $0x38;
	[tilespmem:$0x18080] =	vst v63  }
0x46: {  	_ =	swait.ge @!p0 [sflag:s20], $0x80  }
0x47: {  	[sflag:s20] =	ssyncset.done @!p0 $0x0  }
0x48: {  	s21 =	simm.s32 @!p0 $0x80;
	[sflag:s20] =	ssyncadd.s32 @!p0 $0xFFFFFF80  }
0x49: {  	[spmem:s3] =	stream.indirect.scatter.add.f32 @!p0 [tilespmem:s21], [sflag:$0x1], $0x80, s19, s21, $0xb8;
	[tilespmem:$0x18080] =	vst v63  }
0x4a: {  	_ =	swait.ge @!p0 [sflag:s20], $0x4000  }
0x4b: {  	s18 =	sadd.s32 $0x1, s18;
	[sflag:s20] =	ssyncset.done @!p0 $0x0  }
0x4c: {  	p1 =	sne.s32 s18, s8;
	[sflag:s20] =	ssyncadd.s32 @!p0 $0xFFFFC000  }
.Ltmp1:
0x4d: {  	[bflag:$0x0] =	sbarrier.arrive $0xFFFF;
	(pc) =	sbr.rel @p1 .LBB2_1-.Ltmp1, $4  }
0x4e: {  	[hbm:s7], [sflag:s12] =	dma.local [spmem:s13], $0x2800  }
0x4f: {  	_ =	swait.ge [sflag:s11], $0x2800  }
0x50: {  	[sflag:s11] =	ssyncset.done $0x0  }
0x51: {  	[sflag:s11] =	ssyncadd.s32 $0xFFFFD800  }
0x52: {  	_ =	sfence.sel $0x180000  }
0x53: {  	[bflag:$0x0] =	sbarrier.arrive $0xFFFF  }
0x54: {  	p0 =	sne.s32 s4, $0x0;
	_ =	strace $0x90000047  }
0x55: {  	s0 =	sadd.s32 @!p0 $0x100000, s0;
	[bflag:$0x2] =	sbarrier.arrive $0xFFFF  }
0x56: {  	[sflag:s0] =	ssyncadd.tile.s32 @!p0 $0x1;
	_ =	shalt  }
.Lfunc_end2:
_tile_overlayer_lowered:
.L_overlay_start_2:
0x57: {  	(tag) =	ssettag $0x2  }
0x58: {  	s0 =	rddreg [dreg:$0x0];
	s2 =	stileid.u32  }
0x59: {  	s1 =	rddreg [dreg:$0x1];
	p0 =	sne.s32 s2, $0x0  }
0x5a: {  	s3 =	rddreg [dreg:$0x2];
	[bflag:$0x3] =	sbarrier.arrive $0xFFFF;
	s2 =	simm.s32 @!p0 $0x1C01  }
0x5b: {  	[timem:s3], [sflag:s2] =	dma.local @!p0 [hbm:s0], s1  }
0x5c: {  	s0 =	simm.s32 @!p0 $0x1  }
0x5d: {  	_ =	swait.ge @!p0 [sflag:s0], s1  }
0x5e: {  	s1 =	ssub.s32 @!p0 $0x0, s1;
	[sflag:s0] =	ssyncset.done @!p0 $0x0  }
0x5f: {  	[sflag:s0] =	ssyncadd.s32 @!p0 s1  }
0x60: {  	[bflag:$0x3] =	sbarrier.arrive $0xFFFF  }
0x61: {  	_ =	shalt  }

// kernel: kernel.14.cloned.1.call-start
scs
__scs_entry_jumppad:
0x0: {  	(pc) =	sbr.rel $0x88, $3  }
0x1: {  	(tag) =	ssettag $0x0;
	lr =	simm.s32 $0x1  }
0x2: {  	[smem:$0x3F8A] =	sst lr;
	_ =	strace $0xD0000000  }
0x3: {  	_ = 	snop  }
0x4: {  	_ = 	snop  }
0x5: {  	_ = 	snop  }
0x6: {  	_ = 	snop  }
0x7: {  	_ = 	snop  }
__scs_overlays_trampoline_lowered:
0x8: {  	[smem:$0x3F99] =	sst s0  }
0x9: {  	[smem:$0x3F9A] =	sst s1  }
0xa: {  	[smem:$0x3F9B] =	sst s2  }
0xb: {  	[smem:$0x3F9C] =	sst s3  }
0xc: {  	[smem:$0x3F9D] =	sst s4  }
0xd: {  	[smem:$0x3F9E] =	sst s5  }
0xe: {  	[smem:$0x3F9F] =	sst s6  }
0xf: {  	[smem:$0x3FA0] =	sst s7  }
0x10: {  	[smem:$0x3FA1] =	sst s8  }
0x11: {  	[smem:$0x3FA2] =	sst s9;
	s0 =	simm.s32 @!p0 $0x0  }
0x12: {  	s1 =	sld [smem:$0x3F88];
	s0 =	simm.s32 @p0 $0x1  }
0x13: {  	[smem:$0x3FA3] =	sst s0;
	s0 =	simm.s32 @!p1 $0x0  }
0x14: {  	s2 =	sld [smem:$0x3F87];
	s0 =	simm.s32 @p1 $0x1  }
0x15: {  	[smem:$0x3FA4] =	sst s0;
	s0 =	simm.s32 @!p2 $0x0  }
0x16: {  	s3 =	sld [smem:$0x3FDB];
	s0 =	simm.s32 @p2 $0x1  }
0x17: {  	s4 =	simm.s32 $0x1BF5;
	[smem:$0x3FA6] =	sst s0  }
0x18: {  	s0 =	sld [smem:$0x3F89];
	_ =	swait.ge [sflag:s4], $0x0  }
0x19: {  	s7 =	sld [smem:$0x3F8A]  }
0x1a: {  	s8 =	sadd.s32 $0xFFFFE003, lr  }
0x1b: {  	s9 =	sadd.s32 $0xFFFFFEF7, lr;
	s5 =	simm.s32 $0xFFFFFFFF;
	p2 =	slt.u32 s8, $0xFFFFF086  }
0x1c: {  	p1 =	slt.u32 s9, $0xF7A;
	s5 =	simm.s32 @!p2 $0x0  }
0x1d: {  	s5 =	simm.s32 @p1 $0x1;
	p0 =	seq.s32 s7, s2  }
0x1e: {  	s7 =	smul.u32 @!p0 $0xF7A, s2;
	p2 =	seq.s32 @!p0 s5, $0x0  }
0x1f: {  	s9 =	smul.u32 $0xF7A, s1;
	s8 =	simm.s32 @!p0 $0x1BF5;
	p2 =	por !p2, p0  }
0x20: {  	[sflag:s8] =	ssyncset.s32 @!p0 $0xFFFFF086;
	s6 =	sadd.s32 @!p0 s3, s7;
	s7 =	simm.s32 @!p0 $0x108  }
0x21: {  	s3 =	sadd.s32 s3, s9;
	s6 =	sadd.s32 @!p0 $0x88, s6;
	s7 =	simm.s32 @p2 $0x1082  }
0x22: {  	[simem:s7], [sflag:s8] =	dma.local @!p0 [hbm:s6], $0xF7A  }
0x23: {  	s9 =	sor.u32 $0xD0000000, s2;
	s6 =	simm.s32 $0x108;
	_ =	swait.ge @!p0 [sflag:s8], $0x0  }
0x24: {  	s3 =	sadd.s32 $0x88, s3;
	s6 =	simm.s32 @!p1 $0x1082;
	[sflag:s4] =	ssyncset.s32 $0xFFFFF086  }
0x25: {  	[simem:s6], [sflag:s4] =	dma.local [hbm:s3], $0xF7A  }
0x26: {  	[smem:$0x3F8A] =	sst s1;
	(tag) =	ssettag s2;
	_ =	strace s9  }
0x27: {  	s1 =	sld [smem:$0x3F9A]  }
0x28: {  	s2 =	sld [smem:$0x3F9B]  }
0x29: {  	s4 =	sld [smem:$0x3F9D]  }
0x2a: {  	p0 =	seq.s32 s5, $0x0;
	s5 =	sld [smem:$0x3F9E]  }
0x2b: {  	s6 =	sld [smem:$0x3F9F]  }
0x2c: {  	s7 =	sld [smem:$0x3FA0]  }
0x2d: {  	s3 =	simm.s32 $0x108;
	s8 =	sld [smem:$0x3FA1]  }
0x2e: {  	s3 =	simm.s32 @!p0 $0x1082;
	s9 =	sld [smem:$0x3FA2]  }
0x2f: {  	lr =	sadd.s32 s0, s3;
	s0 =	sld [smem:$0x3F99]  }
0x30: {  	s3 =	sld [smem:$0x3F9C]  }
0x31: {  	[smem:$0x3FA5] =	sst s10  }
0x32: {  	s10 =	sld [smem:$0x3FA3];
	_ =	sdelay $0x3  }
0x33: {  	p0 =	seq.s32 s10, $0x1;
	s10 =	sld [smem:$0x3FA5];
	_ =	sdelay $0x3  }
0x34: {  	[smem:$0x3FA5] =	sst s10  }
0x35: {  	s10 =	sld [smem:$0x3FA4];
	_ =	sdelay $0x3  }
0x36: {  	p1 =	seq.s32 s10, $0x1;
	s10 =	sld [smem:$0x3FA5];
	_ =	sdelay $0x3  }
0x37: {  	[smem:$0x3FA5] =	sst s10  }
0x38: {  	s10 =	sld [smem:$0x3FA6]  }
0x39: {  	_ = 	snop;
	(pc) =	sbr.ind lr, $3  }
0x3a: {  	_ = 	snop  }
0x3b: {  	_ = 	snop  }
0x3c: {  	p2 =	seq.s32 s10, $0x1;
	s10 =	sld [smem:$0x3FA5]  }
0x3d: {  	_ =	shalt  }
0x3e: {  	_ =	shalt  }
0x3f: {  	_ =	shalt  }
0x40: {  	_ =	shalt  }
0x41: {  	_ =	shalt  }
0x42: {  	_ =	shalt  }
0x43: {  	_ =	shalt  }
0x44: {  	_ =	shalt  }
0x45: {  	_ =	shalt  }
0x46: {  	_ =	shalt  }
0x47: {  	_ =	shalt  }
0x48: {  	_ =	shalt  }
0x49: {  	_ =	shalt  }
0x4a: {  	_ =	shalt  }
0x4b: {  	_ =	shalt  }
0x4c: {  	_ =	shalt  }
0x4d: {  	_ =	shalt  }
0x4e: {  	_ =	shalt  }
0x4f: {  	_ =	shalt  }
0x50: {  	_ =	shalt  }
0x51: {  	_ =	shalt  }
0x52: {  	_ =	shalt  }
0x53: {  	_ =	shalt  }
0x54: {  	_ =	shalt  }
0x55: {  	_ =	shalt  }
0x56: {  	_ =	shalt  }
0x57: {  	_ =	shalt  }
0x58: {  	_ =	shalt  }
0x59: {  	_ =	shalt  }
0x5a: {  	_ =	shalt  }
0x5b: {  	_ =	shalt  }
0x5c: {  	_ =	shalt  }
0x5d: {  	_ =	shalt  }
0x5e: {  	_ =	shalt  }
0x5f: {  	_ =	shalt  }
0x60: {  	_ =	shalt  }
0x61: {  	_ =	shalt  }
0x62: {  	_ =	shalt  }
0x63: {  	_ =	shalt  }
0x64: {  	_ =	shalt  }
0x65: {  	_ =	shalt  }
0x66: {  	_ =	shalt  }
0x67: {  	_ =	shalt  }
0x68: {  	_ =	shalt  }
0x69: {  	_ =	shalt  }
0x6a: {  	_ =	shalt  }
0x6b: {  	_ =	shalt  }
0x6c: {  	_ =	shalt  }
0x6d: {  	_ =	shalt  }
0x6e: {  	_ =	shalt  }
0x6f: {  	_ =	shalt  }
0x70: {  	_ =	shalt  }
0x71: {  	_ =	shalt  }
0x72: {  	_ =	shalt  }
0x73: {  	_ =	shalt  }
0x74: {  	_ =	shalt  }
0x75: {  	_ =	shalt  }
0x76: {  	_ =	shalt  }
0x77: {  	_ =	shalt  }
0x78: {  	_ =	shalt  }
0x79: {  	_ =	shalt  }
0x7a: {  	_ =	shalt  }
0x7b: {  	_ =	shalt  }
0x7c: {  	_ =	shalt  }
0x7d: {  	_ =	shalt  }
0x7e: {  	_ =	shalt  }
0x7f: {  	_ =	shalt  }
0x80: {  	_ =	shalt  }
0x81: {  	_ =	shalt  }
0x82: {  	_ =	shalt  }
0x83: {  	_ =	shalt  }
0x84: {  	_ =	shalt  }
0x85: {  	_ =	shalt  }
0x86: {  	_ =	shalt  }
0x87: {  	_ =	shalt  }
.Lfunc_end0:
.L_simem_size_0:
called_computation.1_lowered:
.L_overlay_start_0:
0x88: {  	s2 =	sld [smem:$0x3FD9]  }
0x89: {  	s3 =	sld [smem:$0x3FFE];
	_ =	sdelay $0x1  }
0x8a: {  	s1 =	srdreg.scid  }
0x8b: {  	s0 =	sand.u32 $0x1, s1  }
0x8c: {  	s14 =	sshll.u32 s0, $0xA;
	s2 =	sadd.s32 s3, s2  }
0x8d: {  	s2 =	sadd.s32 s2, s14  }
0x8e: {  	[smem:$0x3FB1] =	sst s2  }
0x8f: {  	_ = 	snop  }
0x90: {  	s2 =	sld [smem:$0x3FD0];
	_ =	sdelay $0x2  }
0x91: {  	s15 =	simm.s32 $0xA;
	s4 =	simm.s32 $0x10  }
0x92: {  	[smem:s4], [sflag:s15] =	dma.local [hbm:s2], $0x1  }
0x93: {  	_ =	swait.eq [sflag:s15], $0x1  }
0x94: {  	[sflag:s15] =	ssyncset.done $0x0  }
0x95: {  	[sflag:s15] =	ssyncadd.s32 $0xFFFFFFFF  }
0x96: {  	s16 =	sld [smem:$0x11];
	(tm) =	ssettm $0x1  }
0x97: {  	s17 =	sld [smem:$0x3FFB];
	_ =	sdelay $0x3  }
0x98: {  	_ =	strace s17  }
0x99: {  	s3 =	sld [smem:$0x3FFC];
	_ =	sdelay $0x3  }
0x9a: {  	_ =	strace s3  }
0x9b: {  	s3 =	sld [smem:$0x3FFD];
	_ =	sdelay $0x3  }
0x9c: {  	_ =	strace s3  }
0x9d: {  	_ =	strace $0x8FFFFFFF  }
0x9e: {  	s18 =	sld [smem:$0x3FDB];
	_ =	sdelay $0x1  }
0x9f: {  	s19 =	simm.s32 $_scs_section_size  }
0xa0: {  	s5 =	simm.s32 $_size__tile_overlayer_lowered;
	s6 =	simm.s32 $_tile_overlayer_lowered  }
0xa1: {  	s22 =	simm.s32 $0x1BFF;
	s21 =	sshll.u32 s6, $0x1;
	s3 =	sadd.s32 s19, s18  }
0xa2: {  	s7 =	simm.s32 $0x0;
	s20 =	sshll.u32 s5, $0x1;
	s5 =	sadd.s32 s21, s3  }
0xa3: {  	[timem:s7], [sflag:s22] =	dma.local [hbm:s5], s20  }
0xa4: {  	_ =	swait.ge [sflag:s22], s20  }
0xa5: {  	s4 =	ssub.s32 $0x0, s20;
	[sflag:s22] =	ssyncset.done $0x0  }
0xa6: {  	[sflag:s22] =	ssyncadd.s32 s4;
	_ =	sdelay $0x1  }
0xa7: {  	s23 =	simm.s32 $0x1B8B  }
0xa8: {  	_ =	swait.ge [sflag:s23], $0x1  }
0xa9: {  	[sflag:s23] =	ssyncset.done $0x0  }
0xaa: {  	s25 =	simm.s32 $0x1B8E;
	s24 =	sld [smem:$0x3FFE];
	[sflag:s23] =	ssyncadd.s32 $0xFFFFFFFF  }
0xab: {  	s26 =	simm.s32 $execute0_lowered;
	[smem:$0x3FD2] =	sst s25  }
0xac: {  	s5 =	sshll.u32 s26, $0x1;
	_ =	strace $0x80000049;
	[dreg:$0x1] =	wrdreg $0xFFFFFFFF  }
0xad: {  	s28 =	simm.s32 $_size_execute0_lowered;
	s3 =	sadd.s32 s3, s5;
	[dreg:$0x0] =	wrdreg $0x0  }
0xae: {  	s5 =	sshll.u32 s28, $0x1;
	[dreg:$0x2] =	wrdreg s3  }
0xaf: {  	[dreg:$0x3] =	wrdreg s5  }
0xb0: {  	[dreg:$0x4] =	wrdreg $0xC0  }
0xb1: {  	_ =	task [dreg:s7], $0x5FFFF  }
0xb2: {  	[dreg:$0x1] =	wrdreg $0xFFFFFFFF  }
0xb3: {  	[dreg:$0x0] =	wrdreg $0x60  }
0xb4: {  	[dreg:$0x2] =	wrdreg s24  }
0xb5: {  	[dreg:$0x3] =	wrdreg s16  }
0xb6: {  	[dreg:$0x4] =	wrdreg $0x82000  }
0xb7: {  	[dreg:$0x5] =	wrdreg $0x9  }
0xb8: {  	_ =	task.clear_ibuf [dreg:s7], $0x6FFFF;
	_ =	strace $0x90000049  }
0xb9: {  	s29 =	simm.s32 $0x9;
	_ =	strace $0x8000004B  }
0xba: {  	_ =	swait.ge [sflag:s29], $0x1  }
0xbb: {  	[sflag:s29] =	ssyncadd.s32 $0xFFFFFFFF  }
0xbc: {  	_ =	strace $0x9000004B  }
0xbd: {  	_ =	sfence  }
0xbe: {  	s30 =	sld [smem:$0x0];
	_ =	sdelay $0x2  }
0xbf: {  	s31 =	sshll.u32 s1, $0xD;
	s1 =	sshrl.u32 s1, $0x2  }
0xc0: {  	s3 =	sand.u32 $0x4000, s31;
	s1 =	sadd.s32 s1, s30  }
0xc1: {  	s0 =	sor.u32 s3, s0;
	s1 =	sshll.u32 s1, $0x11  }
0xc2: {  	s0 =	sor.u32 s1, s0  }
0xc3: {  	s0 =	sadd.s32 $0x8F2B, s0  }
0xc4: {  	[sflag:s0] =	ssyncadd.remote.s32 $0x1  }
0xc5: {  	_ =	sfence.sel $0xFFFF  }
0xc6: {  	[dreg:$0x0] =	wrdreg $0xFFFFFFFF;
	(pc) =	sbr.abs _section_cstart, $3  }
0xc7: {  	[dreg:$0x1] =	wrdreg $0xFFFFFFFF  }
0xc8: {  	_ =	task.clear_ibuf [dreg:s7], $0x2FFFF;
	_ =	strace $0x9FFFFFFF  }
0xc9: {  	(tm) =	ssettm $0x7FFFFFFF  }
tec
execute0_lowered:
.L_overlay_start_1:
0x0: {  	(tag) =	ssettag $0x1  }
0x1: {  	s6 =	rddreg [dreg:$0x0]  }
0x2: {  	s1 =	rddreg [dreg:$0x1]  }
0x3: {  	s2 =	rddreg [dreg:$0x2]  }
0x4: {  	s3 =	simm.s32 $0x0;
	s4 =	srdreg.scid;
	s0 =	stileid.u32  }
0x5: {  	s18 =	simm.s32 $0x2;
	s28 =	simm.s32 $0x4200;
	s29 =	simm.s32 $0x1  }
0x6: {  	s30 =	simm.s32 $0x0;
	[smem:$0x7FF] =	sst s3;
	s7 =	sand.u32 $0x1, s4  }
0x7: {  	s5 =	sadd.s32 $0x9800, s6;
	s11 =	sadd.s32 $0x59800, s6;
	s9 =	smul.u32 $0x2800, s0  }
0x8: {  	s12 =	sadd.s32 $0x4800, s6;
	s13 =	smul.u32 $0x50000, s0;
	s21 =	sshll.u32 s0, $0x6  }
0x9: {  	s22 =	sor.u32 $0x10, s0;
	s23 =	sshll.u32 s0, $0x4;
	s25 =	sor.u32 $0x4E0, s0  }
0xa: {  	p0 =	sgt.u32 s0, $0x1;
	s8 =	smul.u32 $0x28000, s7;
	s10 =	ssub.s32 $0x2, s7  }
0xb: {  	_ =	strace $0x8000004A;
	s14 =	smul.u32 $0x4E2, s7;
	s19 =	sshrl.u32 s10, $0x1  }
0xc: {  	s20 =	sshrl.u32 s13, $0x2;
	s13 =	sshll.u32 s25, $0x4;
	s8 =	sadd.s32 s9, s8  }
0xd: {  	s16 =	ssub.s32 s10, s19;
	s17 =	sadd.s32 s20, s2;
	s7 =	sadd.s32 s0, s14  }
0xe: {  	s24 =	sadd.s32 s22, s14;
	s10 =	sshll.u32 s22, $0x4;
	s14 =	sadd.s32 s25, s14  }
0xf: {  	s25 =	simm.s32 $0x200;
	s15 =	sadd.s32 s8, s6;
	s6 =	sor.u32 $0x1C02, s21  }
0x10: {  	s7 =	sshll.u32 s7, $0x4;
	s8 =	sadd.s32 s12, s23;
	s9 =	sshll.u32 s24, $0x4  }
0x11: {  	s31 =	sadd.s32 s12, s10;
	s14 =	sshll.u32 s14, $0x4;
	s12 =	sadd.s32 s12, s13  }
0x12: {  	s19 =	sadd.s32 $0x4000, s17;
	s20 =	sadd.s32 $0x8000, s17;
	s21 =	sadd.s32 $0xC000, s17  }
0x13: {  	s22 =	sadd.s32 $0x10000, s17;
	s17 =	sshrl.u32 s17, $0x3;
	s23 =	simm.s32 $0x100  }
0x14: {  	s24 =	simm.s32 $0x80;
	s7 =	sadd.s32 s11, s7;
	s26 =	sadd.s32 s11, s9  }
0x15: {  	[dreg:$0x5] =	wrdreg s31;
	s11 =	sadd.s32 s11, s14;
	s13 =	sadd.s32 $0x63600, s15  }
0x16: {  	s14 =	smax.u32 s16, $0x1;
	s19 =	sshrl.u32 s19, $0x3;
	s20 =	sshrl.u32 s20, $0x3  }
0x17: {  	s21 =	sshrl.u32 s21, $0x3;
	s22 =	sshrl.u32 s22, $0x3;
	[dreg:$0x4] =	wrdreg s26  }
0x18: {  	s15 =	sadd.s32 $0x300, s7;
	s16 =	sadd.s32 $0x200, s7;
	s26 =	simm.s32 $0x180  }
.LBB2_1:
0x19: {  	[spmem:s17], [sflag:s6] =	dma.local [hbm:s1], $0x800  }
0x1a: {  	_ =	swait.ge [sflag:s18], $0x800  }
0x1b: {  	[sflag:s18] =	ssyncset.done $0x0  }
0x1c: {  	[sflag:s18] =	ssyncadd.s32 $0xFFFFF800  }
0x1d: {  	[spmem:s19], [sflag:s6] =	dma.local [hbm:s1], $0x800  }
0x1e: {  	_ =	swait.ge [sflag:s18], $0x800  }
0x1f: {  	[sflag:s18] =	ssyncset.done $0x0  }
0x20: {  	[sflag:s18] =	ssyncadd.s32 $0xFFFFF800  }
0x21: {  	[spmem:s20], [sflag:s6] =	dma.local [hbm:s1], $0x800  }
0x22: {  	_ =	swait.ge [sflag:s18], $0x800  }
0x23: {  	[sflag:s18] =	ssyncset.done $0x0  }
0x24: {  	[sflag:s18] =	ssyncadd.s32 $0xFFFFF800  }
0x25: {  	[spmem:s21], [sflag:s6] =	dma.local [hbm:s1], $0x800  }
0x26: {  	_ =	swait.ge [sflag:s18], $0x800  }
0x27: {  	[sflag:s18] =	ssyncset.done $0x0  }
0x28: {  	[sflag:s18] =	ssyncadd.s32 $0xFFFFF800  }
0x29: {  	[spmem:s22], [sflag:s6] =	dma.local [hbm:s1], $0x800  }
0x2a: {  	_ =	swait.ge [sflag:s18], $0x800  }
0x2b: {  	[sflag:s18] =	ssyncset.done $0x0  }
0x2c: {  	[sflag:s18] =	ssyncadd.s32 $0xFFFFF800  }
0x2d: {  	[bflag:$0x0] =	sbarrier.arrive $0xFFFF  }
0x2e: {  	[tilespmem:s3], [sflag:$0x2] =	stream.linear.gather [hbm4b:s7+s3], $0x80, $0x38;
	[tilespmem:$0x1C200] =	vst v63  }
0x2f: {  	_ =	swait.ge [sflag:s18], $0x80  }
0x30: {  	[sflag:s18] =	ssyncset.done $0x0  }
0x31: {  	[sflag:s18] =	ssyncadd.s32 $0xFFFFFF80  }
0x32: {  	[tilespmem:s23], [sflag:$0x2] =	stream.linear.gather [hbm4b:s8+s3], $0x80, $0x38;
	[tilespmem:$0x1C200] =	vst v63  }
0x33: {  	_ =	swait.ge [sflag:s18], $0x80  }
0x34: {  	[sflag:s18] =	ssyncset.done $0x0  }
0x35: {  	[sflag:s18] =	ssyncadd.s32 $0xFFFFFF80  }
0x36: {  	[tilespmem:s25], [sflag:$0x1] =	stream.indirect.gather [hbm4b:s5+s24], $0x80, s3, s24, $0xb8;
	[tilespmem:$0x1C200] =	vst v63  }
0x37: {  	s0 =	rddreg [dreg:$0x4]  }
0x38: {  	[tilespmem:s24], [sflag:$0x2] =	stream.linear.gather [hbm4b:s0+s3], $0x80, $0x38;
	[tilespmem:$0x1C200] =	vst v63  }
0x39: {  	_ =	swait.ge [sflag:s18], $0x80  }
0x3a: {  	[sflag:s18] =	ssyncset.done $0x0  }
0x3b: {  	s10 =	rddreg [dreg:$0x5];
	[sflag:s18] =	ssyncadd.s32 $0xFFFFFF80  }
0x3c: {  	[tilespmem:s26], [sflag:$0x2] =	stream.linear.gather [hbm4b:s10+s3], $0x80, $0x38;
	[tilespmem:$0x1C200] =	vst v63  }
0x3d: {  	_ =	swait.ge [sflag:s18], $0x80  }
0x3e: {  	[sflag:s18] =	ssyncset.done $0x0  }
0x3f: {  	[sflag:s18] =	ssyncadd.s32 $0xFFFFFF80  }
0x40: {  	[tilespmem:s28], [sflag:$0x1] =	stream.indirect.gather [hbm4b:s5+s24], $0x80, s24, s24, $0xb8;
	[tilespmem:$0x1C200] =	vst v63  }
0x41: {  	_ =	swait.ge [sflag:s29], $0x4000  }
0x42: {  	[sflag:s29] =	ssyncset.done $0x0  }
0x43: {  	[sflag:s29] =	ssyncadd.s32 $0xFFFFC000  }
0x44: {  	[spmem:s2] =	stream.indirect.scatter.add.f32 [tilespmem:s25], [sflag:$0x2], $0x80, s23, s24, $0xb8;
	[tilespmem:$0x1C200] =	vst v63  }
0x45: {  	_ =	swait.ge [sflag:s18], $0x4000  }
0x46: {  	[sflag:s18] =	ssyncset.done $0x0  }
0x47: {  	s31 =	sadd.s32 $0x0, s16;
	[sflag:s18] =	ssyncadd.s32 $0xFFFFC000  }
0x48: {  	[tilespmem:s3], [sflag:$0x2] =	stream.linear.gather [hbm4b:s31+s3], $0x80, $0x38;
	[tilespmem:$0x1C200] =	vst v63  }
0x49: {  	_ =	swait.ge [sflag:s18], $0x80  }
0x4a: {  	s31 =	sadd.s32 $0x0, s8;
	[sflag:s18] =	ssyncset.done $0x0  }
0x4b: {  	s4 =	sadd.s32 $0x200, s31;
	[sflag:s18] =	ssyncadd.s32 $0xFFFFFF80  }
0x4c: {  	[tilespmem:s23], [sflag:$0x2] =	stream.linear.gather [hbm4b:s4+s3], $0x80, $0x38;
	[tilespmem:$0x1C200] =	vst v63  }
0x4d: {  	_ =	swait.ge [sflag:s18], $0x80  }
0x4e: {  	[sflag:s18] =	ssyncset.done $0x0  }
0x4f: {  	[sflag:s18] =	ssyncadd.s32 $0xFFFFFF80  }
0x50: {  	[tilespmem:s25], [sflag:$0x1] =	stream.indirect.gather [hbm4b:s5+s24], $0x80, s3, s24, $0xb8;
	[tilespmem:$0x1C200] =	vst v63  }
0x51: {  	_ =	swait.ge [sflag:s29], $0x4000  }
0x52: {  	[sflag:s29] =	ssyncset.done $0x0  }
0x53: {  	[sflag:s29] =	ssyncadd.s32 $0xFFFFC000  }
0x54: {  	[spmem:s2] =	stream.indirect.scatter.add.f32 [tilespmem:s28], [sflag:$0x2], $0x80, s26, s24, $0xb8;
	[tilespmem:$0x1C200] =	vst v63  }
0x55: {  	_ =	swait.ge [sflag:s18], $0x4000  }
0x56: {  	[sflag:s18] =	ssyncset.done $0x0  }
0x57: {  	s9 =	sadd.s32 $0x0, s15;
	[sflag:s18] =	ssyncadd.s32 $0xFFFFC000  }
0x58: {  	[tilespmem:s24], [sflag:$0x2] =	stream.linear.gather [hbm4b:s9+s3], $0x80, $0x38;
	[tilespmem:$0x1C200] =	vst v63  }
0x59: {  	_ =	swait.ge [sflag:s18], $0x80  }
0x5a: {  	[sflag:s18] =	ssyncset.done $0x0  }
0x5b: {  	s10 =	sadd.s32 $0x300, s31;
	[sflag:s18] =	ssyncadd.s32 $0xFFFFFF80  }
0x5c: {  	[tilespmem:s26], [sflag:$0x2] =	stream.linear.gather [hbm4b:s10+s3], $0x80, $0x38;
	[tilespmem:$0x1C200] =	vst v63  }
0x5d: {  	_ =	swait.ge [sflag:s18], $0x80  }
0x5e: {  	[sflag:s18] =	ssyncset.done $0x0  }
0x5f: {  	s31 =	simm.s32 $0x200;
	[sflag:s18] =	ssyncadd.s32 $0xFFFFFF80  }
.LBB2_2:
0x60: {  	[tilespmem:s28], [sflag:$0x1] =	stream.indirect.gather [hbm4b:s5+s24], $0x80, s24, s24, $0xb8;
	[tilespmem:$0x1C200] =	vst v63  }
0x61: {  	s0 =	smov.u32 s31  }
0x62: {  	p1 =	sne.s32 s31, $0x4A00;
	s31 =	sadd.s32 $0x200, s31;
	_ =	swait.ge [sflag:s29], $0x4000  }
0x63: {  	[sflag:s29] =	ssyncset.done $0x0  }
0x64: {  	[sflag:s29] =	ssyncadd.s32 $0xFFFFC000  }
0x65: {  	[spmem:s2] =	stream.indirect.scatter.add.f32 [tilespmem:s25], [sflag:$0x2], $0x80, s23, s24, $0xb8;
	[tilespmem:$0x1C200] =	vst v63  }
0x66: {  	_ =	swait.ge [sflag:s18], $0x4000  }
0x67: {  	[sflag:s18] =	ssyncset.done $0x0  }
0x68: {  	s4 =	sadd.s32 s0, s16;
	[sflag:s18] =	ssyncadd.s32 $0xFFFFC000  }
0x69: {  	[tilespmem:s3], [sflag:$0x2] =	stream.linear.gather [hbm4b:s4+s3], $0x80, $0x38;
	[tilespmem:$0x1C200] =	vst v63  }
0x6a: {  	_ =	swait.ge [sflag:s18], $0x80  }
0x6b: {  	s4 =	sadd.s32 s0, s8;
	[sflag:s18] =	ssyncset.done $0x0  }
0x6c: {  	s9 =	sadd.s32 $0x200, s4;
	[sflag:s18] =	ssyncadd.s32 $0xFFFFFF80  }
0x6d: {  	[tilespmem:s23], [sflag:$0x2] =	stream.linear.gather [hbm4b:s9+s3], $0x80, $0x38;
	[tilespmem:$0x1C200] =	vst v63  }
0x6e: {  	_ =	swait.ge [sflag:s18], $0x80  }
0x6f: {  	[sflag:s18] =	ssyncset.done $0x0  }
0x70: {  	[sflag:s18] =	ssyncadd.s32 $0xFFFFFF80  }
0x71: {  	[tilespmem:s25], [sflag:$0x1] =	stream.indirect.gather [hbm4b:s5+s24], $0x80, s3, s24, $0xb8;
	[tilespmem:$0x1C200] =	vst v63  }
0x72: {  	_ =	swait.ge [sflag:s29], $0x4000  }
0x73: {  	[sflag:s29] =	ssyncset.done $0x0  }
0x74: {  	[sflag:s29] =	ssyncadd.s32 $0xFFFFC000  }
0x75: {  	[spmem:s2] =	stream.indirect.scatter.add.f32 [tilespmem:s28], [sflag:$0x2], $0x80, s26, s24, $0xb8;
	[tilespmem:$0x1C200] =	vst v63  }
0x76: {  	_ =	swait.ge [sflag:s18], $0x4000  }
0x77: {  	[sflag:s18] =	ssyncset.done $0x0  }
0x78: {  	s0 =	sadd.s32 s0, s15;
	[sflag:s18] =	ssyncadd.s32 $0xFFFFC000  }
0x79: {  	[tilespmem:s24], [sflag:$0x2] =	stream.linear.gather [hbm4b:s0+s3], $0x80, $0x38;
	[tilespmem:$0x1C200] =	vst v63  }
0x7a: {  	_ =	swait.ge [sflag:s18], $0x80  }
0x7b: {  	[sflag:s18] =	ssyncset.done $0x0  }
.Ltmp0:
0x7c: {  	s0 =	sadd.s32 $0x300, s4;
	[sflag:s18] =	ssyncadd.s32 $0xFFFFFF80;
	(pc) =	sbr.rel @p1 .LBB2_2-.Ltmp0, $4  }
0x7d: {  	[tilespmem:s26], [sflag:$0x2] =	stream.linear.gather [hbm4b:s0+s3], $0x80, $0x38;
	[tilespmem:$0x1C200] =	vst v63  }
0x7e: {  	_ =	swait.ge [sflag:s18], $0x80  }
0x7f: {  	[sflag:s18] =	ssyncset.done $0x0  }
0x80: {  	[sflag:s18] =	ssyncadd.s32 $0xFFFFFF80  }
0x81: {  	[tilespmem:s28], [sflag:$0x1] =	stream.indirect.gather [hbm4b:s5+s24], $0x80, s24, s24, $0xb8;
	[tilespmem:$0x1C200] =	vst v63  }
0x82: {  	_ =	swait.ge [sflag:s29], $0x4000  }
0x83: {  	[sflag:s29] =	ssyncset.done $0x0  }
0x84: {  	[sflag:s29] =	ssyncadd.s32 $0xFFFFC000  }
0x85: {  	[spmem:s2] =	stream.indirect.scatter.add.f32 [tilespmem:s25], [sflag:$0x2], $0x80, s23, s24, $0xb8;
	[tilespmem:$0x1C200] =	vst v63  }
0x86: {  	_ =	swait.ge [sflag:s18], $0x4000  }
0x87: {  	[sflag:s18] =	ssyncset.done $0x0  }
0x88: {  	[sflag:s18] =	ssyncadd.s32 $0xFFFFC000  }
0x89: {  	_ =	swait.ge [sflag:s29], $0x4000  }
0x8a: {  	[sflag:s29] =	ssyncset.done $0x0  }
0x8b: {  	[sflag:s29] =	ssyncadd.s32 $0xFFFFC000  }
0x8c: {  	[spmem:s2] =	stream.indirect.scatter.add.f32 [tilespmem:s28], [sflag:$0x2], $0x80, s26, s24, $0xb8;
	[tilespmem:$0x1C200] =	vst v63  }
0x8d: {  	_ =	swait.ge [sflag:s18], $0x4000  }
0x8e: {  	[sflag:s18] =	ssyncset.done $0x0  }
0x8f: {  	s0 =	simm.s32 @!p0 $0x0;
	s4 =	simm.s32 @!p0 $0x2;
	[sflag:s18] =	ssyncadd.s32 $0xFFFFC000  }
0x90: {  	[tilespmem:s0], [sflag:$0x2] =	stream.linear.gather @!p0 [hbm4b:s11+s0], $0x80, $0x38;
	[tilespmem:$0x1C200] =	vst v63  }
0x91: {  	_ =	swait.ge @!p0 [sflag:s4], $0x80  }
0x92: {  	[sflag:s4] =	ssyncset.done @!p0 $0x0  }
0x93: {  	s9 =	simm.s32 @!p0 $0x100;
	[sflag:s4] =	ssyncadd.s32 @!p0 $0xFFFFFF80  }
0x94: {  	[tilespmem:s9], [sflag:$0x2] =	stream.linear.gather @!p0 [hbm4b:s12+s0], $0x80, $0x38;
	[tilespmem:$0x1C200] =	vst v63  }
0x95: {  	_ =	swait.ge @!p0 [sflag:s4], $0x80  }
0x96: {  	[sflag:s4] =	ssyncset.done @!p0 $0x0  }
0x97: {  	s31 =	simm.s32 @!p0 $0x80;
	s10 =	simm.s32 @!p0 $0x200;
	[sflag:s4] =	ssyncadd.s32 @!p0 $0xFFFFFF80  }
0x98: {  	[tilespmem:s10], [sflag:$0x2] =	stream.indirect.gather @!p0 [hbm4b:s5+s31], $0x80, s0, s31, $0xb8;
	[tilespmem:$0x1C200] =	vst v63  }
0x99: {  	_ =	swait.ge @!p0 [sflag:s4], $0x4000  }
0x9a: {  	[sflag:s4] =	ssyncset.done @!p0 $0x0  }
0x9b: {  	[sflag:s4] =	ssyncadd.s32 @!p0 $0xFFFFC000  }
0x9c: {  	[spmem:s2] =	stream.indirect.scatter.add.f32 @!p0 [tilespmem:s10], [sflag:$0x2], $0x80, s9, s31, $0xb8;
	[tilespmem:$0x1C200] =	vst v63  }
0x9d: {  	_ =	swait.ge @!p0 [sflag:s4], $0x4000  }
0x9e: {  	s30 =	sadd.s32 $0x1, s30;
	[sflag:s4] =	ssyncset.done @!p0 $0x0  }
0x9f: {  	p1 =	sne.s32 s30, s14;
	[sflag:s4] =	ssyncadd.s32 @!p0 $0xFFFFC000  }
.Ltmp1:
0xa0: {  	[bflag:$0x0] =	sbarrier.arrive $0xFFFF;
	(pc) =	sbr.rel @p1 .LBB2_1-.Ltmp1, $4  }
0xa1: {  	[hbm:s13], [sflag:s6] =	dma.local [spmem:s17], $0x2800  }
0xa2: {  	_ =	swait.ge [sflag:s18], $0x2800  }
0xa3: {  	[sflag:s18] =	ssyncset.done $0x0  }
0xa4: {  	[sflag:s18] =	ssyncadd.s32 $0xFFFFD800  }
0xa5: {  	_ =	sfence.sel $0x180000  }
0xa6: {  	[bflag:$0x0] =	sbarrier.arrive $0xFFFF  }
0xa7: {  	_ =	strace $0x9000004A  }
0xa8: {  	s0 =	stileid.u32;
	[bflag:$0x2] =	sbarrier.arrive $0xFFFF  }
0xa9: {  	p0 =	sne.s32 s0, $0x0;
	s0 =	rddreg [dreg:$0x3]  }
0xaa: {  	s0 =	sadd.s32 @!p0 $0x100000, s0  }
0xab: {  	[sflag:s0] =	ssyncadd.tile.s32 @!p0 $0x1;
	_ =	shalt  }
.Lfunc_end2:
_tile_overlayer_lowered:
.L_overlay_start_2:
0xac: {  	(tag) =	ssettag $0x2  }
0xad: {  	s0 =	rddreg [dreg:$0x0];
	s2 =	stileid.u32  }
0xae: {  	s1 =	rddreg [dreg:$0x1];
	p0 =	sne.s32 s2, $0x0  }
0xaf: {  	s3 =	rddreg [dreg:$0x2];
	[bflag:$0x3] =	sbarrier.arrive $0xFFFF;
	s2 =	simm.s32 @!p0 $0x1C02  }
0xb0: {  	[timem:s3], [sflag:s2] =	dma.local @!p0 [hbm:s0], s1  }
0xb1: {  	s0 =	simm.s32 @!p0 $0x2  }
0xb2: {  	_ =	swait.ge @!p0 [sflag:s0], s1  }
0xb3: {  	s1 =	ssub.s32 @!p0 $0x0, s1;
	[sflag:s0] =	ssyncset.done @!p0 $0x0  }
0xb4: {  	[sflag:s0] =	ssyncadd.s32 @!p0 s1  }
0xb5: {  	[bflag:$0x3] =	sbarrier.arrive $0xFFFF  }
0xb6: {  	_ =	shalt  }

// kernel: kernel.17.cloned.1.call-start
scs
__scs_entry_jumppad:
0x0: {  	(pc) =	sbr.rel $0x88, $3  }
0x1: {  	(tag) =	ssettag $0x0;
	lr =	simm.s32 $0x1  }
0x2: {  	[smem:$0x3F8A] =	sst lr;
	_ =	strace $0xD0000000  }
0x3: {  	_ = 	snop  }
0x4: {  	_ = 	snop  }
0x5: {  	_ = 	snop  }
0x6: {  	_ = 	snop  }
0x7: {  	_ = 	snop  }
__scs_overlays_trampoline_lowered:
0x8: {  	[smem:$0x3F99] =	sst s0  }
0x9: {  	[smem:$0x3F9A] =	sst s1  }
0xa: {  	[smem:$0x3F9B] =	sst s2  }
0xb: {  	[smem:$0x3F9C] =	sst s3  }
0xc: {  	[smem:$0x3F9D] =	sst s4  }
0xd: {  	[smem:$0x3F9E] =	sst s5  }
0xe: {  	[smem:$0x3F9F] =	sst s6  }
0xf: {  	[smem:$0x3FA0] =	sst s7  }
0x10: {  	[smem:$0x3FA1] =	sst s8  }
0x11: {  	[smem:$0x3FA2] =	sst s9;
	s0 =	simm.s32 @!p0 $0x0  }
0x12: {  	s1 =	sld [smem:$0x3F88];
	s0 =	simm.s32 @p0 $0x1  }
0x13: {  	[smem:$0x3FA3] =	sst s0;
	s0 =	simm.s32 @!p1 $0x0  }
0x14: {  	s2 =	sld [smem:$0x3F87];
	s0 =	simm.s32 @p1 $0x1  }
0x15: {  	[smem:$0x3FA4] =	sst s0;
	s0 =	simm.s32 @!p2 $0x0  }
0x16: {  	s3 =	sld [smem:$0x3FDB];
	s0 =	simm.s32 @p2 $0x1  }
0x17: {  	s4 =	simm.s32 $0x1BF5;
	[smem:$0x3FA6] =	sst s0  }
0x18: {  	s0 =	sld [smem:$0x3F89];
	_ =	swait.ge [sflag:s4], $0x0  }
0x19: {  	s7 =	sld [smem:$0x3F8A]  }
0x1a: {  	s8 =	sadd.s32 $0xFFFFE003, lr  }
0x1b: {  	s9 =	sadd.s32 $0xFFFFFEF7, lr;
	s5 =	simm.s32 $0xFFFFFFFF;
	p2 =	slt.u32 s8, $0xFFFFF086  }
0x1c: {  	p1 =	slt.u32 s9, $0xF7A;
	s5 =	simm.s32 @!p2 $0x0  }
0x1d: {  	s5 =	simm.s32 @p1 $0x1;
	p0 =	seq.s32 s7, s2  }
0x1e: {  	s7 =	smul.u32 @!p0 $0xF7A, s2;
	p2 =	seq.s32 @!p0 s5, $0x0  }
0x1f: {  	s9 =	smul.u32 $0xF7A, s1;
	s8 =	simm.s32 @!p0 $0x1BF5;
	p2 =	por !p2, p0  }
0x20: {  	[sflag:s8] =	ssyncset.s32 @!p0 $0xFFFFF086;
	s6 =	sadd.s32 @!p0 s3, s7;
	s7 =	simm.s32 @!p0 $0x108  }
0x21: {  	s3 =	sadd.s32 s3, s9;
	s6 =	sadd.s32 @!p0 $0x88, s6;
	s7 =	simm.s32 @p2 $0x1082  }
0x22: {  	[simem:s7], [sflag:s8] =	dma.local @!p0 [hbm:s6], $0xF7A  }
0x23: {  	s9 =	sor.u32 $0xD0000000, s2;
	s6 =	simm.s32 $0x108;
	_ =	swait.ge @!p0 [sflag:s8], $0x0  }
0x24: {  	s3 =	sadd.s32 $0x88, s3;
	s6 =	simm.s32 @!p1 $0x1082;
	[sflag:s4] =	ssyncset.s32 $0xFFFFF086  }
0x25: {  	[simem:s6], [sflag:s4] =	dma.local [hbm:s3], $0xF7A  }
0x26: {  	[smem:$0x3F8A] =	sst s1;
	(tag) =	ssettag s2;
	_ =	strace s9  }
0x27: {  	s1 =	sld [smem:$0x3F9A]  }
0x28: {  	s2 =	sld [smem:$0x3F9B]  }
0x29: {  	s4 =	sld [smem:$0x3F9D]  }
0x2a: {  	p0 =	seq.s32 s5, $0x0;
	s5 =	sld [smem:$0x3F9E]  }
0x2b: {  	s6 =	sld [smem:$0x3F9F]  }
0x2c: {  	s7 =	sld [smem:$0x3FA0]  }
0x2d: {  	s3 =	simm.s32 $0x108;
	s8 =	sld [smem:$0x3FA1]  }
0x2e: {  	s3 =	simm.s32 @!p0 $0x1082;
	s9 =	sld [smem:$0x3FA2]  }
0x2f: {  	lr =	sadd.s32 s0, s3;
	s0 =	sld [smem:$0x3F99]  }
0x30: {  	s3 =	sld [smem:$0x3F9C]  }
0x31: {  	[smem:$0x3FA5] =	sst s10  }
0x32: {  	s10 =	sld [smem:$0x3FA3];
	_ =	sdelay $0x3  }
0x33: {  	p0 =	seq.s32 s10, $0x1;
	s10 =	sld [smem:$0x3FA5];
	_ =	sdelay $0x3  }
0x34: {  	[smem:$0x3FA5] =	sst s10  }
0x35: {  	s10 =	sld [smem:$0x3FA4];
	_ =	sdelay $0x3  }
0x36: {  	p1 =	seq.s32 s10, $0x1;
	s10 =	sld [smem:$0x3FA5];
	_ =	sdelay $0x3  }
0x37: {  	[smem:$0x3FA5] =	sst s10  }
0x38: {  	s10 =	sld [smem:$0x3FA6]  }
0x39: {  	_ = 	snop;
	(pc) =	sbr.ind lr, $3  }
0x3a: {  	_ = 	snop  }
0x3b: {  	_ = 	snop  }
0x3c: {  	p2 =	seq.s32 s10, $0x1;
	s10 =	sld [smem:$0x3FA5]  }
0x3d: {  	_ =	shalt  }
0x3e: {  	_ =	shalt  }
0x3f: {  	_ =	shalt  }
0x40: {  	_ =	shalt  }
0x41: {  	_ =	shalt  }
0x42: {  	_ =	shalt  }
0x43: {  	_ =	shalt  }
0x44: {  	_ =	shalt  }
0x45: {  	_ =	shalt  }
0x46: {  	_ =	shalt  }
0x47: {  	_ =	shalt  }
0x48: {  	_ =	shalt  }
0x49: {  	_ =	shalt  }
0x4a: {  	_ =	shalt  }
0x4b: {  	_ =	shalt  }
0x4c: {  	_ =	shalt  }
0x4d: {  	_ =	shalt  }
0x4e: {  	_ =	shalt  }
0x4f: {  	_ =	shalt  }
0x50: {  	_ =	shalt  }
0x51: {  	_ =	shalt  }
0x52: {  	_ =	shalt  }
0x53: {  	_ =	shalt  }
0x54: {  	_ =	shalt  }
0x55: {  	_ =	shalt  }
0x56: {  	_ =	shalt  }
0x57: {  	_ =	shalt  }
0x58: {  	_ =	shalt  }
0x59: {  	_ =	shalt  }
0x5a: {  	_ =	shalt  }
0x5b: {  	_ =	shalt  }
0x5c: {  	_ =	shalt  }
0x5d: {  	_ =	shalt  }
0x5e: {  	_ =	shalt  }
0x5f: {  	_ =	shalt  }
0x60: {  	_ =	shalt  }
0x61: {  	_ =	shalt  }
0x62: {  	_ =	shalt  }
0x63: {  	_ =	shalt  }
0x64: {  	_ =	shalt  }
0x65: {  	_ =	shalt  }
0x66: {  	_ =	shalt  }
0x67: {  	_ =	shalt  }
0x68: {  	_ =	shalt  }
0x69: {  	_ =	shalt  }
0x6a: {  	_ =	shalt  }
0x6b: {  	_ =	shalt  }
0x6c: {  	_ =	shalt  }
0x6d: {  	_ =	shalt  }
0x6e: {  	_ =	shalt  }
0x6f: {  	_ =	shalt  }
0x70: {  	_ =	shalt  }
0x71: {  	_ =	shalt  }
0x72: {  	_ =	shalt  }
0x73: {  	_ =	shalt  }
0x74: {  	_ =	shalt  }
0x75: {  	_ =	shalt  }
0x76: {  	_ =	shalt  }
0x77: {  	_ =	shalt  }
0x78: {  	_ =	shalt  }
0x79: {  	_ =	shalt  }
0x7a: {  	_ =	shalt  }
0x7b: {  	_ =	shalt  }
0x7c: {  	_ =	shalt  }
0x7d: {  	_ =	shalt  }
0x7e: {  	_ =	shalt  }
0x7f: {  	_ =	shalt  }
0x80: {  	_ =	shalt  }
0x81: {  	_ =	shalt  }
0x82: {  	_ =	shalt  }
0x83: {  	_ =	shalt  }
0x84: {  	_ =	shalt  }
0x85: {  	_ =	shalt  }
0x86: {  	_ =	shalt  }
0x87: {  	_ =	shalt  }
.Lfunc_end0:
.L_simem_size_0:
called_computation.2_lowered:
.L_overlay_start_0:
0x88: {  	s2 =	sld [smem:$0x3FD9]  }
0x89: {  	s3 =	sld [smem:$0x3FFE];
	_ =	sdelay $0x1  }
0x8a: {  	s1 =	srdreg.scid  }
0x8b: {  	s0 =	sand.u32 $0x1, s1  }
0x8c: {  	s14 =	sshll.u32 s0, $0xA;
	s2 =	sadd.s32 s3, s2  }
0x8d: {  	s2 =	sadd.s32 s2, s14  }
0x8e: {  	[smem:$0x3FB1] =	sst s2  }
0x8f: {  	_ = 	snop  }
0x90: {  	s2 =	sld [smem:$0x3FD0];
	_ =	sdelay $0x2  }
0x91: {  	s15 =	simm.s32 $0xA;
	s4 =	simm.s32 $0x10  }
0x92: {  	[smem:s4], [sflag:s15] =	dma.local [hbm:s2], $0x1  }
0x93: {  	_ =	swait.eq [sflag:s15], $0x1  }
0x94: {  	[sflag:s15] =	ssyncset.done $0x0  }
0x95: {  	[sflag:s15] =	ssyncadd.s32 $0xFFFFFFFF  }
0x96: {  	s16 =	sld [smem:$0x11];
	(tm) =	ssettm $0x1  }
0x97: {  	s17 =	sld [smem:$0x3FFB];
	_ =	sdelay $0x3  }
0x98: {  	_ =	strace s17  }
0x99: {  	s3 =	sld [smem:$0x3FFC];
	_ =	sdelay $0x3  }
0x9a: {  	_ =	strace s3  }
0x9b: {  	s3 =	sld [smem:$0x3FFD];
	_ =	sdelay $0x3  }
0x9c: {  	_ =	strace s3  }
0x9d: {  	_ =	strace $0x8FFFFFFF  }
0x9e: {  	s18 =	sld [smem:$0x3FDB];
	_ =	sdelay $0x1  }
0x9f: {  	s19 =	simm.s32 $_scs_section_size  }
0xa0: {  	s5 =	simm.s32 $_size__tile_overlayer_lowered;
	s6 =	simm.s32 $_tile_overlayer_lowered  }
0xa1: {  	s22 =	simm.s32 $0x1BFF;
	s21 =	sshll.u32 s6, $0x1;
	s3 =	sadd.s32 s19, s18  }
0xa2: {  	s7 =	simm.s32 $0x0;
	s20 =	sshll.u32 s5, $0x1;
	s5 =	sadd.s32 s21, s3  }
0xa3: {  	[timem:s7], [sflag:s22] =	dma.local [hbm:s5], s20  }
0xa4: {  	_ =	swait.ge [sflag:s22], s20  }
0xa5: {  	s4 =	ssub.s32 $0x0, s20;
	[sflag:s22] =	ssyncset.done $0x0  }
0xa6: {  	[sflag:s22] =	ssyncadd.s32 s4;
	_ =	sdelay $0x1  }
0xa7: {  	s23 =	simm.s32 $0x1B8B  }
0xa8: {  	_ =	swait.ge [sflag:s23], $0x1  }
0xa9: {  	[sflag:s23] =	ssyncset.done $0x0  }
0xaa: {  	s25 =	simm.s32 $0x1B8E;
	s24 =	sld [smem:$0x3FFE];
	[sflag:s23] =	ssyncadd.s32 $0xFFFFFFFF  }
0xab: {  	s26 =	simm.s32 $execute0_lowered;
	[smem:$0x3FD2] =	sst s25  }
0xac: {  	s5 =	sshll.u32 s26, $0x1;
	_ =	strace $0x8000004C;
	[dreg:$0x1] =	wrdreg $0xFFFFFFFF  }
0xad: {  	s28 =	simm.s32 $_size_execute0_lowered;
	s3 =	sadd.s32 s3, s5;
	[dreg:$0x0] =	wrdreg $0x0  }
0xae: {  	s5 =	sshll.u32 s28, $0x1;
	[dreg:$0x2] =	wrdreg s3  }
0xaf: {  	[dreg:$0x3] =	wrdreg s5  }
0xb0: {  	[dreg:$0x4] =	wrdreg $0xC0  }
0xb1: {  	_ =	task [dreg:s7], $0x5FFFF  }
0xb2: {  	[dreg:$0x1] =	wrdreg $0xFFFFFFFF  }
0xb3: {  	[dreg:$0x0] =	wrdreg $0x60  }
0xb4: {  	[dreg:$0x2] =	wrdreg s24  }
0xb5: {  	[dreg:$0x3] =	wrdreg s16  }
0xb6: {  	[dreg:$0x4] =	wrdreg $0x82000  }
0xb7: {  	[dreg:$0x5] =	wrdreg $0x9  }
0xb8: {  	_ =	task.clear_ibuf [dreg:s7], $0x6FFFF;
	_ =	strace $0x9000004C  }
0xb9: {  	s29 =	simm.s32 $0x9;
	_ =	strace $0x8000004E  }
0xba: {  	_ =	swait.ge [sflag:s29], $0x1  }
0xbb: {  	[sflag:s29] =	ssyncadd.s32 $0xFFFFFFFF  }
0xbc: {  	_ =	strace $0x9000004E  }
0xbd: {  	_ =	sfence  }
0xbe: {  	s30 =	sld [smem:$0x0];
	_ =	sdelay $0x2  }
0xbf: {  	s31 =	sshll.u32 s1, $0xD;
	s1 =	sshrl.u32 s1, $0x2  }
0xc0: {  	s3 =	sand.u32 $0x4000, s31;
	s1 =	sadd.s32 s1, s30  }
0xc1: {  	s0 =	sor.u32 s3, s0;
	s1 =	sshll.u32 s1, $0x11  }
0xc2: {  	s0 =	sor.u32 s1, s0  }
0xc3: {  	s0 =	sadd.s32 $0x8F2B, s0  }
0xc4: {  	[sflag:s0] =	ssyncadd.remote.s32 $0x1  }
0xc5: {  	_ =	sfence.sel $0xFFFF  }
0xc6: {  	[dreg:$0x0] =	wrdreg $0xFFFFFFFF;
	(pc) =	sbr.abs _section_cstart, $3  }
0xc7: {  	[dreg:$0x1] =	wrdreg $0xFFFFFFFF  }
0xc8: {  	_ =	task.clear_ibuf [dreg:s7], $0x2FFFF;
	_ =	strace $0x9FFFFFFF  }
0xc9: {  	(tm) =	ssettm $0x7FFFFFFF  }
tec
execute0_lowered:
.L_overlay_start_1:
0x0: {  	(tag) =	ssettag $0x1  }
0x1: {  	s6 =	rddreg [dreg:$0x0]  }
0x2: {  	s1 =	rddreg [dreg:$0x1]  }
0x3: {  	s2 =	rddreg [dreg:$0x2]  }
0x4: {  	s3 =	simm.s32 $0x0;
	s4 =	srdreg.scid;
	s0 =	stileid.u32  }
0x5: {  	s18 =	simm.s32 $0x2;
	s28 =	simm.s32 $0x4200;
	s29 =	simm.s32 $0x1  }
0x6: {  	s30 =	simm.s32 $0x0;
	[smem:$0x7FF] =	sst s3;
	s7 =	sand.u32 $0x1, s4  }
0x7: {  	s5 =	sadd.s32 $0x63600, s6;
	s11 =	sadd.s32 $0x59800, s6;
	s9 =	smul.u32 $0x2800, s0  }
0x8: {  	s12 =	sadd.s32 $0x4800, s6;
	s13 =	smul.u32 $0x50000, s0;
	s21 =	sshll.u32 s0, $0x6  }
0x9: {  	s22 =	sor.u32 $0x10, s0;
	s23 =	sshll.u32 s0, $0x4;
	s25 =	sor.u32 $0x4E0, s0  }
0xa: {  	p0 =	sgt.u32 s0, $0x1;
	s8 =	smul.u32 $0x28000, s7;
	s10 =	ssub.s32 $0x2, s7  }
0xb: {  	_ =	strace $0x8000004D;
	s14 =	smul.u32 $0x4E2, s7;
	s19 =	sshrl.u32 s10, $0x1  }
0xc: {  	s20 =	sshrl.u32 s13, $0x2;
	s13 =	sshll.u32 s25, $0x4;
	s8 =	sadd.s32 s9, s8  }
0xd: {  	s16 =	ssub.s32 s10, s19;
	s17 =	sadd.s32 s20, s2;
	s7 =	sadd.s32 s0, s14  }
0xe: {  	s24 =	sadd.s32 s22, s14;
	s10 =	sshll.u32 s22, $0x4;
	s14 =	sadd.s32 s25, s14  }
0xf: {  	s25 =	simm.s32 $0x200;
	s15 =	sadd.s32 s8, s6;
	s6 =	sor.u32 $0x1C02, s21  }
0x10: {  	s7 =	sshll.u32 s7, $0x4;
	s8 =	sadd.s32 s12, s23;
	s9 =	sshll.u32 s24, $0x4  }
0x11: {  	s31 =	sadd.s32 s12, s10;
	s14 =	sshll.u32 s14, $0x4;
	s12 =	sadd.s32 s12, s13  }
0x12: {  	s19 =	sadd.s32 $0x4000, s17;
	s20 =	sadd.s32 $0x8000, s17;
	s21 =	sadd.s32 $0xC000, s17  }
0x13: {  	s22 =	sadd.s32 $0x10000, s17;
	s17 =	sshrl.u32 s17, $0x3;
	s23 =	simm.s32 $0x100  }
0x14: {  	s24 =	simm.s32 $0x80;
	s7 =	sadd.s32 s11, s7;
	s26 =	sadd.s32 s11, s9  }
0x15: {  	[dreg:$0x5] =	wrdreg s31;
	s11 =	sadd.s32 s11, s14;
	s13 =	sadd.s32 $0x9800, s15  }
0x16: {  	s14 =	smax.u32 s16, $0x1;
	s19 =	sshrl.u32 s19, $0x3;
	s20 =	sshrl.u32 s20, $0x3  }
0x17: {  	s21 =	sshrl.u32 s21, $0x3;
	s22 =	sshrl.u32 s22, $0x3;
	[dreg:$0x4] =	wrdreg s26  }
0x18: {  	s15 =	sadd.s32 $0x300, s7;
	s16 =	sadd.s32 $0x200, s7;
	s26 =	simm.s32 $0x180  }
.LBB2_1:
0x19: {  	[spmem:s17], [sflag:s6] =	dma.local [hbm:s1], $0x800  }
0x1a: {  	_ =	swait.ge [sflag:s18], $0x800  }
0x1b: {  	[sflag:s18] =	ssyncset.done $0x0  }
0x1c: {  	[sflag:s18] =	ssyncadd.s32 $0xFFFFF800  }
0x1d: {  	[spmem:s19], [sflag:s6] =	dma.local [hbm:s1], $0x800  }
0x1e: {  	_ =	swait.ge [sflag:s18], $0x800  }
0x1f: {  	[sflag:s18] =	ssyncset.done $0x0  }
0x20: {  	[sflag:s18] =	ssyncadd.s32 $0xFFFFF800  }
0x21: {  	[spmem:s20], [sflag:s6] =	dma.local [hbm:s1], $0x800  }
0x22: {  	_ =	swait.ge [sflag:s18], $0x800  }
0x23: {  	[sflag:s18] =	ssyncset.done $0x0  }
0x24: {  	[sflag:s18] =	ssyncadd.s32 $0xFFFFF800  }
0x25: {  	[spmem:s21], [sflag:s6] =	dma.local [hbm:s1], $0x800  }
0x26: {  	_ =	swait.ge [sflag:s18], $0x800  }
0x27: {  	[sflag:s18] =	ssyncset.done $0x0  }
0x28: {  	[sflag:s18] =	ssyncadd.s32 $0xFFFFF800  }
0x29: {  	[spmem:s22], [sflag:s6] =	dma.local [hbm:s1], $0x800  }
0x2a: {  	_ =	swait.ge [sflag:s18], $0x800  }
0x2b: {  	[sflag:s18] =	ssyncset.done $0x0  }
0x2c: {  	[sflag:s18] =	ssyncadd.s32 $0xFFFFF800  }
0x2d: {  	[bflag:$0x0] =	sbarrier.arrive $0xFFFF  }
0x2e: {  	[tilespmem:s3], [sflag:$0x2] =	stream.linear.gather [hbm4b:s7+s3], $0x80, $0x38;
	[tilespmem:$0x1C200] =	vst v63  }
0x2f: {  	_ =	swait.ge [sflag:s18], $0x80  }
0x30: {  	[sflag:s18] =	ssyncset.done $0x0  }
0x31: {  	[sflag:s18] =	ssyncadd.s32 $0xFFFFFF80  }
0x32: {  	[tilespmem:s23], [sflag:$0x2] =	stream.linear.gather [hbm4b:s8+s3], $0x80, $0x38;
	[tilespmem:$0x1C200] =	vst v63  }
0x33: {  	_ =	swait.ge [sflag:s18], $0x80  }
0x34: {  	[sflag:s18] =	ssyncset.done $0x0  }
0x35: {  	[sflag:s18] =	ssyncadd.s32 $0xFFFFFF80  }
0x36: {  	[tilespmem:s25], [sflag:$0x1] =	stream.indirect.gather [hbm4b:s5+s24], $0x80, s3, s24, $0xb8;
	[tilespmem:$0x1C200] =	vst v63  }
0x37: {  	s0 =	rddreg [dreg:$0x4]  }
0x38: {  	[tilespmem:s24], [sflag:$0x2] =	stream.linear.gather [hbm4b:s0+s3], $0x80, $0x38;
	[tilespmem:$0x1C200] =	vst v63  }
0x39: {  	_ =	swait.ge [sflag:s18], $0x80  }
0x3a: {  	[sflag:s18] =	ssyncset.done $0x0  }
0x3b: {  	s10 =	rddreg [dreg:$0x5];
	[sflag:s18] =	ssyncadd.s32 $0xFFFFFF80  }
0x3c: {  	[tilespmem:s26], [sflag:$0x2] =	stream.linear.gather [hbm4b:s10+s3], $0x80, $0x38;
	[tilespmem:$0x1C200] =	vst v63  }
0x3d: {  	_ =	swait.ge [sflag:s18], $0x80  }
0x3e: {  	[sflag:s18] =	ssyncset.done $0x0  }
0x3f: {  	[sflag:s18] =	ssyncadd.s32 $0xFFFFFF80  }
0x40: {  	[tilespmem:s28], [sflag:$0x1] =	stream.indirect.gather [hbm4b:s5+s24], $0x80, s24, s24, $0xb8;
	[tilespmem:$0x1C200] =	vst v63  }
0x41: {  	_ =	swait.ge [sflag:s29], $0x4000  }
0x42: {  	[sflag:s29] =	ssyncset.done $0x0  }
0x43: {  	[sflag:s29] =	ssyncadd.s32 $0xFFFFC000  }
0x44: {  	[spmem:s2] =	stream.indirect.scatter.add.f32 [tilespmem:s25], [sflag:$0x2], $0x80, s23, s24, $0xb8;
	[tilespmem:$0x1C200] =	vst v63  }
0x45: {  	_ =	swait.ge [sflag:s18], $0x4000  }
0x46: {  	[sflag:s18] =	ssyncset.done $0x0  }
0x47: {  	s31 =	sadd.s32 $0x0, s16;
	[sflag:s18] =	ssyncadd.s32 $0xFFFFC000  }
0x48: {  	[tilespmem:s3], [sflag:$0x2] =	stream.linear.gather [hbm4b:s31+s3], $0x80, $0x38;
	[tilespmem:$0x1C200] =	vst v63  }
0x49: {  	_ =	swait.ge [sflag:s18], $0x80  }
0x4a: {  	s31 =	sadd.s32 $0x0, s8;
	[sflag:s18] =	ssyncset.done $0x0  }
0x4b: {  	s4 =	sadd.s32 $0x200, s31;
	[sflag:s18] =	ssyncadd.s32 $0xFFFFFF80  }
0x4c: {  	[tilespmem:s23], [sflag:$0x2] =	stream.linear.gather [hbm4b:s4+s3], $0x80, $0x38;
	[tilespmem:$0x1C200] =	vst v63  }
0x4d: {  	_ =	swait.ge [sflag:s18], $0x80  }
0x4e: {  	[sflag:s18] =	ssyncset.done $0x0  }
0x4f: {  	[sflag:s18] =	ssyncadd.s32 $0xFFFFFF80  }
0x50: {  	[tilespmem:s25], [sflag:$0x1] =	stream.indirect.gather [hbm4b:s5+s24], $0x80, s3, s24, $0xb8;
	[tilespmem:$0x1C200] =	vst v63  }
0x51: {  	_ =	swait.ge [sflag:s29], $0x4000  }
0x52: {  	[sflag:s29] =	ssyncset.done $0x0  }
0x53: {  	[sflag:s29] =	ssyncadd.s32 $0xFFFFC000  }
0x54: {  	[spmem:s2] =	stream.indirect.scatter.add.f32 [tilespmem:s28], [sflag:$0x2], $0x80, s26, s24, $0xb8;
	[tilespmem:$0x1C200] =	vst v63  }
0x55: {  	_ =	swait.ge [sflag:s18], $0x4000  }
0x56: {  	[sflag:s18] =	ssyncset.done $0x0  }
0x57: {  	s9 =	sadd.s32 $0x0, s15;
	[sflag:s18] =	ssyncadd.s32 $0xFFFFC000  }
0x58: {  	[tilespmem:s24], [sflag:$0x2] =	stream.linear.gather [hbm4b:s9+s3], $0x80, $0x38;
	[tilespmem:$0x1C200] =	vst v63  }
0x59: {  	_ =	swait.ge [sflag:s18], $0x80  }
0x5a: {  	[sflag:s18] =	ssyncset.done $0x0  }
0x5b: {  	s10 =	sadd.s32 $0x300, s31;
	[sflag:s18] =	ssyncadd.s32 $0xFFFFFF80  }
0x5c: {  	[tilespmem:s26], [sflag:$0x2] =	stream.linear.gather [hbm4b:s10+s3], $0x80, $0x38;
	[tilespmem:$0x1C200] =	vst v63  }
0x5d: {  	_ =	swait.ge [sflag:s18], $0x80  }
0x5e: {  	[sflag:s18] =	ssyncset.done $0x0  }
0x5f: {  	s31 =	simm.s32 $0x200;
	[sflag:s18] =	ssyncadd.s32 $0xFFFFFF80  }
.LBB2_2:
0x60: {  	[tilespmem:s28], [sflag:$0x1] =	stream.indirect.gather [hbm4b:s5+s24], $0x80, s24, s24, $0xb8;
	[tilespmem:$0x1C200] =	vst v63  }
0x61: {  	s0 =	smov.u32 s31  }
0x62: {  	p1 =	sne.s32 s31, $0x4A00;
	s31 =	sadd.s32 $0x200, s31;
	_ =	swait.ge [sflag:s29], $0x4000  }
0x63: {  	[sflag:s29] =	ssyncset.done $0x0  }
0x64: {  	[sflag:s29] =	ssyncadd.s32 $0xFFFFC000  }
0x65: {  	[spmem:s2] =	stream.indirect.scatter.add.f32 [tilespmem:s25], [sflag:$0x2], $0x80, s23, s24, $0xb8;
	[tilespmem:$0x1C200] =	vst v63  }
0x66: {  	_ =	swait.ge [sflag:s18], $0x4000  }
0x67: {  	[sflag:s18] =	ssyncset.done $0x0  }
0x68: {  	s4 =	sadd.s32 s0, s16;
	[sflag:s18] =	ssyncadd.s32 $0xFFFFC000  }
0x69: {  	[tilespmem:s3], [sflag:$0x2] =	stream.linear.gather [hbm4b:s4+s3], $0x80, $0x38;
	[tilespmem:$0x1C200] =	vst v63  }
0x6a: {  	_ =	swait.ge [sflag:s18], $0x80  }
0x6b: {  	s4 =	sadd.s32 s0, s8;
	[sflag:s18] =	ssyncset.done $0x0  }
0x6c: {  	s9 =	sadd.s32 $0x200, s4;
	[sflag:s18] =	ssyncadd.s32 $0xFFFFFF80  }
0x6d: {  	[tilespmem:s23], [sflag:$0x2] =	stream.linear.gather [hbm4b:s9+s3], $0x80, $0x38;
	[tilespmem:$0x1C200] =	vst v63  }
0x6e: {  	_ =	swait.ge [sflag:s18], $0x80  }
0x6f: {  	[sflag:s18] =	ssyncset.done $0x0  }
0x70: {  	[sflag:s18] =	ssyncadd.s32 $0xFFFFFF80  }
0x71: {  	[tilespmem:s25], [sflag:$0x1] =	stream.indirect.gather [hbm4b:s5+s24], $0x80, s3, s24, $0xb8;
	[tilespmem:$0x1C200] =	vst v63  }
0x72: {  	_ =	swait.ge [sflag:s29], $0x4000  }
0x73: {  	[sflag:s29] =	ssyncset.done $0x0  }
0x74: {  	[sflag:s29] =	ssyncadd.s32 $0xFFFFC000  }
0x75: {  	[spmem:s2] =	stream.indirect.scatter.add.f32 [tilespmem:s28], [sflag:$0x2], $0x80, s26, s24, $0xb8;
	[tilespmem:$0x1C200] =	vst v63  }
0x76: {  	_ =	swait.ge [sflag:s18], $0x4000  }
0x77: {  	[sflag:s18] =	ssyncset.done $0x0  }
0x78: {  	s0 =	sadd.s32 s0, s15;
	[sflag:s18] =	ssyncadd.s32 $0xFFFFC000  }
0x79: {  	[tilespmem:s24], [sflag:$0x2] =	stream.linear.gather [hbm4b:s0+s3], $0x80, $0x38;
	[tilespmem:$0x1C200] =	vst v63  }
0x7a: {  	_ =	swait.ge [sflag:s18], $0x80  }
0x7b: {  	[sflag:s18] =	ssyncset.done $0x0  }
.Ltmp0:
0x7c: {  	s0 =	sadd.s32 $0x300, s4;
	[sflag:s18] =	ssyncadd.s32 $0xFFFFFF80;
	(pc) =	sbr.rel @p1 .LBB2_2-.Ltmp0, $4  }
0x7d: {  	[tilespmem:s26], [sflag:$0x2] =	stream.linear.gather [hbm4b:s0+s3], $0x80, $0x38;
	[tilespmem:$0x1C200] =	vst v63  }
0x7e: {  	_ =	swait.ge [sflag:s18], $0x80  }
0x7f: {  	[sflag:s18] =	ssyncset.done $0x0  }
0x80: {  	[sflag:s18] =	ssyncadd.s32 $0xFFFFFF80  }
0x81: {  	[tilespmem:s28], [sflag:$0x1] =	stream.indirect.gather [hbm4b:s5+s24], $0x80, s24, s24, $0xb8;
	[tilespmem:$0x1C200] =	vst v63  }
0x82: {  	_ =	swait.ge [sflag:s29], $0x4000  }
0x83: {  	[sflag:s29] =	ssyncset.done $0x0  }
0x84: {  	[sflag:s29] =	ssyncadd.s32 $0xFFFFC000  }
0x85: {  	[spmem:s2] =	stream.indirect.scatter.add.f32 [tilespmem:s25], [sflag:$0x2], $0x80, s23, s24, $0xb8;
	[tilespmem:$0x1C200] =	vst v63  }
0x86: {  	_ =	swait.ge [sflag:s18], $0x4000  }
0x87: {  	[sflag:s18] =	ssyncset.done $0x0  }
0x88: {  	[sflag:s18] =	ssyncadd.s32 $0xFFFFC000  }
0x89: {  	_ =	swait.ge [sflag:s29], $0x4000  }
0x8a: {  	[sflag:s29] =	ssyncset.done $0x0  }
0x8b: {  	[sflag:s29] =	ssyncadd.s32 $0xFFFFC000  }
0x8c: {  	[spmem:s2] =	stream.indirect.scatter.add.f32 [tilespmem:s28], [sflag:$0x2], $0x80, s26, s24, $0xb8;
	[tilespmem:$0x1C200] =	vst v63  }
0x8d: {  	_ =	swait.ge [sflag:s18], $0x4000  }
0x8e: {  	[sflag:s18] =	ssyncset.done $0x0  }
0x8f: {  	s0 =	simm.s32 @!p0 $0x0;
	s4 =	simm.s32 @!p0 $0x2;
	[sflag:s18] =	ssyncadd.s32 $0xFFFFC000  }
0x90: {  	[tilespmem:s0], [sflag:$0x2] =	stream.linear.gather @!p0 [hbm4b:s11+s0], $0x80, $0x38;
	[tilespmem:$0x1C200] =	vst v63  }
0x91: {  	_ =	swait.ge @!p0 [sflag:s4], $0x80  }
0x92: {  	[sflag:s4] =	ssyncset.done @!p0 $0x0  }
0x93: {  	s9 =	simm.s32 @!p0 $0x100;
	[sflag:s4] =	ssyncadd.s32 @!p0 $0xFFFFFF80  }
0x94: {  	[tilespmem:s9], [sflag:$0x2] =	stream.linear.gather @!p0 [hbm4b:s12+s0], $0x80, $0x38;
	[tilespmem:$0x1C200] =	vst v63  }
0x95: {  	_ =	swait.ge @!p0 [sflag:s4], $0x80  }
0x96: {  	[sflag:s4] =	ssyncset.done @!p0 $0x0  }
0x97: {  	s31 =	simm.s32 @!p0 $0x80;
	s10 =	simm.s32 @!p0 $0x200;
	[sflag:s4] =	ssyncadd.s32 @!p0 $0xFFFFFF80  }
0x98: {  	[tilespmem:s10], [sflag:$0x2] =	stream.indirect.gather @!p0 [hbm4b:s5+s31], $0x80, s0, s31, $0xb8;
	[tilespmem:$0x1C200] =	vst v63  }
0x99: {  	_ =	swait.ge @!p0 [sflag:s4], $0x4000  }
0x9a: {  	[sflag:s4] =	ssyncset.done @!p0 $0x0  }
0x9b: {  	[sflag:s4] =	ssyncadd.s32 @!p0 $0xFFFFC000  }
0x9c: {  	[spmem:s2] =	stream.indirect.scatter.add.f32 @!p0 [tilespmem:s10], [sflag:$0x2], $0x80, s9, s31, $0xb8;
	[tilespmem:$0x1C200] =	vst v63  }
0x9d: {  	_ =	swait.ge @!p0 [sflag:s4], $0x4000  }
0x9e: {  	s30 =	sadd.s32 $0x1, s30;
	[sflag:s4] =	ssyncset.done @!p0 $0x0  }
0x9f: {  	p1 =	sne.s32 s30, s14;
	[sflag:s4] =	ssyncadd.s32 @!p0 $0xFFFFC000  }
.Ltmp1:
0xa0: {  	[bflag:$0x0] =	sbarrier.arrive $0xFFFF;
	(pc) =	sbr.rel @p1 .LBB2_1-.Ltmp1, $4  }
0xa1: {  	[hbm:s13], [sflag:s6] =	dma.local [spmem:s17], $0x2800  }
0xa2: {  	_ =	swait.ge [sflag:s18], $0x2800  }
0xa3: {  	[sflag:s18] =	ssyncset.done $0x0  }
0xa4: {  	[sflag:s18] =	ssyncadd.s32 $0xFFFFD800  }
0xa5: {  	_ =	sfence.sel $0x180000  }
0xa6: {  	[bflag:$0x0] =	sbarrier.arrive $0xFFFF  }
0xa7: {  	_ =	strace $0x9000004D  }
0xa8: {  	s0 =	stileid.u32;
	[bflag:$0x2] =	sbarrier.arrive $0xFFFF  }
0xa9: {  	p0 =	sne.s32 s0, $0x0;
	s0 =	rddreg [dreg:$0x3]  }
0xaa: {  	s0 =	sadd.s32 @!p0 $0x100000, s0  }
0xab: {  	[sflag:s0] =	ssyncadd.tile.s32 @!p0 $0x1;
	_ =	shalt  }
.Lfunc_end2:
_tile_overlayer_lowered:
.L_overlay_start_2:
0xac: {  	(tag) =	ssettag $0x2  }
0xad: {  	s0 =	rddreg [dreg:$0x0];
	s2 =	stileid.u32  }
0xae: {  	s1 =	rddreg [dreg:$0x1];
	p0 =	sne.s32 s2, $0x0  }
0xaf: {  	s3 =	rddreg [dreg:$0x2];
	[bflag:$0x3] =	sbarrier.arrive $0xFFFF;
	s2 =	simm.s32 @!p0 $0x1C02  }
0xb0: {  	[timem:s3], [sflag:s2] =	dma.local @!p0 [hbm:s0], s1  }
0xb1: {  	s0 =	simm.s32 @!p0 $0x2  }
0xb2: {  	_ =	swait.ge @!p0 [sflag:s0], s1  }
0xb3: {  	s1 =	ssub.s32 @!p0 $0x0, s1;
	[sflag:s0] =	ssyncset.done @!p0 $0x0  }
0xb4: {  	[sflag:s0] =	ssyncadd.s32 @!p0 s1  }
0xb5: {  	[bflag:$0x3] =	sbarrier.arrive $0xFFFF  }
0xb6: {  	_ =	shalt  }

// kernel: kernel.20.cloned.1.call-start
scs
__scs_entry_jumppad:
0x0: {  	(pc) =	sbr.rel $0x88, $3  }
0x1: {  	(tag) =	ssettag $0x0;
	lr =	simm.s32 $0x1  }
0x2: {  	[smem:$0x3F8A] =	sst lr;
	_ =	strace $0xD0000000  }
0x3: {  	_ = 	snop  }
0x4: {  	_ = 	snop  }
0x5: {  	_ = 	snop  }
0x6: {  	_ = 	snop  }
0x7: {  	_ = 	snop  }
__scs_overlays_trampoline_lowered:
0x8: {  	[smem:$0x3F99] =	sst s0  }
0x9: {  	[smem:$0x3F9A] =	sst s1  }
0xa: {  	[smem:$0x3F9B] =	sst s2  }
0xb: {  	[smem:$0x3F9C] =	sst s3  }
0xc: {  	[smem:$0x3F9D] =	sst s4  }
0xd: {  	[smem:$0x3F9E] =	sst s5  }
0xe: {  	[smem:$0x3F9F] =	sst s6  }
0xf: {  	[smem:$0x3FA0] =	sst s7  }
0x10: {  	[smem:$0x3FA1] =	sst s8  }
0x11: {  	[smem:$0x3FA2] =	sst s9;
	s0 =	simm.s32 @!p0 $0x0  }
0x12: {  	s1 =	sld [smem:$0x3F88];
	s0 =	simm.s32 @p0 $0x1  }
0x13: {  	[smem:$0x3FA3] =	sst s0;
	s0 =	simm.s32 @!p1 $0x0  }
0x14: {  	s2 =	sld [smem:$0x3F87];
	s0 =	simm.s32 @p1 $0x1  }
0x15: {  	[smem:$0x3FA4] =	sst s0;
	s0 =	simm.s32 @!p2 $0x0  }
0x16: {  	s3 =	sld [smem:$0x3FDB];
	s0 =	simm.s32 @p2 $0x1  }
0x17: {  	s4 =	simm.s32 $0x1BF5;
	[smem:$0x3FA6] =	sst s0  }
0x18: {  	s0 =	sld [smem:$0x3F89];
	_ =	swait.ge [sflag:s4], $0x0  }
0x19: {  	s7 =	sld [smem:$0x3F8A]  }
0x1a: {  	s8 =	sadd.s32 $0xFFFFE003, lr  }
0x1b: {  	s9 =	sadd.s32 $0xFFFFFEF7, lr;
	s5 =	simm.s32 $0xFFFFFFFF;
	p2 =	slt.u32 s8, $0xFFFFF086  }
0x1c: {  	p1 =	slt.u32 s9, $0xF7A;
	s5 =	simm.s32 @!p2 $0x0  }
0x1d: {  	s5 =	simm.s32 @p1 $0x1;
	p0 =	seq.s32 s7, s2  }
0x1e: {  	s7 =	smul.u32 @!p0 $0xF7A, s2;
	p2 =	seq.s32 @!p0 s5, $0x0  }
0x1f: {  	s9 =	smul.u32 $0xF7A, s1;
	s8 =	simm.s32 @!p0 $0x1BF5;
	p2 =	por !p2, p0  }
0x20: {  	[sflag:s8] =	ssyncset.s32 @!p0 $0xFFFFF086;
	s6 =	sadd.s32 @!p0 s3, s7;
	s7 =	simm.s32 @!p0 $0x108  }
0x21: {  	s3 =	sadd.s32 s3, s9;
	s6 =	sadd.s32 @!p0 $0x88, s6;
	s7 =	simm.s32 @p2 $0x1082  }
0x22: {  	[simem:s7], [sflag:s8] =	dma.local @!p0 [hbm:s6], $0xF7A  }
0x23: {  	s9 =	sor.u32 $0xD0000000, s2;
	s6 =	simm.s32 $0x108;
	_ =	swait.ge @!p0 [sflag:s8], $0x0  }
0x24: {  	s3 =	sadd.s32 $0x88, s3;
	s6 =	simm.s32 @!p1 $0x1082;
	[sflag:s4] =	ssyncset.s32 $0xFFFFF086  }
0x25: {  	[simem:s6], [sflag:s4] =	dma.local [hbm:s3], $0xF7A  }
0x26: {  	[smem:$0x3F8A] =	sst s1;
	(tag) =	ssettag s2;
	_ =	strace s9  }
0x27: {  	s1 =	sld [smem:$0x3F9A]  }
0x28: {  	s2 =	sld [smem:$0x3F9B]  }
0x29: {  	s4 =	sld [smem:$0x3F9D]  }
0x2a: {  	p0 =	seq.s32 s5, $0x0;
	s5 =	sld [smem:$0x3F9E]  }
0x2b: {  	s6 =	sld [smem:$0x3F9F]  }
0x2c: {  	s7 =	sld [smem:$0x3FA0]  }
0x2d: {  	s3 =	simm.s32 $0x108;
	s8 =	sld [smem:$0x3FA1]  }
0x2e: {  	s3 =	simm.s32 @!p0 $0x1082;
	s9 =	sld [smem:$0x3FA2]  }
0x2f: {  	lr =	sadd.s32 s0, s3;
	s0 =	sld [smem:$0x3F99]  }
0x30: {  	s3 =	sld [smem:$0x3F9C]  }
0x31: {  	[smem:$0x3FA5] =	sst s10  }
0x32: {  	s10 =	sld [smem:$0x3FA3];
	_ =	sdelay $0x3  }
0x33: {  	p0 =	seq.s32 s10, $0x1;
	s10 =	sld [smem:$0x3FA5];
	_ =	sdelay $0x3  }
0x34: {  	[smem:$0x3FA5] =	sst s10  }
0x35: {  	s10 =	sld [smem:$0x3FA4];
	_ =	sdelay $0x3  }
0x36: {  	p1 =	seq.s32 s10, $0x1;
	s10 =	sld [smem:$0x3FA5];
	_ =	sdelay $0x3  }
0x37: {  	[smem:$0x3FA5] =	sst s10  }
0x38: {  	s10 =	sld [smem:$0x3FA6]  }
0x39: {  	_ = 	snop;
	(pc) =	sbr.ind lr, $3  }
0x3a: {  	_ = 	snop  }
0x3b: {  	_ = 	snop  }
0x3c: {  	p2 =	seq.s32 s10, $0x1;
	s10 =	sld [smem:$0x3FA5]  }
0x3d: {  	_ =	shalt  }
0x3e: {  	_ =	shalt  }
0x3f: {  	_ =	shalt  }
0x40: {  	_ =	shalt  }
0x41: {  	_ =	shalt  }
0x42: {  	_ =	shalt  }
0x43: {  	_ =	shalt  }
0x44: {  	_ =	shalt  }
0x45: {  	_ =	shalt  }
0x46: {  	_ =	shalt  }
0x47: {  	_ =	shalt  }
0x48: {  	_ =	shalt  }
0x49: {  	_ =	shalt  }
0x4a: {  	_ =	shalt  }
0x4b: {  	_ =	shalt  }
0x4c: {  	_ =	shalt  }
0x4d: {  	_ =	shalt  }
0x4e: {  	_ =	shalt  }
0x4f: {  	_ =	shalt  }
0x50: {  	_ =	shalt  }
0x51: {  	_ =	shalt  }
0x52: {  	_ =	shalt  }
0x53: {  	_ =	shalt  }
0x54: {  	_ =	shalt  }
0x55: {  	_ =	shalt  }
0x56: {  	_ =	shalt  }
0x57: {  	_ =	shalt  }
0x58: {  	_ =	shalt  }
0x59: {  	_ =	shalt  }
0x5a: {  	_ =	shalt  }
0x5b: {  	_ =	shalt  }
0x5c: {  	_ =	shalt  }
0x5d: {  	_ =	shalt  }
0x5e: {  	_ =	shalt  }
0x5f: {  	_ =	shalt  }
0x60: {  	_ =	shalt  }
0x61: {  	_ =	shalt  }
0x62: {  	_ =	shalt  }
0x63: {  	_ =	shalt  }
0x64: {  	_ =	shalt  }
0x65: {  	_ =	shalt  }
0x66: {  	_ =	shalt  }
0x67: {  	_ =	shalt  }
0x68: {  	_ =	shalt  }
0x69: {  	_ =	shalt  }
0x6a: {  	_ =	shalt  }
0x6b: {  	_ =	shalt  }
0x6c: {  	_ =	shalt  }
0x6d: {  	_ =	shalt  }
0x6e: {  	_ =	shalt  }
0x6f: {  	_ =	shalt  }
0x70: {  	_ =	shalt  }
0x71: {  	_ =	shalt  }
0x72: {  	_ =	shalt  }
0x73: {  	_ =	shalt  }
0x74: {  	_ =	shalt  }
0x75: {  	_ =	shalt  }
0x76: {  	_ =	shalt  }
0x77: {  	_ =	shalt  }
0x78: {  	_ =	shalt  }
0x79: {  	_ =	shalt  }
0x7a: {  	_ =	shalt  }
0x7b: {  	_ =	shalt  }
0x7c: {  	_ =	shalt  }
0x7d: {  	_ =	shalt  }
0x7e: {  	_ =	shalt  }
0x7f: {  	_ =	shalt  }
0x80: {  	_ =	shalt  }
0x81: {  	_ =	shalt  }
0x82: {  	_ =	shalt  }
0x83: {  	_ =	shalt  }
0x84: {  	_ =	shalt  }
0x85: {  	_ =	shalt  }
0x86: {  	_ =	shalt  }
0x87: {  	_ =	shalt  }
.Lfunc_end0:
.L_simem_size_0:
called_computation.3_lowered:
.L_overlay_start_0:
0x88: {  	s2 =	sld [smem:$0x3FD9]  }
0x89: {  	s3 =	sld [smem:$0x3FFE];
	_ =	sdelay $0x1  }
0x8a: {  	s1 =	srdreg.scid  }
0x8b: {  	s0 =	sand.u32 $0x1, s1  }
0x8c: {  	s14 =	sshll.u32 s0, $0xA;
	s2 =	sadd.s32 s3, s2  }
0x8d: {  	s2 =	sadd.s32 s2, s14  }
0x8e: {  	[smem:$0x3FB1] =	sst s2  }
0x8f: {  	_ = 	snop  }
0x90: {  	s2 =	sld [smem:$0x3FD0];
	_ =	sdelay $0x2  }
0x91: {  	s15 =	simm.s32 $0xA;
	s4 =	simm.s32 $0x10  }
0x92: {  	[smem:s4], [sflag:s15] =	dma.local [hbm:s2], $0x1  }
0x93: {  	_ =	swait.eq [sflag:s15], $0x1  }
0x94: {  	[sflag:s15] =	ssyncset.done $0x0  }
0x95: {  	[sflag:s15] =	ssyncadd.s32 $0xFFFFFFFF  }
0x96: {  	s16 =	sld [smem:$0x11];
	(tm) =	ssettm $0x1  }
0x97: {  	s17 =	sld [smem:$0x3FFB];
	_ =	sdelay $0x3  }
0x98: {  	_ =	strace s17  }
0x99: {  	s3 =	sld [smem:$0x3FFC];
	_ =	sdelay $0x3  }
0x9a: {  	_ =	strace s3  }
0x9b: {  	s3 =	sld [smem:$0x3FFD];
	_ =	sdelay $0x3  }
0x9c: {  	_ =	strace s3  }
0x9d: {  	_ =	strace $0x8FFFFFFF  }
0x9e: {  	s18 =	sld [smem:$0x3FDB];
	_ =	sdelay $0x1  }
0x9f: {  	s19 =	simm.s32 $_scs_section_size  }
0xa0: {  	s5 =	simm.s32 $_size__tile_overlayer_lowered;
	s6 =	simm.s32 $_tile_overlayer_lowered  }
0xa1: {  	s22 =	simm.s32 $0x1BFF;
	s21 =	sshll.u32 s6, $0x1;
	s3 =	sadd.s32 s19, s18  }
0xa2: {  	s7 =	simm.s32 $0x0;
	s20 =	sshll.u32 s5, $0x1;
	s5 =	sadd.s32 s21, s3  }
0xa3: {  	[timem:s7], [sflag:s22] =	dma.local [hbm:s5], s20  }
0xa4: {  	_ =	swait.ge [sflag:s22], s20  }
0xa5: {  	s4 =	ssub.s32 $0x0, s20;
	[sflag:s22] =	ssyncset.done $0x0  }
0xa6: {  	[sflag:s22] =	ssyncadd.s32 s4;
	_ =	sdelay $0x1  }
0xa7: {  	s23 =	simm.s32 $0x1B8B  }
0xa8: {  	_ =	swait.ge [sflag:s23], $0x1  }
0xa9: {  	[sflag:s23] =	ssyncset.done $0x0  }
0xaa: {  	s25 =	simm.s32 $0x1B8E;
	s24 =	sld [smem:$0x3FFE];
	[sflag:s23] =	ssyncadd.s32 $0xFFFFFFFF  }
0xab: {  	s26 =	simm.s32 $execute0_lowered;
	[smem:$0x3FD2] =	sst s25  }
0xac: {  	s5 =	sshll.u32 s26, $0x1;
	_ =	strace $0x8000004F;
	[dreg:$0x1] =	wrdreg $0xFFFFFFFF  }
0xad: {  	s28 =	simm.s32 $_size_execute0_lowered;
	s3 =	sadd.s32 s3, s5;
	[dreg:$0x0] =	wrdreg $0x0  }
0xae: {  	s5 =	sshll.u32 s28, $0x1;
	[dreg:$0x2] =	wrdreg s3  }
0xaf: {  	[dreg:$0x3] =	wrdreg s5  }
0xb0: {  	[dreg:$0x4] =	wrdreg $0xC0  }
0xb1: {  	_ =	task [dreg:s7], $0x5FFFF  }
0xb2: {  	[dreg:$0x1] =	wrdreg $0xFFFFFFFF  }
0xb3: {  	[dreg:$0x0] =	wrdreg $0x60  }
0xb4: {  	[dreg:$0x2] =	wrdreg s24  }
0xb5: {  	[dreg:$0x3] =	wrdreg s16  }
0xb6: {  	[dreg:$0x4] =	wrdreg $0x82000  }
0xb7: {  	[dreg:$0x5] =	wrdreg $0x9  }
0xb8: {  	_ =	task.clear_ibuf [dreg:s7], $0x6FFFF;
	_ =	strace $0x9000004F  }
0xb9: {  	s29 =	simm.s32 $0x9;
	_ =	strace $0x80000051  }
0xba: {  	_ =	swait.ge [sflag:s29], $0x1  }
0xbb: {  	[sflag:s29] =	ssyncadd.s32 $0xFFFFFFFF  }
0xbc: {  	_ =	strace $0x90000051  }
0xbd: {  	_ =	sfence  }
0xbe: {  	s30 =	sld [smem:$0x0];
	_ =	sdelay $0x2  }
0xbf: {  	s31 =	sshll.u32 s1, $0xD;
	s1 =	sshrl.u32 s1, $0x2  }
0xc0: {  	s3 =	sand.u32 $0x4000, s31;
	s1 =	sadd.s32 s1, s30  }
0xc1: {  	s0 =	sor.u32 s3, s0;
	s1 =	sshll.u32 s1, $0x11  }
0xc2: {  	s0 =	sor.u32 s1, s0  }
0xc3: {  	s0 =	sadd.s32 $0x8F2B, s0  }
0xc4: {  	[sflag:s0] =	ssyncadd.remote.s32 $0x1  }
0xc5: {  	_ =	sfence.sel $0xFFFF  }
0xc6: {  	[dreg:$0x0] =	wrdreg $0xFFFFFFFF;
	(pc) =	sbr.abs _section_cstart, $3  }
0xc7: {  	[dreg:$0x1] =	wrdreg $0xFFFFFFFF  }
0xc8: {  	_ =	task.clear_ibuf [dreg:s7], $0x2FFFF;
	_ =	strace $0x9FFFFFFF  }
0xc9: {  	(tm) =	ssettm $0x7FFFFFFF  }
tec
execute0_lowered:
.L_overlay_start_1:
0x0: {  	(tag) =	ssettag $0x1  }
0x1: {  	s6 =	rddreg [dreg:$0x0]  }
0x2: {  	s1 =	rddreg [dreg:$0x1]  }
0x3: {  	s2 =	rddreg [dreg:$0x2]  }
0x4: {  	s3 =	simm.s32 $0x0;
	s4 =	srdreg.scid;
	s0 =	stileid.u32  }
0x5: {  	s18 =	simm.s32 $0x2;
	s28 =	simm.s32 $0x4200;
	s29 =	simm.s32 $0x1  }
0x6: {  	s30 =	simm.s32 $0x0;
	[smem:$0x7FF] =	sst s3;
	s7 =	sand.u32 $0x1, s4  }
0x7: {  	s5 =	sadd.s32 $0x9800, s6;
	s11 =	sadd.s32 $0x59800, s6;
	s9 =	smul.u32 $0x2800, s0  }
0x8: {  	s12 =	sadd.s32 $0x4800, s6;
	s13 =	smul.u32 $0x50000, s0;
	s21 =	sshll.u32 s0, $0x6  }
0x9: {  	s22 =	sor.u32 $0x10, s0;
	s23 =	sshll.u32 s0, $0x4;
	s25 =	sor.u32 $0x4E0, s0  }
0xa: {  	p0 =	sgt.u32 s0, $0x1;
	s8 =	smul.u32 $0x28000, s7;
	s10 =	ssub.s32 $0x2, s7  }
0xb: {  	_ =	strace $0x80000050;
	s14 =	smul.u32 $0x4E2, s7;
	s19 =	sshrl.u32 s10, $0x1  }
0xc: {  	s20 =	sshrl.u32 s13, $0x2;
	s13 =	sshll.u32 s25, $0x4;
	s8 =	sadd.s32 s9, s8  }
0xd: {  	s16 =	ssub.s32 s10, s19;
	s17 =	sadd.s32 s20, s2;
	s7 =	sadd.s32 s0, s14  }
0xe: {  	s24 =	sadd.s32 s22, s14;
	s10 =	sshll.u32 s22, $0x4;
	s14 =	sadd.s32 s25, s14  }
0xf: {  	s25 =	simm.s32 $0x200;
	s15 =	sadd.s32 s8, s6;
	s6 =	sor.u32 $0x1C02, s21  }
0x10: {  	s7 =	sshll.u32 s7, $0x4;
	s8 =	sadd.s32 s12, s23;
	s9 =	sshll.u32 s24, $0x4  }
0x11: {  	s31 =	sadd.s32 s12, s10;
	s14 =	sshll.u32 s14, $0x4;
	s12 =	sadd.s32 s12, s13  }
0x12: {  	s19 =	sadd.s32 $0x4000, s17;
	s20 =	sadd.s32 $0x8000, s17;
	s21 =	sadd.s32 $0xC000, s17  }
0x13: {  	s22 =	sadd.s32 $0x10000, s17;
	s17 =	sshrl.u32 s17, $0x3;
	s23 =	simm.s32 $0x100  }
0x14: {  	s24 =	simm.s32 $0x80;
	s7 =	sadd.s32 s11, s7;
	s26 =	sadd.s32 s11, s9  }
0x15: {  	[dreg:$0x5] =	wrdreg s31;
	s11 =	sadd.s32 s11, s14;
	s13 =	sadd.s32 $0x63600, s15  }
0x16: {  	s14 =	smax.u32 s16, $0x1;
	s19 =	sshrl.u32 s19, $0x3;
	s20 =	sshrl.u32 s20, $0x3  }
0x17: {  	s21 =	sshrl.u32 s21, $0x3;
	s22 =	sshrl.u32 s22, $0x3;
	[dreg:$0x4] =	wrdreg s26  }
0x18: {  	s15 =	sadd.s32 $0x300, s7;
	s16 =	sadd.s32 $0x200, s7;
	s26 =	simm.s32 $0x180  }
.LBB2_1:
0x19: {  	[spmem:s17], [sflag:s6] =	dma.local [hbm:s1], $0x800  }
0x1a: {  	_ =	swait.ge [sflag:s18], $0x800  }
0x1b: {  	[sflag:s18] =	ssyncset.done $0x0  }
0x1c: {  	[sflag:s18] =	ssyncadd.s32 $0xFFFFF800  }
0x1d: {  	[spmem:s19], [sflag:s6] =	dma.local [hbm:s1], $0x800  }
0x1e: {  	_ =	swait.ge [sflag:s18], $0x800  }
0x1f: {  	[sflag:s18] =	ssyncset.done $0x0  }
0x20: {  	[sflag:s18] =	ssyncadd.s32 $0xFFFFF800  }
0x21: {  	[spmem:s20], [sflag:s6] =	dma.local [hbm:s1], $0x800  }
0x22: {  	_ =	swait.ge [sflag:s18], $0x800  }
0x23: {  	[sflag:s18] =	ssyncset.done $0x0  }
0x24: {  	[sflag:s18] =	ssyncadd.s32 $0xFFFFF800  }
0x25: {  	[spmem:s21], [sflag:s6] =	dma.local [hbm:s1], $0x800  }
0x26: {  	_ =	swait.ge [sflag:s18], $0x800  }
0x27: {  	[sflag:s18] =	ssyncset.done $0x0  }
0x28: {  	[sflag:s18] =	ssyncadd.s32 $0xFFFFF800  }
0x29: {  	[spmem:s22], [sflag:s6] =	dma.local [hbm:s1], $0x800  }
0x2a: {  	_ =	swait.ge [sflag:s18], $0x800  }
0x2b: {  	[sflag:s18] =	ssyncset.done $0x0  }
0x2c: {  	[sflag:s18] =	ssyncadd.s32 $0xFFFFF800  }
0x2d: {  	[bflag:$0x0] =	sbarrier.arrive $0xFFFF  }
0x2e: {  	[tilespmem:s3], [sflag:$0x2] =	stream.linear.gather [hbm4b:s7+s3], $0x80, $0x38;
	[tilespmem:$0x1C200] =	vst v63  }
0x2f: {  	_ =	swait.ge [sflag:s18], $0x80  }
0x30: {  	[sflag:s18] =	ssyncset.done $0x0  }
0x31: {  	[sflag:s18] =	ssyncadd.s32 $0xFFFFFF80  }
0x32: {  	[tilespmem:s23], [sflag:$0x2] =	stream.linear.gather [hbm4b:s8+s3], $0x80, $0x38;
	[tilespmem:$0x1C200] =	vst v63  }
0x33: {  	_ =	swait.ge [sflag:s18], $0x80  }
0x34: {  	[sflag:s18] =	ssyncset.done $0x0  }
0x35: {  	[sflag:s18] =	ssyncadd.s32 $0xFFFFFF80  }
0x36: {  	[tilespmem:s25], [sflag:$0x1] =	stream.indirect.gather [hbm4b:s5+s24], $0x80, s3, s24, $0xb8;
	[tilespmem:$0x1C200] =	vst v63  }
0x37: {  	s0 =	rddreg [dreg:$0x4]  }
0x38: {  	[tilespmem:s24], [sflag:$0x2] =	stream.linear.gather [hbm4b:s0+s3], $0x80, $0x38;
	[tilespmem:$0x1C200] =	vst v63  }
0x39: {  	_ =	swait.ge [sflag:s18], $0x80  }
0x3a: {  	[sflag:s18] =	ssyncset.done $0x0  }
0x3b: {  	s10 =	rddreg [dreg:$0x5];
	[sflag:s18] =	ssyncadd.s32 $0xFFFFFF80  }
0x3c: {  	[tilespmem:s26], [sflag:$0x2] =	stream.linear.gather [hbm4b:s10+s3], $0x80, $0x38;
	[tilespmem:$0x1C200] =	vst v63  }
0x3d: {  	_ =	swait.ge [sflag:s18], $0x80  }
0x3e: {  	[sflag:s18] =	ssyncset.done $0x0  }
0x3f: {  	[sflag:s18] =	ssyncadd.s32 $0xFFFFFF80  }
0x40: {  	[tilespmem:s28], [sflag:$0x1] =	stream.indirect.gather [hbm4b:s5+s24], $0x80, s24, s24, $0xb8;
	[tilespmem:$0x1C200] =	vst v63  }
0x41: {  	_ =	swait.ge [sflag:s29], $0x4000  }
0x42: {  	[sflag:s29] =	ssyncset.done $0x0  }
0x43: {  	[sflag:s29] =	ssyncadd.s32 $0xFFFFC000  }
0x44: {  	[spmem:s2] =	stream.indirect.scatter.add.f32 [tilespmem:s25], [sflag:$0x2], $0x80, s23, s24, $0xb8;
	[tilespmem:$0x1C200] =	vst v63  }
0x45: {  	_ =	swait.ge [sflag:s18], $0x4000  }
0x46: {  	[sflag:s18] =	ssyncset.done $0x0  }
0x47: {  	s31 =	sadd.s32 $0x0, s16;
	[sflag:s18] =	ssyncadd.s32 $0xFFFFC000  }
0x48: {  	[tilespmem:s3], [sflag:$0x2] =	stream.linear.gather [hbm4b:s31+s3], $0x80, $0x38;
	[tilespmem:$0x1C200] =	vst v63  }
0x49: {  	_ =	swait.ge [sflag:s18], $0x80  }
0x4a: {  	s31 =	sadd.s32 $0x0, s8;
	[sflag:s18] =	ssyncset.done $0x0  }
0x4b: {  	s4 =	sadd.s32 $0x200, s31;
	[sflag:s18] =	ssyncadd.s32 $0xFFFFFF80  }
0x4c: {  	[tilespmem:s23], [sflag:$0x2] =	stream.linear.gather [hbm4b:s4+s3], $0x80, $0x38;
	[tilespmem:$0x1C200] =	vst v63  }
0x4d: {  	_ =	swait.ge [sflag:s18], $0x80  }
0x4e: {  	[sflag:s18] =	ssyncset.done $0x0  }
0x4f: {  	[sflag:s18] =	ssyncadd.s32 $0xFFFFFF80  }
0x50: {  	[tilespmem:s25], [sflag:$0x1] =	stream.indirect.gather [hbm4b:s5+s24], $0x80, s3, s24, $0xb8;
	[tilespmem:$0x1C200] =	vst v63  }
0x51: {  	_ =	swait.ge [sflag:s29], $0x4000  }
0x52: {  	[sflag:s29] =	ssyncset.done $0x0  }
0x53: {  	[sflag:s29] =	ssyncadd.s32 $0xFFFFC000  }
0x54: {  	[spmem:s2] =	stream.indirect.scatter.add.f32 [tilespmem:s28], [sflag:$0x2], $0x80, s26, s24, $0xb8;
	[tilespmem:$0x1C200] =	vst v63  }
0x55: {  	_ =	swait.ge [sflag:s18], $0x4000  }
0x56: {  	[sflag:s18] =	ssyncset.done $0x0  }
0x57: {  	s9 =	sadd.s32 $0x0, s15;
	[sflag:s18] =	ssyncadd.s32 $0xFFFFC000  }
0x58: {  	[tilespmem:s24], [sflag:$0x2] =	stream.linear.gather [hbm4b:s9+s3], $0x80, $0x38;
	[tilespmem:$0x1C200] =	vst v63  }
0x59: {  	_ =	swait.ge [sflag:s18], $0x80  }
0x5a: {  	[sflag:s18] =	ssyncset.done $0x0  }
0x5b: {  	s10 =	sadd.s32 $0x300, s31;
	[sflag:s18] =	ssyncadd.s32 $0xFFFFFF80  }
0x5c: {  	[tilespmem:s26], [sflag:$0x2] =	stream.linear.gather [hbm4b:s10+s3], $0x80, $0x38;
	[tilespmem:$0x1C200] =	vst v63  }
0x5d: {  	_ =	swait.ge [sflag:s18], $0x80  }
0x5e: {  	[sflag:s18] =	ssyncset.done $0x0  }
0x5f: {  	s31 =	simm.s32 $0x200;
	[sflag:s18] =	ssyncadd.s32 $0xFFFFFF80  }
.LBB2_2:
0x60: {  	[tilespmem:s28], [sflag:$0x1] =	stream.indirect.gather [hbm4b:s5+s24], $0x80, s24, s24, $0xb8;
	[tilespmem:$0x1C200] =	vst v63  }
0x61: {  	s0 =	smov.u32 s31  }
0x62: {  	p1 =	sne.s32 s31, $0x4A00;
	s31 =	sadd.s32 $0x200, s31;
	_ =	swait.ge [sflag:s29], $0x4000  }
0x63: {  	[sflag:s29] =	ssyncset.done $0x0  }
0x64: {  	[sflag:s29] =	ssyncadd.s32 $0xFFFFC000  }
0x65: {  	[spmem:s2] =	stream.indirect.scatter.add.f32 [tilespmem:s25], [sflag:$0x2], $0x80, s23, s24, $0xb8;
	[tilespmem:$0x1C200] =	vst v63  }
0x66: {  	_ =	swait.ge [sflag:s18], $0x4000  }
0x67: {  	[sflag:s18] =	ssyncset.done $0x0  }
0x68: {  	s4 =	sadd.s32 s0, s16;
	[sflag:s18] =	ssyncadd.s32 $0xFFFFC000  }
0x69: {  	[tilespmem:s3], [sflag:$0x2] =	stream.linear.gather [hbm4b:s4+s3], $0x80, $0x38;
	[tilespmem:$0x1C200] =	vst v63  }
0x6a: {  	_ =	swait.ge [sflag:s18], $0x80  }
0x6b: {  	s4 =	sadd.s32 s0, s8;
	[sflag:s18] =	ssyncset.done $0x0  }
0x6c: {  	s9 =	sadd.s32 $0x200, s4;
	[sflag:s18] =	ssyncadd.s32 $0xFFFFFF80  }
0x6d: {  	[tilespmem:s23], [sflag:$0x2] =	stream.linear.gather [hbm4b:s9+s3], $0x80, $0x38;
	[tilespmem:$0x1C200] =	vst v63  }
0x6e: {  	_ =	swait.ge [sflag:s18], $0x80  }
0x6f: {  	[sflag:s18] =	ssyncset.done $0x0  }
0x70: {  	[sflag:s18] =	ssyncadd.s32 $0xFFFFFF80  }
0x71: {  	[tilespmem:s25], [sflag:$0x1] =	stream.indirect.gather [hbm4b:s5+s24], $0x80, s3, s24, $0xb8;
	[tilespmem:$0x1C200] =	vst v63  }
0x72: {  	_ =	swait.ge [sflag:s29], $0x4000  }
0x73: {  	[sflag:s29] =	ssyncset.done $0x0  }
0x74: {  	[sflag:s29] =	ssyncadd.s32 $0xFFFFC000  }
0x75: {  	[spmem:s2] =	stream.indirect.scatter.add.f32 [tilespmem:s28], [sflag:$0x2], $0x80, s26, s24, $0xb8;
	[tilespmem:$0x1C200] =	vst v63  }
0x76: {  	_ =	swait.ge [sflag:s18], $0x4000  }
0x77: {  	[sflag:s18] =	ssyncset.done $0x0  }
0x78: {  	s0 =	sadd.s32 s0, s15;
	[sflag:s18] =	ssyncadd.s32 $0xFFFFC000  }
0x79: {  	[tilespmem:s24], [sflag:$0x2] =	stream.linear.gather [hbm4b:s0+s3], $0x80, $0x38;
	[tilespmem:$0x1C200] =	vst v63  }
0x7a: {  	_ =	swait.ge [sflag:s18], $0x80  }
0x7b: {  	[sflag:s18] =	ssyncset.done $0x0  }
.Ltmp0:
0x7c: {  	s0 =	sadd.s32 $0x300, s4;
	[sflag:s18] =	ssyncadd.s32 $0xFFFFFF80;
	(pc) =	sbr.rel @p1 .LBB2_2-.Ltmp0, $4  }
0x7d: {  	[tilespmem:s26], [sflag:$0x2] =	stream.linear.gather [hbm4b:s0+s3], $0x80, $0x38;
	[tilespmem:$0x1C200] =	vst v63  }
0x7e: {  	_ =	swait.ge [sflag:s18], $0x80  }
0x7f: {  	[sflag:s18] =	ssyncset.done $0x0  }
0x80: {  	[sflag:s18] =	ssyncadd.s32 $0xFFFFFF80  }
0x81: {  	[tilespmem:s28], [sflag:$0x1] =	stream.indirect.gather [hbm4b:s5+s24], $0x80, s24, s24, $0xb8;
	[tilespmem:$0x1C200] =	vst v63  }
0x82: {  	_ =	swait.ge [sflag:s29], $0x4000  }
0x83: {  	[sflag:s29] =	ssyncset.done $0x0  }
0x84: {  	[sflag:s29] =	ssyncadd.s32 $0xFFFFC000  }
0x85: {  	[spmem:s2] =	stream.indirect.scatter.add.f32 [tilespmem:s25], [sflag:$0x2], $0x80, s23, s24, $0xb8;
	[tilespmem:$0x1C200] =	vst v63  }
0x86: {  	_ =	swait.ge [sflag:s18], $0x4000  }
0x87: {  	[sflag:s18] =	ssyncset.done $0x0  }
0x88: {  	[sflag:s18] =	ssyncadd.s32 $0xFFFFC000  }
0x89: {  	_ =	swait.ge [sflag:s29], $0x4000  }
0x8a: {  	[sflag:s29] =	ssyncset.done $0x0  }
0x8b: {  	[sflag:s29] =	ssyncadd.s32 $0xFFFFC000  }
0x8c: {  	[spmem:s2] =	stream.indirect.scatter.add.f32 [tilespmem:s28], [sflag:$0x2], $0x80, s26, s24, $0xb8;
	[tilespmem:$0x1C200] =	vst v63  }
0x8d: {  	_ =	swait.ge [sflag:s18], $0x4000  }
0x8e: {  	[sflag:s18] =	ssyncset.done $0x0  }
0x8f: {  	s0 =	simm.s32 @!p0 $0x0;
	s4 =	simm.s32 @!p0 $0x2;
	[sflag:s18] =	ssyncadd.s32 $0xFFFFC000  }
0x90: {  	[tilespmem:s0], [sflag:$0x2] =	stream.linear.gather @!p0 [hbm4b:s11+s0], $0x80, $0x38;
	[tilespmem:$0x1C200] =	vst v63  }
0x91: {  	_ =	swait.ge @!p0 [sflag:s4], $0x80  }
0x92: {  	[sflag:s4] =	ssyncset.done @!p0 $0x0  }
0x93: {  	s9 =	simm.s32 @!p0 $0x100;
	[sflag:s4] =	ssyncadd.s32 @!p0 $0xFFFFFF80  }
0x94: {  	[tilespmem:s9], [sflag:$0x2] =	stream.linear.gather @!p0 [hbm4b:s12+s0], $0x80, $0x38;
	[tilespmem:$0x1C200] =	vst v63  }
0x95: {  	_ =	swait.ge @!p0 [sflag:s4], $0x80  }
0x96: {  	[sflag:s4] =	ssyncset.done @!p0 $0x0  }
0x97: {  	s31 =	simm.s32 @!p0 $0x80;
	s10 =	simm.s32 @!p0 $0x200;
	[sflag:s4] =	ssyncadd.s32 @!p0 $0xFFFFFF80  }
0x98: {  	[tilespmem:s10], [sflag:$0x2] =	stream.indirect.gather @!p0 [hbm4b:s5+s31], $0x80, s0, s31, $0xb8;
	[tilespmem:$0x1C200] =	vst v63  }
0x99: {  	_ =	swait.ge @!p0 [sflag:s4], $0x4000  }
0x9a: {  	[sflag:s4] =	ssyncset.done @!p0 $0x0  }
0x9b: {  	[sflag:s4] =	ssyncadd.s32 @!p0 $0xFFFFC000  }
0x9c: {  	[spmem:s2] =	stream.indirect.scatter.add.f32 @!p0 [tilespmem:s10], [sflag:$0x2], $0x80, s9, s31, $0xb8;
	[tilespmem:$0x1C200] =	vst v63  }
0x9d: {  	_ =	swait.ge @!p0 [sflag:s4], $0x4000  }
0x9e: {  	s30 =	sadd.s32 $0x1, s30;
	[sflag:s4] =	ssyncset.done @!p0 $0x0  }
0x9f: {  	p1 =	sne.s32 s30, s14;
	[sflag:s4] =	ssyncadd.s32 @!p0 $0xFFFFC000  }
.Ltmp1:
0xa0: {  	[bflag:$0x0] =	sbarrier.arrive $0xFFFF;
	(pc) =	sbr.rel @p1 .LBB2_1-.Ltmp1, $4  }
0xa1: {  	[hbm:s13], [sflag:s6] =	dma.local [spmem:s17], $0x2800  }
0xa2: {  	_ =	swait.ge [sflag:s18], $0x2800  }
0xa3: {  	[sflag:s18] =	ssyncset.done $0x0  }
0xa4: {  	[sflag:s18] =	ssyncadd.s32 $0xFFFFD800  }
0xa5: {  	_ =	sfence.sel $0x180000  }
0xa6: {  	[bflag:$0x0] =	sbarrier.arrive $0xFFFF  }
0xa7: {  	_ =	strace $0x90000050  }
0xa8: {  	s0 =	stileid.u32;
	[bflag:$0x2] =	sbarrier.arrive $0xFFFF  }
0xa9: {  	p0 =	sne.s32 s0, $0x0;
	s0 =	rddreg [dreg:$0x3]  }
0xaa: {  	s0 =	sadd.s32 @!p0 $0x100000, s0  }
0xab: {  	[sflag:s0] =	ssyncadd.tile.s32 @!p0 $0x1;
	_ =	shalt  }
.Lfunc_end2:
_tile_overlayer_lowered:
.L_overlay_start_2:
0xac: {  	(tag) =	ssettag $0x2  }
0xad: {  	s0 =	rddreg [dreg:$0x0];
	s2 =	stileid.u32  }
0xae: {  	s1 =	rddreg [dreg:$0x1];
	p0 =	sne.s32 s2, $0x0  }
0xaf: {  	s3 =	rddreg [dreg:$0x2];
	[bflag:$0x3] =	sbarrier.arrive $0xFFFF;
	s2 =	simm.s32 @!p0 $0x1C02  }
0xb0: {  	[timem:s3], [sflag:s2] =	dma.local @!p0 [hbm:s0], s1  }
0xb1: {  	s0 =	simm.s32 @!p0 $0x2  }
0xb2: {  	_ =	swait.ge @!p0 [sflag:s0], s1  }
0xb3: {  	s1 =	ssub.s32 @!p0 $0x0, s1;
	[sflag:s0] =	ssyncset.done @!p0 $0x0  }
0xb4: {  	[sflag:s0] =	ssyncadd.s32 @!p0 s1  }
0xb5: {  	[bflag:$0x3] =	sbarrier.arrive $0xFFFF  }
0xb6: {  	_ =	shalt  }

</sc_bundles>
